<compile_context>
chip_gen: v7x
topology: tpu7x:2x2x1
jax: 0.10.2.dev20260603
libtpu: 0.0.44.dev20260713+nightly
codegen_flags: <defaults>
</compile_context>

<pallas_src>
import functools

import jax
import jax.numpy as jnp
from jax import lax
from jax.experimental import pallas as pl
from jax.experimental.pallas import tpu as pltpu
from jax.experimental.pallas import tpu_sc as plsc

N_NODES = 10000
NPAD = 10240
N_EDGES = 160000
F = 128
NC = 2
NS = 16
CH = 40
U = 5
CHUNKS = N_EDGES // NS // CH
CC = 40
CCHUNKS = N_EDGES // (NC * NS) // CC
TR = NPAD // NS
RB = 1024


def _make_sc_agg():
    mesh = plsc.VectorSubcoreMesh(core_axis_name="c", subcore_axis_name="s",
                                  num_cores=NC, num_subcores=NS)

    @functools.partial(
        pl.kernel,
        out_type=jax.ShapeDtypeStruct((NC * NPAD, F), jnp.float32),
        mesh=mesh,
        scratch_types=(
            [pltpu.VMEM((CH, F), jnp.float32) for _ in range(U)]
            + [pltpu.VMEM((CH,), jnp.int32) for _ in range(U)]
            + [pltpu.VMEM((CH,), jnp.int32) for _ in range(U)]
            + [
                pltpu.VMEM_SHARED((NPAD, F), jnp.float32),
                pltpu.SemaphoreType.DMA,
                pltpu.SemaphoreType.DMA,
                pltpu.SemaphoreType.DMA,
            ]
        ),
    )
    def sc_agg(xcat, srccat, dst, zero128, aggcat, *scr):
        rows = scr[0:U]
        srcb = scr[U:2 * U]
        dstb = scr[2 * U:3 * U]
        agg_sh, gsem, ssem, dsem = scr[3 * U:]

        cid = lax.axis_index("c")
        sid = lax.axis_index("s")
        r0 = sid * TR

        pltpu.sync_copy(zero128, agg_sh.at[pl.ds(r0, TR)])
        plsc.subcore_barrier()

        sbase = cid * N_EDGES + sid * (N_EDGES // NS)
        dbase = sid * (N_EDGES // NS)

        def body(i, _):
            k0 = i * U
            sd = [pltpu.async_copy(
                      srccat.at[pl.ds(sbase + (k0 + u) * CH, CH)],
                      srcb[u], ssem) for u in range(U)]
            dd = [pltpu.async_copy(
                      dst.at[pl.ds(dbase + (k0 + u) * CH, CH)],
                      dstb[u], dsem) for u in range(U)]
            gd = []
            for u in range(U):
                sd[u].wait()
                gd.append(pltpu.async_copy(xcat.at[srcb[u]], rows[u], gsem))
            for u in range(U):
                gd[u].wait()
                dd[u].wait()
                pltpu.sync_copy(rows[u], agg_sh.at[dstb[u]], add=True)
            return 0

        lax.fori_loop(0, CHUNKS // U, body, 0)
        plsc.subcore_barrier()

        pltpu.sync_copy(agg_sh.at[pl.ds(r0, TR)],
                        aggcat.at[pl.ds(cid * NPAD + r0, TR)])

    return sc_agg


def _make_sc_cnt():
    mesh = plsc.VectorSubcoreMesh(core_axis_name="c", subcore_axis_name="s",
                                  num_cores=NC, num_subcores=NS)

    @functools.partial(
        pl.kernel,
        out_type=jax.ShapeDtypeStruct((NC * NPAD, F), jnp.float32),
        mesh=mesh,
        scratch_types=(
            [pltpu.VMEM((CC, F), jnp.float32)]
            + [pltpu.VMEM((CC,), jnp.int32) for _ in range(U)]
            + [
                pltpu.VMEM_SHARED((NPAD, F), jnp.float32),
                pltpu.SemaphoreType.DMA,
            ]
        ),
    )
    def sc_cnt(dst, zero128, ones128, cnt_out, *scr):
        onesb = scr[0]
        dstb = scr[1:1 + U]
        cnt_sh, dsem = scr[1 + U:]

        cid = lax.axis_index("c")
        sid = lax.axis_index("s")
        wid = cid * NS + sid
        r0 = sid * TR

        pltpu.sync_copy(zero128, cnt_sh.at[pl.ds(r0, TR)])
        pltpu.sync_copy(ones128, onesb)
        plsc.subcore_barrier()

        ebase = wid * (N_EDGES // (NC * NS))

        def body(i, _):
            k0 = i * U
            dd = [pltpu.async_copy(dst.at[pl.ds(ebase + (k0 + u) * CC, CC)],
                                   dstb[u], dsem) for u in range(U)]
            for u in range(U):
                dd[u].wait()
                pltpu.sync_copy(onesb, cnt_sh.at[dstb[u]], add=True)
            return 0

        lax.fori_loop(0, CCHUNKS // U, body, 0)
        plsc.subcore_barrier()

        pltpu.sync_copy(cnt_sh.at[pl.ds(r0, TR)],
                        cnt_out.at[pl.ds(cid * NPAD + r0, TR)])

    return sc_cnt


def _dense_body(relu, a0, a1, c0, c1, z0, z1, wlt, wlb, wrt, wrb, b, out):
    inv = 1.0 / jnp.maximum(c0[:, 0:1] + c1[:, 0:1], 1.0)
    acc = jnp.dot(a0[...] * inv, wlt[...], preferred_element_type=jnp.float32)
    acc = acc + jnp.dot(a1[...] * inv, wlb[...],
                        preferred_element_type=jnp.float32)
    acc = acc + jnp.dot(z0[...], wrt[...], preferred_element_type=jnp.float32)
    acc = acc + jnp.dot(z1[...], wrb[...], preferred_element_type=jnp.float32)
    acc = acc + b[...]
    if relu:
        acc = jnp.maximum(acc, 0.0)
    out[...] = acc


def _dense(relu: bool, stacked_out: bool):
    nb = NPAD // RB
    if stacked_out:
        out_shape = jax.ShapeDtypeStruct((NC * NPAD, F), jnp.float32)
        out_spec = pl.BlockSpec((RB, F), lambda i, j: (j * (NPAD // RB) + i, 0))
    else:
        out_shape = jax.ShapeDtypeStruct((N_NODES, 2 * F), jnp.float32)
        out_spec = pl.BlockSpec((RB, F), lambda i, j: (i, j))

    call = pl.pallas_call(
        functools.partial(_dense_body, relu),
        grid=(nb, 2),
        in_specs=[
            pl.BlockSpec((RB, F), lambda i, j: (i, 0)),
            pl.BlockSpec((RB, F), lambda i, j: (i + NPAD // RB, 0)),
            pl.BlockSpec((RB, F), lambda i, j: (i, 0)),
            pl.BlockSpec((RB, F), lambda i, j: (i + NPAD // RB, 0)),
            pl.BlockSpec((RB, F), lambda i, j: (i, 0)),
            pl.BlockSpec((RB, F), lambda i, j: (i + NPAD // RB, 0)),
            pl.BlockSpec((F, F), lambda i, j: (0, j)),
            pl.BlockSpec((F, F), lambda i, j: (0, j)),
            pl.BlockSpec((F, F), lambda i, j: (0, j)),
            pl.BlockSpec((F, F), lambda i, j: (0, j)),
            pl.BlockSpec((1, F), lambda i, j: (0, j)),
        ],
        out_specs=out_spec,
        out_shape=out_shape,
    )

    def run(aggcat, cnt, zcat, W_l, W_r, b):
        return call(aggcat, aggcat, cnt, cnt, zcat, zcat,
                    W_l[:F], W_l[F:], W_r[:F], W_r[F:], b.reshape(1, 2 * F))
    return run


_make_sc_agg = functools.lru_cache(None)(_make_sc_agg)
_make_sc_cnt = functools.lru_cache(None)(_make_sc_cnt)
_dense = functools.lru_cache(None)(_dense)


def kernel(x, edge_index, W1_l, b1_l, W1_r, W2_l, b2_l, W2_r):
    src = edge_index[0]
    dst = edge_index[1]
    pad = jnp.zeros((NPAD - N_NODES, F), jnp.float32)
    xcat = jnp.concatenate([x[:, :F], pad, x[:, F:], pad], axis=0)
    srccat = jnp.concatenate([src, src + NPAD])
    zero128 = jnp.zeros((TR, F), jnp.float32)
    ones128 = jnp.ones((CC, F), jnp.float32)

    cnt = _make_sc_cnt()(dst, zero128, ones128)
    agg1 = _make_sc_agg()(xcat, srccat, dst, zero128)
    hcat = _dense(True, True)(agg1, cnt, xcat, W1_l, W1_r, b1_l)
    agg2 = _make_sc_agg()(hcat, srccat, dst, zero128)
    out = _dense(False, False)(agg2, cnt, hcat, W2_l, W2_r, b2_l)
    return out

# --- scband reference (transcript-rebuilt; emitter-appended) ---
"""Pipeline reference for scband-graph-sagemodel-9612136809113 (READ-ONLY COPY).

The authoritative reference and input builder live on the scoring server;
editing this copy changes nothing except your own understanding.
"""

import jax, jax.numpy as jnp
import numpy as np

N_NODES = 10000
N_EDGES = 160000
IN_CH = 256
HID_CH = 256
OUT_CH = 256


def setup_inputs(seed: int = 0) -> dict:
    key = jax.random.key(seed)
    ks = jax.random.split(key, 8)
    x = jax.random.normal(ks[0], (N_NODES, IN_CH), dtype=jnp.float32)
    edge_index = jax.random.randint(ks[1], (2, N_EDGES), 0, N_NODES, dtype=jnp.int64 if jax.config.jax_enable_x64 else jnp.int32).astype(jnp.int32)
    W1_l = jax.random.normal(ks[2], (IN_CH, HID_CH), dtype=jnp.float32) * (1.0 / np.sqrt(IN_CH))
    b1_l = jnp.zeros((HID_CH,), dtype=jnp.float32)
    W1_r = jax.random.normal(ks[3], (IN_CH, HID_CH), dtype=jnp.float32) * (1.0 / np.sqrt(IN_CH))
    W2_l = jax.random.normal(ks[4], (HID_CH, OUT_CH), dtype=jnp.float32) * (1.0 / np.sqrt(HID_CH))
    b2_l = jnp.zeros((OUT_CH,), dtype=jnp.float32)
    W2_r = jax.random.normal(ks[5], (HID_CH, OUT_CH), dtype=jnp.float32) * (1.0 / np.sqrt(HID_CH))
    return {"x": x, "edge_index": edge_index, "W1_l": W1_l, "b1_l": b1_l, "W1_r": W1_r, "W2_l": W2_l, "b2_l": b2_l, "W2_r": W2_r}


def _sage_conv(x, src, dst, W_l, b_l, W_r):
    # PyG SAGEConv with mean aggregation:
    #   out = lin_l(mean_{j in N(i)} x_j) + lin_r(x_i)
    msg = jnp.take(x, src, axis=0)
    agg = jax.ops.segment_sum(msg, dst, num_segments=N_NODES)
    cnt = jax.ops.segment_sum(jnp.ones((src.shape[0],), dtype=x.dtype), dst, num_segments=N_NODES)
    cnt = jnp.clip(cnt, 1.0, None)
    agg = agg / cnt[:, None]
    return agg @ W_l + b_l + x @ W_r


def reference(x, edge_index, W1_l, b1_l, W1_r, W2_l, b2_l, W2_r):
    src = edge_index[0]
    dst = edge_index[1]
    h = _sage_conv(x, src, dst, W1_l, b1_l, W1_r)
    h = jax.nn.relu(h)
    # dropout p=0.2 is identity in eval mode (training=False)
    out = _sage_conv(h, src, dst, W2_l, b2_l, W2_r)
    return jnp.squeeze(out)

if __name__ == "__main__":
    import jax
    _d = setup_inputs()
    print(jax.jit(kernel)(*tuple(_d.values())))

</pallas_src>

<mosaic_0001>
#map = affine_map<(d0, d1) -> (0)>
#map1 = affine_map<(d0, d1) -> (0, 0)>
module attributes {stable_mosaic.version = 14 : i64} {
  func.func @sc_cnt(%arg0: i32, %arg1: i32, %arg2: memref<160000xi32, #tpu.memory_space<hbm>>, %arg3: memref<640x128xf32, #tpu.memory_space<hbm>>, %arg4: memref<40x128xf32, #tpu.memory_space<hbm>>, %arg5: memref<20480x128xf32, #tpu.memory_space<hbm>>, %arg6: memref<40x128xf32, #tpu.memory_space<vmem>>, %arg7: memref<40xi32, #tpu.memory_space<vmem>>, %arg8: memref<40xi32, #tpu.memory_space<vmem>>, %arg9: memref<40xi32, #tpu.memory_space<vmem>>, %arg10: memref<40xi32, #tpu.memory_space<vmem>>, %arg11: memref<40xi32, #tpu.memory_space<vmem>>, %arg12: memref<10240x128xf32, #tpu.memory_space<vmem_shared>>, %arg13: memref<!tpu.dma_semaphore, #tpu.memory_space<semaphore_mem>>) attributes {dimension_semantics = [#tpu.dimension_semantics<core_parallel>, #tpu.dimension_semantics<subcore_parallel>], iteration_bounds = array<i64: 2, 16>, scalar_prefetch = 0 : i64, scratch_operands = 8 : i64, tpu.core_type = #tpu.core_type<sc_vector_subcore>, window_params = [{transform_indices = #map}, {transform_indices = #map1}, {transform_indices = #map1}, {transform_indices = #map1}]} {
    %mul3A = arith.constant 16 : i32
    %mul3A_0 = arith.muli %arg0, %mul3A : i32
    %add3A = arith.addi %mul3A_0, %arg1 : i32
    %mul3A_1 = arith.constant 640 : i32
    %mul3A_2 = arith.muli %arg1, %mul3A_1 : i32
    "tpu.region"() ({
      %run_scoped3A = tpu.sem_alloc : memref<!tpu.dma_semaphore, #tpu.memory_space<semaphore_mem>>
      %dma_start3A = arith.constant 0 : i32
      %dma_start3A_15 = tpu.memref_slice %arg12[%mul3A_2, %dma_start3A] : memref<10240x128xf32, #tpu.memory_space<vmem_shared>> -> memref<640x128xf32, #tpu.memory_space<vmem_shared>>
      tpu.enqueue_dma source(%arg3 : memref<640x128xf32, #tpu.memory_space<hbm>>) target(%dma_start3A_15 : memref<640x128xf32, #tpu.memory_space<vmem_shared>>) target_semaphore(%run_scoped3A : memref<!tpu.dma_semaphore, #tpu.memory_space<semaphore_mem>>)
      %dma_wait3A = arith.constant 0 : i32
      %dma_wait3A_16 = tpu.memref_slice %arg12[%mul3A_2, %dma_wait3A] : memref<10240x128xf32, #tpu.memory_space<vmem_shared>> -> memref<640x128xf32, #tpu.memory_space<vmem_shared>>
      tpu.wait_dma2 semaphore(%run_scoped3A : memref<!tpu.dma_semaphore, #tpu.memory_space<semaphore_mem>>) src(%arg3 : memref<640x128xf32, #tpu.memory_space<hbm>>) dst(%dma_wait3A_16 : memref<640x128xf32, #tpu.memory_space<vmem_shared>>)
      tpu.yield
    }) : () -> ()
    "tpu.region"() ({
      %run_scoped3A = tpu.sem_alloc : memref<!tpu.dma_semaphore, #tpu.memory_space<semaphore_mem>>
      tpu.enqueue_dma source(%arg4 : memref<40x128xf32, #tpu.memory_space<hbm>>) target(%arg6 : memref<40x128xf32, #tpu.memory_space<vmem>>) target_semaphore(%run_scoped3A : memref<!tpu.dma_semaphore, #tpu.memory_space<semaphore_mem>>)
      tpu.wait_dma2 semaphore(%run_scoped3A : memref<!tpu.dma_semaphore, #tpu.memory_space<semaphore_mem>>) src(%arg4 : memref<40x128xf32, #tpu.memory_space<hbm>>) dst(%arg6 : memref<40x128xf32, #tpu.memory_space<vmem>>)
      tpu.yield
    }) : () -> ()
    %barrier3A = arith.constant 0 : index
    tpu.barrier barrier_id(%barrier3A)
    %mul3A_3 = arith.constant 5000 : i32
    %mul3A_4 = arith.muli %add3A, %mul3A_3 : i32
    %scan3A = arith.constant 0 : i32
    %scan3A_5 = arith.constant 0 : i32
    %scan3A_6 = arith.constant 25 : i32
    %scan3A_7 = arith.addi %scan3A_5, %scan3A_6 : i32
    %scan3A_8 = arith.constant 1 : i32
    %scan3A_9 = scf.for %scan3A_15 = %scan3A_5 to %scan3A_7 step %scan3A_8 iter_args(%scan3A_16 = %scan3A) -> (i32)  : i32 {
      %mul3A_17 = arith.constant 5 : i32
      %mul3A_18 = arith.muli %scan3A_15, %mul3A_17 : i32
      %add3A_19 = arith.constant 0 : i32
      %add3A_20 = arith.addi %mul3A_18, %add3A_19 : i32
      %mul3A_21 = arith.constant 40 : i32
      %mul3A_22 = arith.muli %add3A_20, %mul3A_21 : i32
      %add3A_23 = arith.addi %mul3A_4, %mul3A_22 : i32
      %dma_start3A = tpu.memref_slice %arg2[%add3A_23] : memref<160000xi32, #tpu.memory_space<hbm>> -> memref<40xi32, #tpu.memory_space<hbm>>
      %dma_start3A_24 = tpu.memref_slice %arg2[%add3A_23] : memref<160000xi32, #tpu.memory_space<hbm>> -> memref<40xi32, #tpu.memory_space<hbm>>
      tpu.enqueue_dma source(%dma_start3A_24 : memref<40xi32, #tpu.memory_space<hbm>>) target(%arg7 : memref<40xi32, #tpu.memory_space<vmem>>) target_semaphore(%arg13 : memref<!tpu.dma_semaphore, #tpu.memory_space<semaphore_mem>>)
      %add3A_25 = arith.constant 1 : i32
      %add3A_26 = arith.addi %mul3A_18, %add3A_25 : i32
      %mul3A_27 = arith.constant 40 : i32
      %mul3A_28 = arith.muli %add3A_26, %mul3A_27 : i32
      %add3A_29 = arith.addi %mul3A_4, %mul3A_28 : i32
      %dma_start3A_30 = tpu.memref_slice %arg2[%add3A_29] : memref<160000xi32, #tpu.memory_space<hbm>> -> memref<40xi32, #tpu.memory_space<hbm>>
      %dma_start3A_31 = tpu.memref_slice %arg2[%add3A_29] : memref<160000xi32, #tpu.memory_space<hbm>> -> memref<40xi32, #tpu.memory_space<hbm>>
      tpu.enqueue_dma source(%dma_start3A_31 : memref<40xi32, #tpu.memory_space<hbm>>) target(%arg8 : memref<40xi32, #tpu.memory_space<vmem>>) target_semaphore(%arg13 : memref<!tpu.dma_semaphore, #tpu.memory_space<semaphore_mem>>)
      %add3A_32 = arith.constant 2 : i32
      %add3A_33 = arith.addi %mul3A_18, %add3A_32 : i32
      %mul3A_34 = arith.constant 40 : i32
      %mul3A_35 = arith.muli %add3A_33, %mul3A_34 : i32
      %add3A_36 = arith.addi %mul3A_4, %mul3A_35 : i32
      %dma_start3A_37 = tpu.memref_slice %arg2[%add3A_36] : memref<160000xi32, #tpu.memory_space<hbm>> -> memref<40xi32, #tpu.memory_space<hbm>>
      %dma_start3A_38 = tpu.memref_slice %arg2[%add3A_36] : memref<160000xi32, #tpu.memory_space<hbm>> -> memref<40xi32, #tpu.memory_space<hbm>>
      tpu.enqueue_dma source(%dma_start3A_38 : memref<40xi32, #tpu.memory_space<hbm>>) target(%arg9 : memref<40xi32, #tpu.memory_space<vmem>>) target_semaphore(%arg13 : memref<!tpu.dma_semaphore, #tpu.memory_space<semaphore_mem>>)
      %add3A_39 = arith.constant 3 : i32
      %add3A_40 = arith.addi %mul3A_18, %add3A_39 : i32
      %mul3A_41 = arith.constant 40 : i32
      %mul3A_42 = arith.muli %add3A_40, %mul3A_41 : i32
      %add3A_43 = arith.addi %mul3A_4, %mul3A_42 : i32
      %dma_start3A_44 = tpu.memref_slice %arg2[%add3A_43] : memref<160000xi32, #tpu.memory_space<hbm>> -> memref<40xi32, #tpu.memory_space<hbm>>
      %dma_start3A_45 = tpu.memref_slice %arg2[%add3A_43] : memref<160000xi32, #tpu.memory_space<hbm>> -> memref<40xi32, #tpu.memory_space<hbm>>
      tpu.enqueue_dma source(%dma_start3A_45 : memref<40xi32, #tpu.memory_space<hbm>>) target(%arg10 : memref<40xi32, #tpu.memory_space<vmem>>) target_semaphore(%arg13 : memref<!tpu.dma_semaphore, #tpu.memory_space<semaphore_mem>>)
      %add3A_46 = arith.constant 4 : i32
      %add3A_47 = arith.addi %mul3A_18, %add3A_46 : i32
      %mul3A_48 = arith.constant 40 : i32
      %mul3A_49 = arith.muli %add3A_47, %mul3A_48 : i32
      %add3A_50 = arith.addi %mul3A_4, %mul3A_49 : i32
      %dma_start3A_51 = tpu.memref_slice %arg2[%add3A_50] : memref<160000xi32, #tpu.memory_space<hbm>> -> memref<40xi32, #tpu.memory_space<hbm>>
      %dma_start3A_52 = tpu.memref_slice %arg2[%add3A_50] : memref<160000xi32, #tpu.memory_space<hbm>> -> memref<40xi32, #tpu.memory_space<hbm>>
      tpu.enqueue_dma source(%dma_start3A_52 : memref<40xi32, #tpu.memory_space<hbm>>) target(%arg11 : memref<40xi32, #tpu.memory_space<vmem>>) target_semaphore(%arg13 : memref<!tpu.dma_semaphore, #tpu.memory_space<semaphore_mem>>)
      %dma_wait3A = tpu.memref_slice %arg2[%add3A_23] : memref<160000xi32, #tpu.memory_space<hbm>> -> memref<40xi32, #tpu.memory_space<hbm>>
      %dma_wait3A_53 = tpu.memref_slice %arg2[%add3A_23] : memref<160000xi32, #tpu.memory_space<hbm>> -> memref<40xi32, #tpu.memory_space<hbm>>
      tpu.wait_dma2 semaphore(%arg13 : memref<!tpu.dma_semaphore, #tpu.memory_space<semaphore_mem>>) src(%dma_wait3A_53 : memref<40xi32, #tpu.memory_space<hbm>>) dst(%arg7 : memref<40xi32, #tpu.memory_space<vmem>>)
      "tpu.region"() ({
        %run_scoped3A = tpu.sem_alloc : memref<!tpu.dma_semaphore, #tpu.memory_space<semaphore_mem>>
        %dma_start3A_63 = arith.constant 0 : i32
        %dma_start3A_64 = arith.constant 0 : i32
        %dma_start3A_65 = tpu.memref_slice %arg12[%dma_start3A_63, %dma_start3A_64] : memref<10240x128xf32, #tpu.memory_space<vmem_shared>> -> memref<10240x128xf32, #tpu.memory_space<vmem_shared>>
        tpu.enqueue_indirect_dma source(%arg6 : memref<40x128xf32, #tpu.memory_space<vmem>>) target(%dma_start3A_65 : memref<10240x128xf32, #tpu.memory_space<vmem_shared>>) offsets(%arg7 : memref<40xi32, #tpu.memory_space<vmem>>) semaphore(%run_scoped3A : memref<!tpu.dma_semaphore, #tpu.memory_space<semaphore_mem>>) {add = true}
        %dma_wait3A_66 = arith.constant 0 : i32
        %dma_wait3A_67 = arith.constant 0 : i32
        %dma_wait3A_68 = tpu.memref_slice %arg12[%dma_wait3A_66, %dma_wait3A_67] : memref<10240x128xf32, #tpu.memory_space<vmem_shared>> -> memref<10240x128xf32, #tpu.memory_space<vmem_shared>>
        tpu.wait_indirect_dma semaphore(%run_scoped3A : memref<!tpu.dma_semaphore, #tpu.memory_space<semaphore_mem>>) src(%arg6 : memref<40x128xf32, #tpu.memory_space<vmem>>) dst(%dma_wait3A_68 : memref<10240x128xf32, #tpu.memory_space<vmem_shared>>)
        tpu.yield
      }) : () -> ()
      %dma_wait3A_54 = tpu.memref_slice %arg2[%add3A_29] : memref<160000xi32, #tpu.memory_space<hbm>> -> memref<40xi32, #tpu.memory_space<hbm>>
      %dma_wait3A_55 = tpu.memref_slice %arg2[%add3A_29] : memref<160000xi32, #tpu.memory_space<hbm>> -> memref<40xi32, #tpu.memory_space<hbm>>
      tpu.wait_dma2 semaphore(%arg13 : memref<!tpu.dma_semaphore, #tpu.memory_space<semaphore_mem>>) src(%dma_wait3A_55 : memref<40xi32, #tpu.memory_space<hbm>>) dst(%arg8 : memref<40xi32, #tpu.memory_space<vmem>>)
      "tpu.region"() ({
        %run_scoped3A = tpu.sem_alloc : memref<!tpu.dma_semaphore, #tpu.memory_space<semaphore_mem>>
        %dma_start3A_63 = arith.constant 0 : i32
        %dma_start3A_64 = arith.constant 0 : i32
        %dma_start3A_65 = tpu.memref_slice %arg12[%dma_start3A_63, %dma_start3A_64] : memref<10240x128xf32, #tpu.memory_space<vmem_shared>> -> memref<10240x128xf32, #tpu.memory_space<vmem_shared>>
        tpu.enqueue_indirect_dma source(%arg6 : memref<40x128xf32, #tpu.memory_space<vmem>>) target(%dma_start3A_65 : memref<10240x128xf32, #tpu.memory_space<vmem_shared>>) offsets(%arg8 : memref<40xi32, #tpu.memory_space<vmem>>) semaphore(%run_scoped3A : memref<!tpu.dma_semaphore, #tpu.memory_space<semaphore_mem>>) {add = true}
        %dma_wait3A_66 = arith.constant 0 : i32
        %dma_wait3A_67 = arith.constant 0 : i32
        %dma_wait3A_68 = tpu.memref_slice %arg12[%dma_wait3A_66, %dma_wait3A_67] : memref<10240x128xf32, #tpu.memory_space<vmem_shared>> -> memref<10240x128xf32, #tpu.memory_space<vmem_shared>>
        tpu.wait_indirect_dma semaphore(%run_scoped3A : memref<!tpu.dma_semaphore, #tpu.memory_space<semaphore_mem>>) src(%arg6 : memref<40x128xf32, #tpu.memory_space<vmem>>) dst(%dma_wait3A_68 : memref<10240x128xf32, #tpu.memory_space<vmem_shared>>)
        tpu.yield
      }) : () -> ()
      %dma_wait3A_56 = tpu.memref_slice %arg2[%add3A_36] : memref<160000xi32, #tpu.memory_space<hbm>> -> memref<40xi32, #tpu.memory_space<hbm>>
      %dma_wait3A_57 = tpu.memref_slice %arg2[%add3A_36] : memref<160000xi32, #tpu.memory_space<hbm>> -> memref<40xi32, #tpu.memory_space<hbm>>
      tpu.wait_dma2 semaphore(%arg13 : memref<!tpu.dma_semaphore, #tpu.memory_space<semaphore_mem>>) src(%dma_wait3A_57 : memref<40xi32, #tpu.memory_space<hbm>>) dst(%arg9 : memref<40xi32, #tpu.memory_space<vmem>>)
      "tpu.region"() ({
        %run_scoped3A = tpu.sem_alloc : memref<!tpu.dma_semaphore, #tpu.memory_space<semaphore_mem>>
        %dma_start3A_63 = arith.constant 0 : i32
        %dma_start3A_64 = arith.constant 0 : i32
        %dma_start3A_65 = tpu.memref_slice %arg12[%dma_start3A_63, %dma_start3A_64] : memref<10240x128xf32, #tpu.memory_space<vmem_shared>> -> memref<10240x128xf32, #tpu.memory_space<vmem_shared>>
        tpu.enqueue_indirect_dma source(%arg6 : memref<40x128xf32, #tpu.memory_space<vmem>>) target(%dma_start3A_65 : memref<10240x128xf32, #tpu.memory_space<vmem_shared>>) offsets(%arg9 : memref<40xi32, #tpu.memory_space<vmem>>) semaphore(%run_scoped3A : memref<!tpu.dma_semaphore, #tpu.memory_space<semaphore_mem>>) {add = true}
        %dma_wait3A_66 = arith.constant 0 : i32
        %dma_wait3A_67 = arith.constant 0 : i32
        %dma_wait3A_68 = tpu.memref_slice %arg12[%dma_wait3A_66, %dma_wait3A_67] : memref<10240x128xf32, #tpu.memory_space<vmem_shared>> -> memref<10240x128xf32, #tpu.memory_space<vmem_shared>>
        tpu.wait_indirect_dma semaphore(%run_scoped3A : memref<!tpu.dma_semaphore, #tpu.memory_space<semaphore_mem>>) src(%arg6 : memref<40x128xf32, #tpu.memory_space<vmem>>) dst(%dma_wait3A_68 : memref<10240x128xf32, #tpu.memory_space<vmem_shared>>)
        tpu.yield
      }) : () -> ()
      %dma_wait3A_58 = tpu.memref_slice %arg2[%add3A_43] : memref<160000xi32, #tpu.memory_space<hbm>> -> memref<40xi32, #tpu.memory_space<hbm>>
      %dma_wait3A_59 = tpu.memref_slice %arg2[%add3A_43] : memref<160000xi32, #tpu.memory_space<hbm>> -> memref<40xi32, #tpu.memory_space<hbm>>
      tpu.wait_dma2 semaphore(%arg13 : memref<!tpu.dma_semaphore, #tpu.memory_space<semaphore_mem>>) src(%dma_wait3A_59 : memref<40xi32, #tpu.memory_space<hbm>>) dst(%arg10 : memref<40xi32, #tpu.memory_space<vmem>>)
      "tpu.region"() ({
        %run_scoped3A = tpu.sem_alloc : memref<!tpu.dma_semaphore, #tpu.memory_space<semaphore_mem>>
        %dma_start3A_63 = arith.constant 0 : i32
        %dma_start3A_64 = arith.constant 0 : i32
        %dma_start3A_65 = tpu.memref_slice %arg12[%dma_start3A_63, %dma_start3A_64] : memref<10240x128xf32, #tpu.memory_space<vmem_shared>> -> memref<10240x128xf32, #tpu.memory_space<vmem_shared>>
        tpu.enqueue_indirect_dma source(%arg6 : memref<40x128xf32, #tpu.memory_space<vmem>>) target(%dma_start3A_65 : memref<10240x128xf32, #tpu.memory_space<vmem_shared>>) offsets(%arg10 : memref<40xi32, #tpu.memory_space<vmem>>) semaphore(%run_scoped3A : memref<!tpu.dma_semaphore, #tpu.memory_space<semaphore_mem>>) {add = true}
        %dma_wait3A_66 = arith.constant 0 : i32
        %dma_wait3A_67 = arith.constant 0 : i32
        %dma_wait3A_68 = tpu.memref_slice %arg12[%dma_wait3A_66, %dma_wait3A_67] : memref<10240x128xf32, #tpu.memory_space<vmem_shared>> -> memref<10240x128xf32, #tpu.memory_space<vmem_shared>>
        tpu.wait_indirect_dma semaphore(%run_scoped3A : memref<!tpu.dma_semaphore, #tpu.memory_space<semaphore_mem>>) src(%arg6 : memref<40x128xf32, #tpu.memory_space<vmem>>) dst(%dma_wait3A_68 : memref<10240x128xf32, #tpu.memory_space<vmem_shared>>)
        tpu.yield
      }) : () -> ()
      %dma_wait3A_60 = tpu.memref_slice %arg2[%add3A_50] : memref<160000xi32, #tpu.memory_space<hbm>> -> memref<40xi32, #tpu.memory_space<hbm>>
      %dma_wait3A_61 = tpu.memref_slice %arg2[%add3A_50] : memref<160000xi32, #tpu.memory_space<hbm>> -> memref<40xi32, #tpu.memory_space<hbm>>
      tpu.wait_dma2 semaphore(%arg13 : memref<!tpu.dma_semaphore, #tpu.memory_space<semaphore_mem>>) src(%dma_wait3A_61 : memref<40xi32, #tpu.memory_space<hbm>>) dst(%arg11 : memref<40xi32, #tpu.memory_space<vmem>>)
      "tpu.region"() ({
        %run_scoped3A = tpu.sem_alloc : memref<!tpu.dma_semaphore, #tpu.memory_space<semaphore_mem>>
        %dma_start3A_63 = arith.constant 0 : i32
        %dma_start3A_64 = arith.constant 0 : i32
        %dma_start3A_65 = tpu.memref_slice %arg12[%dma_start3A_63, %dma_start3A_64] : memref<10240x128xf32, #tpu.memory_space<vmem_shared>> -> memref<10240x128xf32, #tpu.memory_space<vmem_shared>>
        tpu.enqueue_indirect_dma source(%arg6 : memref<40x128xf32, #tpu.memory_space<vmem>>) target(%dma_start3A_65 : memref<10240x128xf32, #tpu.memory_space<vmem_shared>>) offsets(%arg11 : memref<40xi32, #tpu.memory_space<vmem>>) semaphore(%run_scoped3A : memref<!tpu.dma_semaphore, #tpu.memory_space<semaphore_mem>>) {add = true}
        %dma_wait3A_66 = arith.constant 0 : i32
        %dma_wait3A_67 = arith.constant 0 : i32
        %dma_wait3A_68 = tpu.memref_slice %arg12[%dma_wait3A_66, %dma_wait3A_67] : memref<10240x128xf32, #tpu.memory_space<vmem_shared>> -> memref<10240x128xf32, #tpu.memory_space<vmem_shared>>
        tpu.wait_indirect_dma semaphore(%run_scoped3A : memref<!tpu.dma_semaphore, #tpu.memory_space<semaphore_mem>>) src(%arg6 : memref<40x128xf32, #tpu.memory_space<vmem>>) dst(%dma_wait3A_68 : memref<10240x128xf32, #tpu.memory_space<vmem_shared>>)
        tpu.yield
      }) : () -> ()
      %scan3A_62 = arith.constant 0 : i32
      scf.yield %scan3A_62 : i32
    }
    %scan3A_10 = arith.constant 25 : i32
    %barrier3A_11 = arith.constant 0 : index
    tpu.barrier barrier_id(%barrier3A_11)
    %mul3A_12 = arith.constant 10240 : i32
    %mul3A_13 = arith.muli %arg0, %mul3A_12 : i32
    %add3A_14 = arith.addi %mul3A_13, %mul3A_2 : i32
    "tpu.region"() ({
      %run_scoped3A = tpu.sem_alloc : memref<!tpu.dma_semaphore, #tpu.memory_space<semaphore_mem>>
      %dma_start3A = arith.constant 0 : i32
      %dma_start3A_15 = tpu.memref_slice %arg5[%add3A_14, %dma_start3A] : memref<20480x128xf32, #tpu.memory_space<hbm>> -> memref<640x128xf32, #tpu.memory_space<hbm>>
      %dma_start3A_16 = arith.constant 0 : i32
      %dma_start3A_17 = tpu.memref_slice %arg12[%mul3A_2, %dma_start3A_16] : memref<10240x128xf32, #tpu.memory_space<vmem_shared>> -> memref<640x128xf32, #tpu.memory_space<vmem_shared>>
      tpu.enqueue_dma source(%dma_start3A_17 : memref<640x128xf32, #tpu.memory_space<vmem_shared>>) target(%dma_start3A_15 : memref<640x128xf32, #tpu.memory_space<hbm>>) target_semaphore(%run_scoped3A : memref<!tpu.dma_semaphore, #tpu.memory_space<semaphore_mem>>)
      %dma_wait3A = arith.constant 0 : i32
      %dma_wait3A_18 = tpu.memref_slice %arg5[%add3A_14, %dma_wait3A] : memref<20480x128xf32, #tpu.memory_space<hbm>> -> memref<640x128xf32, #tpu.memory_space<hbm>>
      %dma_wait3A_19 = arith.constant 0 : i32
      %dma_wait3A_20 = tpu.memref_slice %arg12[%mul3A_2, %dma_wait3A_19] : memref<10240x128xf32, #tpu.memory_space<vmem_shared>> -> memref<640x128xf32, #tpu.memory_space<vmem_shared>>
      tpu.wait_dma2 semaphore(%run_scoped3A : memref<!tpu.dma_semaphore, #tpu.memory_space<semaphore_mem>>) src(%dma_wait3A_20 : memref<640x128xf32, #tpu.memory_space<vmem_shared>>) dst(%dma_wait3A_18 : memref<640x128xf32, #tpu.memory_space<hbm>>)
      tpu.yield
    }) : () -> ()
    return
  }
}

#map = affine_map<(d0, d1) -> (0, 0)>
#map1 = affine_map<(d0, d1) -> (0)>
module attributes {stable_mosaic.version = 14 : i64} {
  func.func @sc_agg(%arg0: i32, %arg1: i32, %arg2: memref<20480x128xf32, #tpu.memory_space<hbm>>, %arg3: memref<320000xi32, #tpu.memory_space<hbm>>, %arg4: memref<160000xi32, #tpu.memory_space<hbm>>, %arg5: memref<640x128xf32, #tpu.memory_space<hbm>>, %arg6: memref<20480x128xf32, #tpu.memory_space<hbm>>, %arg7: memref<40x128xf32, #tpu.memory_space<vmem>>, %arg8: memref<40x128xf32, #tpu.memory_space<vmem>>, %arg9: memref<40x128xf32, #tpu.memory_space<vmem>>, %arg10: memref<40x128xf32, #tpu.memory_space<vmem>>, %arg11: memref<40x128xf32, #tpu.memory_space<vmem>>, %arg12: memref<40xi32, #tpu.memory_space<vmem>>, %arg13: memref<40xi32, #tpu.memory_space<vmem>>, %arg14: memref<40xi32, #tpu.memory_space<vmem>>, %arg15: memref<40xi32, #tpu.memory_space<vmem>>, %arg16: memref<40xi32, #tpu.memory_space<vmem>>, %arg17: memref<40xi32, #tpu.memory_space<vmem>>, %arg18: memref<40xi32, #tpu.memory_space<vmem>>, %arg19: memref<40xi32, #tpu.memory_space<vmem>>, %arg20: memref<40xi32, #tpu.memory_space<vmem>>, %arg21: memref<40xi32, #tpu.memory_space<vmem>>, %arg22: memref<10240x128xf32, #tpu.memory_space<vmem_shared>>, %arg23: memref<!tpu.dma_semaphore, #tpu.memory_space<semaphore_mem>>, %arg24: memref<!tpu.dma_semaphore, #tpu.memory_space<semaphore_mem>>, %arg25: memref<!tpu.dma_semaphore, #tpu.memory_space<semaphore_mem>>) attributes {dimension_semantics = [#tpu.dimension_semantics<core_parallel>, #tpu.dimension_semantics<subcore_parallel>], iteration_bounds = array<i64: 2, 16>, scalar_prefetch = 0 : i64, scratch_operands = 19 : i64, tpu.core_type = #tpu.core_type<sc_vector_subcore>, window_params = [{transform_indices = #map}, {transform_indices = #map1}, {transform_indices = #map1}, {transform_indices = #map}, {transform_indices = #map}]} {
    %mul3A = arith.constant 640 : i32
    %mul3A_0 = arith.muli %arg1, %mul3A : i32
    "tpu.region"() ({
      %run_scoped3A = tpu.sem_alloc : memref<!tpu.dma_semaphore, #tpu.memory_space<semaphore_mem>>
      %dma_start3A = arith.constant 0 : i32
      %dma_start3A_17 = tpu.memref_slice %arg22[%mul3A_0, %dma_start3A] : memref<10240x128xf32, #tpu.memory_space<vmem_shared>> -> memref<640x128xf32, #tpu.memory_space<vmem_shared>>
      tpu.enqueue_dma source(%arg5 : memref<640x128xf32, #tpu.memory_space<hbm>>) target(%dma_start3A_17 : memref<640x128xf32, #tpu.memory_space<vmem_shared>>) target_semaphore(%run_scoped3A : memref<!tpu.dma_semaphore, #tpu.memory_space<semaphore_mem>>)
      %dma_wait3A = arith.constant 0 : i32
      %dma_wait3A_18 = tpu.memref_slice %arg22[%mul3A_0, %dma_wait3A] : memref<10240x128xf32, #tpu.memory_space<vmem_shared>> -> memref<640x128xf32, #tpu.memory_space<vmem_shared>>
      tpu.wait_dma2 semaphore(%run_scoped3A : memref<!tpu.dma_semaphore, #tpu.memory_space<semaphore_mem>>) src(%arg5 : memref<640x128xf32, #tpu.memory_space<hbm>>) dst(%dma_wait3A_18 : memref<640x128xf32, #tpu.memory_space<vmem_shared>>)
      tpu.yield
    }) : () -> ()
    %barrier3A = arith.constant 0 : index
    tpu.barrier barrier_id(%barrier3A)
    %mul3A_1 = arith.constant 160000 : i32
    %mul3A_2 = arith.muli %arg0, %mul3A_1 : i32
    %mul3A_3 = arith.constant 10000 : i32
    %mul3A_4 = arith.muli %arg1, %mul3A_3 : i32
    %add3A = arith.addi %mul3A_2, %mul3A_4 : i32
    %mul3A_5 = arith.constant 10000 : i32
    %mul3A_6 = arith.muli %arg1, %mul3A_5 : i32
    %scan3A = arith.constant 0 : i32
    %scan3A_7 = arith.constant 0 : i32
    %scan3A_8 = arith.constant 50 : i32
    %scan3A_9 = arith.addi %scan3A_7, %scan3A_8 : i32
    %scan3A_10 = arith.constant 1 : i32
    %scan3A_11 = scf.for %scan3A_17 = %scan3A_7 to %scan3A_9 step %scan3A_10 iter_args(%scan3A_18 = %scan3A) -> (i32)  : i32 {
      %mul3A_19 = arith.constant 5 : i32
      %mul3A_20 = arith.muli %scan3A_17, %mul3A_19 : i32
      %add3A_21 = arith.constant 0 : i32
      %add3A_22 = arith.addi %mul3A_20, %add3A_21 : i32
      %mul3A_23 = arith.constant 40 : i32
      %mul3A_24 = arith.muli %add3A_22, %mul3A_23 : i32
      %add3A_25 = arith.addi %add3A, %mul3A_24 : i32
      %dma_start3A = tpu.memref_slice %arg3[%add3A_25] : memref<320000xi32, #tpu.memory_space<hbm>> -> memref<40xi32, #tpu.memory_space<hbm>>
      %dma_start3A_26 = tpu.memref_slice %arg3[%add3A_25] : memref<320000xi32, #tpu.memory_space<hbm>> -> memref<40xi32, #tpu.memory_space<hbm>>
      tpu.enqueue_dma source(%dma_start3A_26 : memref<40xi32, #tpu.memory_space<hbm>>) target(%arg12 : memref<40xi32, #tpu.memory_space<vmem>>) target_semaphore(%arg24 : memref<!tpu.dma_semaphore, #tpu.memory_space<semaphore_mem>>)
      %add3A_27 = arith.constant 1 : i32
      %add3A_28 = arith.addi %mul3A_20, %add3A_27 : i32
      %mul3A_29 = arith.constant 40 : i32
      %mul3A_30 = arith.muli %add3A_28, %mul3A_29 : i32
      %add3A_31 = arith.addi %add3A, %mul3A_30 : i32
      %dma_start3A_32 = tpu.memref_slice %arg3[%add3A_31] : memref<320000xi32, #tpu.memory_space<hbm>> -> memref<40xi32, #tpu.memory_space<hbm>>
      %dma_start3A_33 = tpu.memref_slice %arg3[%add3A_31] : memref<320000xi32, #tpu.memory_space<hbm>> -> memref<40xi32, #tpu.memory_space<hbm>>
      tpu.enqueue_dma source(%dma_start3A_33 : memref<40xi32, #tpu.memory_space<hbm>>) target(%arg13 : memref<40xi32, #tpu.memory_space<vmem>>) target_semaphore(%arg24 : memref<!tpu.dma_semaphore, #tpu.memory_space<semaphore_mem>>)
      %add3A_34 = arith.constant 2 : i32
      %add3A_35 = arith.addi %mul3A_20, %add3A_34 : i32
      %mul3A_36 = arith.constant 40 : i32
      %mul3A_37 = arith.muli %add3A_35, %mul3A_36 : i32
      %add3A_38 = arith.addi %add3A, %mul3A_37 : i32
      %dma_start3A_39 = tpu.memref_slice %arg3[%add3A_38] : memref<320000xi32, #tpu.memory_space<hbm>> -> memref<40xi32, #tpu.memory_space<hbm>>
      %dma_start3A_40 = tpu.memref_slice %arg3[%add3A_38] : memref<320000xi32, #tpu.memory_space<hbm>> -> memref<40xi32, #tpu.memory_space<hbm>>
      tpu.enqueue_dma source(%dma_start3A_40 : memref<40xi32, #tpu.memory_space<hbm>>) target(%arg14 : memref<40xi32, #tpu.memory_space<vmem>>) target_semaphore(%arg24 : memref<!tpu.dma_semaphore, #tpu.memory_space<semaphore_mem>>)
      %add3A_41 = arith.constant 3 : i32
      %add3A_42 = arith.addi %mul3A_20, %add3A_41 : i32
      %mul3A_43 = arith.constant 40 : i32
      %mul3A_44 = arith.muli %add3A_42, %mul3A_43 : i32
      %add3A_45 = arith.addi %add3A, %mul3A_44 : i32
      %dma_start3A_46 = tpu.memref_slice %arg3[%add3A_45] : memref<320000xi32, #tpu.memory_space<hbm>> -> memref<40xi32, #tpu.memory_space<hbm>>
      %dma_start3A_47 = tpu.memref_slice %arg3[%add3A_45] : memref<320000xi32, #tpu.memory_space<hbm>> -> memref<40xi32, #tpu.memory_space<hbm>>
      tpu.enqueue_dma source(%dma_start3A_47 : memref<40xi32, #tpu.memory_space<hbm>>) target(%arg15 : memref<40xi32, #tpu.memory_space<vmem>>) target_semaphore(%arg24 : memref<!tpu.dma_semaphore, #tpu.memory_space<semaphore_mem>>)
      %add3A_48 = arith.constant 4 : i32
      %add3A_49 = arith.addi %mul3A_20, %add3A_48 : i32
      %mul3A_50 = arith.constant 40 : i32
      %mul3A_51 = arith.muli %add3A_49, %mul3A_50 : i32
      %add3A_52 = arith.addi %add3A, %mul3A_51 : i32
      %dma_start3A_53 = tpu.memref_slice %arg3[%add3A_52] : memref<320000xi32, #tpu.memory_space<hbm>> -> memref<40xi32, #tpu.memory_space<hbm>>
      %dma_start3A_54 = tpu.memref_slice %arg3[%add3A_52] : memref<320000xi32, #tpu.memory_space<hbm>> -> memref<40xi32, #tpu.memory_space<hbm>>
      tpu.enqueue_dma source(%dma_start3A_54 : memref<40xi32, #tpu.memory_space<hbm>>) target(%arg16 : memref<40xi32, #tpu.memory_space<vmem>>) target_semaphore(%arg24 : memref<!tpu.dma_semaphore, #tpu.memory_space<semaphore_mem>>)
      %add3A_55 = arith.constant 0 : i32
      %add3A_56 = arith.addi %mul3A_20, %add3A_55 : i32
      %mul3A_57 = arith.constant 40 : i32
      %mul3A_58 = arith.muli %add3A_56, %mul3A_57 : i32
      %add3A_59 = arith.addi %mul3A_6, %mul3A_58 : i32
      %dma_start3A_60 = tpu.memref_slice %arg4[%add3A_59] : memref<160000xi32, #tpu.memory_space<hbm>> -> memref<40xi32, #tpu.memory_space<hbm>>
      %dma_start3A_61 = tpu.memref_slice %arg4[%add3A_59] : memref<160000xi32, #tpu.memory_space<hbm>> -> memref<40xi32, #tpu.memory_space<hbm>>
      tpu.enqueue_dma source(%dma_start3A_61 : memref<40xi32, #tpu.memory_space<hbm>>) target(%arg17 : memref<40xi32, #tpu.memory_space<vmem>>) target_semaphore(%arg25 : memref<!tpu.dma_semaphore, #tpu.memory_space<semaphore_mem>>)
      %add3A_62 = arith.constant 1 : i32
      %add3A_63 = arith.addi %mul3A_20, %add3A_62 : i32
      %mul3A_64 = arith.constant 40 : i32
      %mul3A_65 = arith.muli %add3A_63, %mul3A_64 : i32
      %add3A_66 = arith.addi %mul3A_6, %mul3A_65 : i32
      %dma_start3A_67 = tpu.memref_slice %arg4[%add3A_66] : memref<160000xi32, #tpu.memory_space<hbm>> -> memref<40xi32, #tpu.memory_space<hbm>>
      %dma_start3A_68 = tpu.memref_slice %arg4[%add3A_66] : memref<160000xi32, #tpu.memory_space<hbm>> -> memref<40xi32, #tpu.memory_space<hbm>>
      tpu.enqueue_dma source(%dma_start3A_68 : memref<40xi32, #tpu.memory_space<hbm>>) target(%arg18 : memref<40xi32, #tpu.memory_space<vmem>>) target_semaphore(%arg25 : memref<!tpu.dma_semaphore, #tpu.memory_space<semaphore_mem>>)
      %add3A_69 = arith.constant 2 : i32
      %add3A_70 = arith.addi %mul3A_20, %add3A_69 : i32
      %mul3A_71 = arith.constant 40 : i32
      %mul3A_72 = arith.muli %add3A_70, %mul3A_71 : i32
      %add3A_73 = arith.addi %mul3A_6, %mul3A_72 : i32
      %dma_start3A_74 = tpu.memref_slice %arg4[%add3A_73] : memref<160000xi32, #tpu.memory_space<hbm>> -> memref<40xi32, #tpu.memory_space<hbm>>
      %dma_start3A_75 = tpu.memref_slice %arg4[%add3A_73] : memref<160000xi32, #tpu.memory_space<hbm>> -> memref<40xi32, #tpu.memory_space<hbm>>
      tpu.enqueue_dma source(%dma_start3A_75 : memref<40xi32, #tpu.memory_space<hbm>>) target(%arg19 : memref<40xi32, #tpu.memory_space<vmem>>) target_semaphore(%arg25 : memref<!tpu.dma_semaphore, #tpu.memory_space<semaphore_mem>>)
      %add3A_76 = arith.constant 3 : i32
      %add3A_77 = arith.addi %mul3A_20, %add3A_76 : i32
      %mul3A_78 = arith.constant 40 : i32
      %mul3A_79 = arith.muli %add3A_77, %mul3A_78 : i32
      %add3A_80 = arith.addi %mul3A_6, %mul3A_79 : i32
      %dma_start3A_81 = tpu.memref_slice %arg4[%add3A_80] : memref<160000xi32, #tpu.memory_space<hbm>> -> memref<40xi32, #tpu.memory_space<hbm>>
      %dma_start3A_82 = tpu.memref_slice %arg4[%add3A_80] : memref<160000xi32, #tpu.memory_space<hbm>> -> memref<40xi32, #tpu.memory_space<hbm>>
      tpu.enqueue_dma source(%dma_start3A_82 : memref<40xi32, #tpu.memory_space<hbm>>) target(%arg20 : memref<40xi32, #tpu.memory_space<vmem>>) target_semaphore(%arg25 : memref<!tpu.dma_semaphore, #tpu.memory_space<semaphore_mem>>)
      %add3A_83 = arith.constant 4 : i32
      %add3A_84 = arith.addi %mul3A_20, %add3A_83 : i32
      %mul3A_85 = arith.constant 40 : i32
      %mul3A_86 = arith.muli %add3A_84, %mul3A_85 : i32
      %add3A_87 = arith.addi %mul3A_6, %mul3A_86 : i32
      %dma_start3A_88 = tpu.memref_slice %arg4[%add3A_87] : memref<160000xi32, #tpu.memory_space<hbm>> -> memref<40xi32, #tpu.memory_space<hbm>>
      %dma_start3A_89 = tpu.memref_slice %arg4[%add3A_87] : memref<160000xi32, #tpu.memory_space<hbm>> -> memref<40xi32, #tpu.memory_space<hbm>>
      tpu.enqueue_dma source(%dma_start3A_89 : memref<40xi32, #tpu.memory_space<hbm>>) target(%arg21 : memref<40xi32, #tpu.memory_space<vmem>>) target_semaphore(%arg25 : memref<!tpu.dma_semaphore, #tpu.memory_space<semaphore_mem>>)
      %dma_wait3A = tpu.memref_slice %arg3[%add3A_25] : memref<320000xi32, #tpu.memory_space<hbm>> -> memref<40xi32, #tpu.memory_space<hbm>>
      %dma_wait3A_90 = tpu.memref_slice %arg3[%add3A_25] : memref<320000xi32, #tpu.memory_space<hbm>> -> memref<40xi32, #tpu.memory_space<hbm>>
      tpu.wait_dma2 semaphore(%arg24 : memref<!tpu.dma_semaphore, #tpu.memory_space<semaphore_mem>>) src(%dma_wait3A_90 : memref<40xi32, #tpu.memory_space<hbm>>) dst(%arg12 : memref<40xi32, #tpu.memory_space<vmem>>)
      %dma_start3A_91 = arith.constant 0 : i32
      %dma_start3A_92 = arith.constant 0 : i32
      %dma_start3A_93 = tpu.memref_slice %arg2[%dma_start3A_91, %dma_start3A_92] : memref<20480x128xf32, #tpu.memory_space<hbm>> -> memref<20480x128xf32, #tpu.memory_space<hbm>>
      tpu.enqueue_indirect_dma source(%dma_start3A_93 : memref<20480x128xf32, #tpu.memory_space<hbm>>) target(%arg7 : memref<40x128xf32, #tpu.memory_space<vmem>>) offsets(%arg12 : memref<40xi32, #tpu.memory_space<vmem>>) semaphore(%arg23 : memref<!tpu.dma_semaphore, #tpu.memory_space<semaphore_mem>>)
      %dma_wait3A_94 = tpu.memref_slice %arg3[%add3A_31] : memref<320000xi32, #tpu.memory_space<hbm>> -> memref<40xi32, #tpu.memory_space<hbm>>
      %dma_wait3A_95 = tpu.memref_slice %arg3[%add3A_31] : memref<320000xi32, #tpu.memory_space<hbm>> -> memref<40xi32, #tpu.memory_space<hbm>>
      tpu.wait_dma2 semaphore(%arg24 : memref<!tpu.dma_semaphore, #tpu.memory_space<semaphore_mem>>) src(%dma_wait3A_95 : memref<40xi32, #tpu.memory_space<hbm>>) dst(%arg13 : memref<40xi32, #tpu.memory_space<vmem>>)
      %dma_start3A_96 = arith.constant 0 : i32
      %dma_start3A_97 = arith.constant 0 : i32
      %dma_start3A_98 = tpu.memref_slice %arg2[%dma_start3A_96, %dma_start3A_97] : memref<20480x128xf32, #tpu.memory_space<hbm>> -> memref<20480x128xf32, #tpu.memory_space<hbm>>
      tpu.enqueue_indirect_dma source(%dma_start3A_98 : memref<20480x128xf32, #tpu.memory_space<hbm>>) target(%arg8 : memref<40x128xf32, #tpu.memory_space<vmem>>) offsets(%arg13 : memref<40xi32, #tpu.memory_space<vmem>>) semaphore(%arg23 : memref<!tpu.dma_semaphore, #tpu.memory_space<semaphore_mem>>)
      %dma_wait3A_99 = tpu.memref_slice %arg3[%add3A_38] : memref<320000xi32, #tpu.memory_space<hbm>> -> memref<40xi32, #tpu.memory_space<hbm>>
      %dma_wait3A_100 = tpu.memref_slice %arg3[%add3A_38] : memref<320000xi32, #tpu.memory_space<hbm>> -> memref<40xi32, #tpu.memory_space<hbm>>
      tpu.wait_dma2 semaphore(%arg24 : memref<!tpu.dma_semaphore, #tpu.memory_space<semaphore_mem>>) src(%dma_wait3A_100 : memref<40xi32, #tpu.memory_space<hbm>>) dst(%arg14 : memref<40xi32, #tpu.memory_space<vmem>>)
      %dma_start3A_101 = arith.constant 0 : i32
      %dma_start3A_102 = arith.constant 0 : i32
      %dma_start3A_103 = tpu.memref_slice %arg2[%dma_start3A_101, %dma_start3A_102] : memref<20480x128xf32, #tpu.memory_space<hbm>> -> memref<20480x128xf32, #tpu.memory_space<hbm>>
      tpu.enqueue_indirect_dma source(%dma_start3A_103 : memref<20480x128xf32, #tpu.memory_space<hbm>>) target(%arg9 : memref<40x128xf32, #tpu.memory_space<vmem>>) offsets(%arg14 : memref<40xi32, #tpu.memory_space<vmem>>) semaphore(%arg23 : memref<!tpu.dma_semaphore, #tpu.memory_space<semaphore_mem>>)
      %dma_wait3A_104 = tpu.memref_slice %arg3[%add3A_45] : memref<320000xi32, #tpu.memory_space<hbm>> -> memref<40xi32, #tpu.memory_space<hbm>>
      %dma_wait3A_105 = tpu.memref_slice %arg3[%add3A_45] : memref<320000xi32, #tpu.memory_space<hbm>> -> memref<40xi32, #tpu.memory_space<hbm>>
      tpu.wait_dma2 semaphore(%arg24 : memref<!tpu.dma_semaphore, #tpu.memory_space<semaphore_mem>>) src(%dma_wait3A_105 : memref<40xi32, #tpu.memory_space<hbm>>) dst(%arg15 : memref<40xi32, #tpu.memory_space<vmem>>)
      %dma_start3A_106 = arith.constant 0 : i32
      %dma_start3A_107 = arith.constant 0 : i32
      %dma_start3A_108 = tpu.memref_slice %arg2[%dma_start3A_106, %dma_start3A_107] : memref<20480x128xf32, #tpu.memory_space<hbm>> -> memref<20480x128xf32, #tpu.memory_space<hbm>>
      tpu.enqueue_indirect_dma source(%dma_start3A_108 : memref<20480x128xf32, #tpu.memory_space<hbm>>) target(%arg10 : memref<40x128xf32, #tpu.memory_space<vmem>>) offsets(%arg15 : memref<40xi32, #tpu.memory_space<vmem>>) semaphore(%arg23 : memref<!tpu.dma_semaphore, #tpu.memory_space<semaphore_mem>>)
      %dma_wait3A_109 = tpu.memref_slice %arg3[%add3A_52] : memref<320000xi32, #tpu.memory_space<hbm>> -> memref<40xi32, #tpu.memory_space<hbm>>
      %dma_wait3A_110 = tpu.memref_slice %arg3[%add3A_52] : memref<320000xi32, #tpu.memory_space<hbm>> -> memref<40xi32, #tpu.memory_space<hbm>>
      tpu.wait_dma2 semaphore(%arg24 : memref<!tpu.dma_semaphore, #tpu.memory_space<semaphore_mem>>) src(%dma_wait3A_110 : memref<40xi32, #tpu.memory_space<hbm>>) dst(%arg16 : memref<40xi32, #tpu.memory_space<vmem>>)
      %dma_start3A_111 = arith.constant 0 : i32
      %dma_start3A_112 = arith.constant 0 : i32
      %dma_start3A_113 = tpu.memref_slice %arg2[%dma_start3A_111, %dma_start3A_112] : memref<20480x128xf32, #tpu.memory_space<hbm>> -> memref<20480x128xf32, #tpu.memory_space<hbm>>
      tpu.enqueue_indirect_dma source(%dma_start3A_113 : memref<20480x128xf32, #tpu.memory_space<hbm>>) target(%arg11 : memref<40x128xf32, #tpu.memory_space<vmem>>) offsets(%arg16 : memref<40xi32, #tpu.memory_space<vmem>>) semaphore(%arg23 : memref<!tpu.dma_semaphore, #tpu.memory_space<semaphore_mem>>)
      %dma_wait3A_114 = arith.constant 0 : i32
      %dma_wait3A_115 = arith.constant 0 : i32
      %dma_wait3A_116 = tpu.memref_slice %arg2[%dma_wait3A_114, %dma_wait3A_115] : memref<20480x128xf32, #tpu.memory_space<hbm>> -> memref<20480x128xf32, #tpu.memory_space<hbm>>
      tpu.wait_indirect_dma semaphore(%arg23 : memref<!tpu.dma_semaphore, #tpu.memory_space<semaphore_mem>>) src(%dma_wait3A_116 : memref<20480x128xf32, #tpu.memory_space<hbm>>) dst(%arg7 : memref<40x128xf32, #tpu.memory_space<vmem>>)
      %dma_wait3A_117 = tpu.memref_slice %arg4[%add3A_59] : memref<160000xi32, #tpu.memory_space<hbm>> -> memref<40xi32, #tpu.memory_space<hbm>>
      %dma_wait3A_118 = tpu.memref_slice %arg4[%add3A_59] : memref<160000xi32, #tpu.memory_space<hbm>> -> memref<40xi32, #tpu.memory_space<hbm>>
      tpu.wait_dma2 semaphore(%arg25 : memref<!tpu.dma_semaphore, #tpu.memory_space<semaphore_mem>>) src(%dma_wait3A_118 : memref<40xi32, #tpu.memory_space<hbm>>) dst(%arg17 : memref<40xi32, #tpu.memory_space<vmem>>)
      "tpu.region"() ({
        %run_scoped3A = tpu.sem_alloc : memref<!tpu.dma_semaphore, #tpu.memory_space<semaphore_mem>>
        %dma_start3A_140 = arith.constant 0 : i32
        %dma_start3A_141 = arith.constant 0 : i32
        %dma_start3A_142 = tpu.memref_slice %arg22[%dma_start3A_140, %dma_start3A_141] : memref<10240x128xf32, #tpu.memory_space<vmem_shared>> -> memref<10240x128xf32, #tpu.memory_space<vmem_shared>>
        tpu.enqueue_indirect_dma source(%arg7 : memref<40x128xf32, #tpu.memory_space<vmem>>) target(%dma_start3A_142 : memref<10240x128xf32, #tpu.memory_space<vmem_shared>>) offsets(%arg17 : memref<40xi32, #tpu.memory_space<vmem>>) semaphore(%run_scoped3A : memref<!tpu.dma_semaphore, #tpu.memory_space<semaphore_mem>>) {add = true}
        %dma_wait3A_143 = arith.constant 0 : i32
        %dma_wait3A_144 = arith.constant 0 : i32
        %dma_wait3A_145 = tpu.memref_slice %arg22[%dma_wait3A_143, %dma_wait3A_144] : memref<10240x128xf32, #tpu.memory_space<vmem_shared>> -> memref<10240x128xf32, #tpu.memory_space<vmem_shared>>
        tpu.wait_indirect_dma semaphore(%run_scoped3A : memref<!tpu.dma_semaphore, #tpu.memory_space<semaphore_mem>>) src(%arg7 : memref<40x128xf32, #tpu.memory_space<vmem>>) dst(%dma_wait3A_145 : memref<10240x128xf32, #tpu.memory_space<vmem_shared>>)
        tpu.yield
      }) : () -> ()
      %dma_wait3A_119 = arith.constant 0 : i32
      %dma_wait3A_120 = arith.constant 0 : i32
      %dma_wait3A_121 = tpu.memref_slice %arg2[%dma_wait3A_119, %dma_wait3A_120] : memref<20480x128xf32, #tpu.memory_space<hbm>> -> memref<20480x128xf32, #tpu.memory_space<hbm>>
      tpu.wait_indirect_dma semaphore(%arg23 : memref<!tpu.dma_semaphore, #tpu.memory_space<semaphore_mem>>) src(%dma_wait3A_121 : memref<20480x128xf32, #tpu.memory_space<hbm>>) dst(%arg8 : memref<40x128xf32, #tpu.memory_space<vmem>>)
      %dma_wait3A_122 = tpu.memref_slice %arg4[%add3A_66] : memref<160000xi32, #tpu.memory_space<hbm>> -> memref<40xi32, #tpu.memory_space<hbm>>
      %dma_wait3A_123 = tpu.memref_slice %arg4[%add3A_66] : memref<160000xi32, #tpu.memory_space<hbm>> -> memref<40xi32, #tpu.memory_space<hbm>>
      tpu.wait_dma2 semaphore(%arg25 : memref<!tpu.dma_semaphore, #tpu.memory_space<semaphore_mem>>) src(%dma_wait3A_123 : memref<40xi32, #tpu.memory_space<hbm>>) dst(%arg18 : memref<40xi32, #tpu.memory_space<vmem>>)
      "tpu.region"() ({
        %run_scoped3A = tpu.sem_alloc : memref<!tpu.dma_semaphore, #tpu.memory_space<semaphore_mem>>
        %dma_start3A_140 = arith.constant 0 : i32
        %dma_start3A_141 = arith.constant 0 : i32
        %dma_start3A_142 = tpu.memref_slice %arg22[%dma_start3A_140, %dma_start3A_141] : memref<10240x128xf32, #tpu.memory_space<vmem_shared>> -> memref<10240x128xf32, #tpu.memory_space<vmem_shared>>
        tpu.enqueue_indirect_dma source(%arg8 : memref<40x128xf32, #tpu.memory_space<vmem>>) target(%dma_start3A_142 : memref<10240x128xf32, #tpu.memory_space<vmem_shared>>) offsets(%arg18 : memref<40xi32, #tpu.memory_space<vmem>>) semaphore(%run_scoped3A : memref<!tpu.dma_semaphore, #tpu.memory_space<semaphore_mem>>) {add = true}
        %dma_wait3A_143 = arith.constant 0 : i32
        %dma_wait3A_144 = arith.constant 0 : i32
        %dma_wait3A_145 = tpu.memref_slice %arg22[%dma_wait3A_143, %dma_wait3A_144] : memref<10240x128xf32, #tpu.memory_space<vmem_shared>> -> memref<10240x128xf32, #tpu.memory_space<vmem_shared>>
        tpu.wait_indirect_dma semaphore(%run_scoped3A : memref<!tpu.dma_semaphore, #tpu.memory_space<semaphore_mem>>) src(%arg8 : memref<40x128xf32, #tpu.memory_space<vmem>>) dst(%dma_wait3A_145 : memref<10240x128xf32, #tpu.memory_space<vmem_shared>>)
        tpu.yield
      }) : () -> ()
      %dma_wait3A_124 = arith.constant 0 : i32
      %dma_wait3A_125 = arith.constant 0 : i32
      %dma_wait3A_126 = tpu.memref_slice %arg2[%dma_wait3A_124, %dma_wait3A_125] : memref<20480x128xf32, #tpu.memory_space<hbm>> -> memref<20480x128xf32, #tpu.memory_space<hbm>>
      tpu.wait_indirect_dma semaphore(%arg23 : memref<!tpu.dma_semaphore, #tpu.memory_space<semaphore_mem>>) src(%dma_wait3A_126 : memref<20480x128xf32, #tpu.memory_space<hbm>>) dst(%arg9 : memref<40x128xf32, #tpu.memory_space<vmem>>)
      %dma_wait3A_127 = tpu.memref_slice %arg4[%add3A_73] : memref<160000xi32, #tpu.memory_space<hbm>> -> memref<40xi32, #tpu.memory_space<hbm>>
      %dma_wait3A_128 = tpu.memref_slice %arg4[%add3A_73] : memref<160000xi32, #tpu.memory_space<hbm>> -> memref<40xi32, #tpu.memory_space<hbm>>
      tpu.wait_dma2 semaphore(%arg25 : memref<!tpu.dma_semaphore, #tpu.memory_space<semaphore_mem>>) src(%dma_wait3A_128 : memref<40xi32, #tpu.memory_space<hbm>>) dst(%arg19 : memref<40xi32, #tpu.memory_space<vmem>>)
      "tpu.region"() ({
        %run_scoped3A = tpu.sem_alloc : memref<!tpu.dma_semaphore, #tpu.memory_space<semaphore_mem>>
        %dma_start3A_140 = arith.constant 0 : i32
        %dma_start3A_141 = arith.constant 0 : i32
        %dma_start3A_142 = tpu.memref_slice %arg22[%dma_start3A_140, %dma_start3A_141] : memref<10240x128xf32, #tpu.memory_space<vmem_shared>> -> memref<10240x128xf32, #tpu.memory_space<vmem_shared>>
        tpu.enqueue_indirect_dma source(%arg9 : memref<40x128xf32, #tpu.memory_space<vmem>>) target(%dma_start3A_142 : memref<10240x128xf32, #tpu.memory_space<vmem_shared>>) offsets(%arg19 : memref<40xi32, #tpu.memory_space<vmem>>) semaphore(%run_scoped3A : memref<!tpu.dma_semaphore, #tpu.memory_space<semaphore_mem>>) {add = true}
        %dma_wait3A_143 = arith.constant 0 : i32
        %dma_wait3A_144 = arith.constant 0 : i32
        %dma_wait3A_145 = tpu.memref_slice %arg22[%dma_wait3A_143, %dma_wait3A_144] : memref<10240x128xf32, #tpu.memory_space<vmem_shared>> -> memref<10240x128xf32, #tpu.memory_space<vmem_shared>>
        tpu.wait_indirect_dma semaphore(%run_scoped3A : memref<!tpu.dma_semaphore, #tpu.memory_space<semaphore_mem>>) src(%arg9 : memref<40x128xf32, #tpu.memory_space<vmem>>) dst(%dma_wait3A_145 : memref<10240x128xf32, #tpu.memory_space<vmem_shared>>)
        tpu.yield
      }) : () -> ()
      %dma_wait3A_129 = arith.constant 0 : i32
      %dma_wait3A_130 = arith.constant 0 : i32
      %dma_wait3A_131 = tpu.memref_slice %arg2[%dma_wait3A_129, %dma_wait3A_130] : memref<20480x128xf32, #tpu.memory_space<hbm>> -> memref<20480x128xf32, #tpu.memory_space<hbm>>
      tpu.wait_indirect_dma semaphore(%arg23 : memref<!tpu.dma_semaphore, #tpu.memory_space<semaphore_mem>>) src(%dma_wait3A_131 : memref<20480x128xf32, #tpu.memory_space<hbm>>) dst(%arg10 : memref<40x128xf32, #tpu.memory_space<vmem>>)
      %dma_wait3A_132 = tpu.memref_slice %arg4[%add3A_80] : memref<160000xi32, #tpu.memory_space<hbm>> -> memref<40xi32, #tpu.memory_space<hbm>>
      %dma_wait3A_133 = tpu.memref_slice %arg4[%add3A_80] : memref<160000xi32, #tpu.memory_space<hbm>> -> memref<40xi32, #tpu.memory_space<hbm>>
      tpu.wait_dma2 semaphore(%arg25 : memref<!tpu.dma_semaphore, #tpu.memory_space<semaphore_mem>>) src(%dma_wait3A_133 : memref<40xi32, #tpu.memory_space<hbm>>) dst(%arg20 : memref<40xi32, #tpu.memory_space<vmem>>)
      "tpu.region"() ({
        %run_scoped3A = tpu.sem_alloc : memref<!tpu.dma_semaphore, #tpu.memory_space<semaphore_mem>>
        %dma_start3A_140 = arith.constant 0 : i32
        %dma_start3A_141 = arith.constant 0 : i32
        %dma_start3A_142 = tpu.memref_slice %arg22[%dma_start3A_140, %dma_start3A_141] : memref<10240x128xf32, #tpu.memory_space<vmem_shared>> -> memref<10240x128xf32, #tpu.memory_space<vmem_shared>>
        tpu.enqueue_indirect_dma source(%arg10 : memref<40x128xf32, #tpu.memory_space<vmem>>) target(%dma_start3A_142 : memref<10240x128xf32, #tpu.memory_space<vmem_shared>>) offsets(%arg20 : memref<40xi32, #tpu.memory_space<vmem>>) semaphore(%run_scoped3A : memref<!tpu.dma_semaphore, #tpu.memory_space<semaphore_mem>>) {add = true}
        %dma_wait3A_143 = arith.constant 0 : i32
        %dma_wait3A_144 = arith.constant 0 : i32
        %dma_wait3A_145 = tpu.memref_slice %arg22[%dma_wait3A_143, %dma_wait3A_144] : memref<10240x128xf32, #tpu.memory_space<vmem_shared>> -> memref<10240x128xf32, #tpu.memory_space<vmem_shared>>
        tpu.wait_indirect_dma semaphore(%run_scoped3A : memref<!tpu.dma_semaphore, #tpu.memory_space<semaphore_mem>>) src(%arg10 : memref<40x128xf32, #tpu.memory_space<vmem>>) dst(%dma_wait3A_145 : memref<10240x128xf32, #tpu.memory_space<vmem_shared>>)
        tpu.yield
      }) : () -> ()
      %dma_wait3A_134 = arith.constant 0 : i32
      %dma_wait3A_135 = arith.constant 0 : i32
      %dma_wait3A_136 = tpu.memref_slice %arg2[%dma_wait3A_134, %dma_wait3A_135] : memref<20480x128xf32, #tpu.memory_space<hbm>> -> memref<20480x128xf32, #tpu.memory_space<hbm>>
      tpu.wait_indirect_dma semaphore(%arg23 : memref<!tpu.dma_semaphore, #tpu.memory_space<semaphore_mem>>) src(%dma_wait3A_136 : memref<20480x128xf32, #tpu.memory_space<hbm>>) dst(%arg11 : memref<40x128xf32, #tpu.memory_space<vmem>>)
      %dma_wait3A_137 = tpu.memref_slice %arg4[%add3A_87] : memref<160000xi32, #tpu.memory_space<hbm>> -> memref<40xi32, #tpu.memory_space<hbm>>
      %dma_wait3A_138 = tpu.memref_slice %arg4[%add3A_87] : memref<160000xi32, #tpu.memory_space<hbm>> -> memref<40xi32, #tpu.memory_space<hbm>>
      tpu.wait_dma2 semaphore(%arg25 : memref<!tpu.dma_semaphore, #tpu.memory_space<semaphore_mem>>) src(%dma_wait3A_138 : memref<40xi32, #tpu.memory_space<hbm>>) dst(%arg21 : memref<40xi32, #tpu.memory_space<vmem>>)
      "tpu.region"() ({
        %run_scoped3A = tpu.sem_alloc : memref<!tpu.dma_semaphore, #tpu.memory_space<semaphore_mem>>
        %dma_start3A_140 = arith.constant 0 : i32
        %dma_start3A_141 = arith.constant 0 : i32
        %dma_start3A_142 = tpu.memref_slice %arg22[%dma_start3A_140, %dma_start3A_141] : memref<10240x128xf32, #tpu.memory_space<vmem_shared>> -> memref<10240x128xf32, #tpu.memory_space<vmem_shared>>
        tpu.enqueue_indirect_dma source(%arg11 : memref<40x128xf32, #tpu.memory_space<vmem>>) target(%dma_start3A_142 : memref<10240x128xf32, #tpu.memory_space<vmem_shared>>) offsets(%arg21 : memref<40xi32, #tpu.memory_space<vmem>>) semaphore(%run_scoped3A : memref<!tpu.dma_semaphore, #tpu.memory_space<semaphore_mem>>) {add = true}
        %dma_wait3A_143 = arith.constant 0 : i32
        %dma_wait3A_144 = arith.constant 0 : i32
        %dma_wait3A_145 = tpu.memref_slice %arg22[%dma_wait3A_143, %dma_wait3A_144] : memref<10240x128xf32, #tpu.memory_space<vmem_shared>> -> memref<10240x128xf32, #tpu.memory_space<vmem_shared>>
        tpu.wait_indirect_dma semaphore(%run_scoped3A : memref<!tpu.dma_semaphore, #tpu.memory_space<semaphore_mem>>) src(%arg11 : memref<40x128xf32, #tpu.memory_space<vmem>>) dst(%dma_wait3A_145 : memref<10240x128xf32, #tpu.memory_space<vmem_shared>>)
        tpu.yield
      }) : () -> ()
      %scan3A_139 = arith.constant 0 : i32
      scf.yield %scan3A_139 : i32
    }
    %scan3A_12 = arith.constant 50 : i32
    %barrier3A_13 = arith.constant 0 : index
    tpu.barrier barrier_id(%barrier3A_13)
    %mul3A_14 = arith.constant 10240 : i32
    %mul3A_15 = arith.muli %arg0, %mul3A_14 : i32
    %add3A_16 = arith.addi %mul3A_15, %mul3A_0 : i32
    "tpu.region"() ({
      %run_scoped3A = tpu.sem_alloc : memref<!tpu.dma_semaphore, #tpu.memory_space<semaphore_mem>>
      %dma_start3A = arith.constant 0 : i32
      %dma_start3A_17 = tpu.memref_slice %arg6[%add3A_16, %dma_start3A] : memref<20480x128xf32, #tpu.memory_space<hbm>> -> memref<640x128xf32, #tpu.memory_space<hbm>>
      %dma_start3A_18 = arith.constant 0 : i32
      %dma_start3A_19 = tpu.memref_slice %arg22[%mul3A_0, %dma_start3A_18] : memref<10240x128xf32, #tpu.memory_space<vmem_shared>> -> memref<640x128xf32, #tpu.memory_space<vmem_shared>>
      tpu.enqueue_dma source(%dma_start3A_19 : memref<640x128xf32, #tpu.memory_space<vmem_shared>>) target(%dma_start3A_17 : memref<640x128xf32, #tpu.memory_space<hbm>>) target_semaphore(%run_scoped3A : memref<!tpu.dma_semaphore, #tpu.memory_space<semaphore_mem>>)
      %dma_wait3A = arith.constant 0 : i32
      %dma_wait3A_20 = tpu.memref_slice %arg6[%add3A_16, %dma_wait3A] : memref<20480x128xf32, #tpu.memory_space<hbm>> -> memref<640x128xf32, #tpu.memory_space<hbm>>
      %dma_wait3A_21 = arith.constant 0 : i32
      %dma_wait3A_22 = tpu.memref_slice %arg22[%mul3A_0, %dma_wait3A_21] : memref<10240x128xf32, #tpu.memory_space<vmem_shared>> -> memref<640x128xf32, #tpu.memory_space<vmem_shared>>
      tpu.wait_dma2 semaphore(%run_scoped3A : memref<!tpu.dma_semaphore, #tpu.memory_space<semaphore_mem>>) src(%dma_wait3A_22 : memref<640x128xf32, #tpu.memory_space<vmem_shared>>) dst(%dma_wait3A_20 : memref<640x128xf32, #tpu.memory_space<hbm>>)
      tpu.yield
    }) : () -> ()
    return
  }
}

#map = affine_map<(d0, d1) -> (0, 0)>
#map1 = affine_map<(d0, d1) -> (0)>
module attributes {stable_mosaic.version = 14 : i64} {
  func.func @sc_agg(%arg0: i32, %arg1: i32, %arg2: memref<20480x128xf32, #tpu.memory_space<hbm>>, %arg3: memref<320000xi32, #tpu.memory_space<hbm>>, %arg4: memref<160000xi32, #tpu.memory_space<hbm>>, %arg5: memref<640x128xf32, #tpu.memory_space<hbm>>, %arg6: memref<20480x128xf32, #tpu.memory_space<hbm>>, %arg7: memref<40x128xf32, #tpu.memory_space<vmem>>, %arg8: memref<40x128xf32, #tpu.memory_space<vmem>>, %arg9: memref<40x128xf32, #tpu.memory_space<vmem>>, %arg10: memref<40x128xf32, #tpu.memory_space<vmem>>, %arg11: memref<40x128xf32, #tpu.memory_space<vmem>>, %arg12: memref<40xi32, #tpu.memory_space<vmem>>, %arg13: memref<40xi32, #tpu.memory_space<vmem>>, %arg14: memref<40xi32, #tpu.memory_space<vmem>>, %arg15: memref<40xi32, #tpu.memory_space<vmem>>, %arg16: memref<40xi32, #tpu.memory_space<vmem>>, %arg17: memref<40xi32, #tpu.memory_space<vmem>>, %arg18: memref<40xi32, #tpu.memory_space<vmem>>, %arg19: memref<40xi32, #tpu.memory_space<vmem>>, %arg20: memref<40xi32, #tpu.memory_space<vmem>>, %arg21: memref<40xi32, #tpu.memory_space<vmem>>, %arg22: memref<10240x128xf32, #tpu.memory_space<vmem_shared>>, %arg23: memref<!tpu.dma_semaphore, #tpu.memory_space<semaphore_mem>>, %arg24: memref<!tpu.dma_semaphore, #tpu.memory_space<semaphore_mem>>, %arg25: memref<!tpu.dma_semaphore, #tpu.memory_space<semaphore_mem>>) attributes {dimension_semantics = [#tpu.dimension_semantics<core_parallel>, #tpu.dimension_semantics<subcore_parallel>], iteration_bounds = array<i64: 2, 16>, scalar_prefetch = 0 : i64, scratch_operands = 19 : i64, tpu.core_type = #tpu.core_type<sc_vector_subcore>, window_params = [{transform_indices = #map}, {transform_indices = #map1}, {transform_indices = #map1}, {transform_indices = #map}, {transform_indices = #map}]} {
    %mul3A = arith.constant 640 : i32
    %mul3A_0 = arith.muli %arg1, %mul3A : i32
    "tpu.region"() ({
      %run_scoped3A = tpu.sem_alloc : memref<!tpu.dma_semaphore, #tpu.memory_space<semaphore_mem>>
      %dma_start3A = arith.constant 0 : i32
      %dma_start3A_17 = tpu.memref_slice %arg22[%mul3A_0, %dma_start3A] : memref<10240x128xf32, #tpu.memory_space<vmem_shared>> -> memref<640x128xf32, #tpu.memory_space<vmem_shared>>
      tpu.enqueue_dma source(%arg5 : memref<640x128xf32, #tpu.memory_space<hbm>>) target(%dma_start3A_17 : memref<640x128xf32, #tpu.memory_space<vmem_shared>>) target_semaphore(%run_scoped3A : memref<!tpu.dma_semaphore, #tpu.memory_space<semaphore_mem>>)
      %dma_wait3A = arith.constant 0 : i32
      %dma_wait3A_18 = tpu.memref_slice %arg22[%mul3A_0, %dma_wait3A] : memref<10240x128xf32, #tpu.memory_space<vmem_shared>> -> memref<640x128xf32, #tpu.memory_space<vmem_shared>>
      tpu.wait_dma2 semaphore(%run_scoped3A : memref<!tpu.dma_semaphore, #tpu.memory_space<semaphore_mem>>) src(%arg5 : memref<640x128xf32, #tpu.memory_space<hbm>>) dst(%dma_wait3A_18 : memref<640x128xf32, #tpu.memory_space<vmem_shared>>)
      tpu.yield
    }) : () -> ()
    %barrier3A = arith.constant 0 : index
    tpu.barrier barrier_id(%barrier3A)
    %mul3A_1 = arith.constant 160000 : i32
    %mul3A_2 = arith.muli %arg0, %mul3A_1 : i32
    %mul3A_3 = arith.constant 10000 : i32
    %mul3A_4 = arith.muli %arg1, %mul3A_3 : i32
    %add3A = arith.addi %mul3A_2, %mul3A_4 : i32
    %mul3A_5 = arith.constant 10000 : i32
    %mul3A_6 = arith.muli %arg1, %mul3A_5 : i32
    %scan3A = arith.constant 0 : i32
    %scan3A_7 = arith.constant 0 : i32
    %scan3A_8 = arith.constant 50 : i32
    %scan3A_9 = arith.addi %scan3A_7, %scan3A_8 : i32
    %scan3A_10 = arith.constant 1 : i32
    %scan3A_11 = scf.for %scan3A_17 = %scan3A_7 to %scan3A_9 step %scan3A_10 iter_args(%scan3A_18 = %scan3A) -> (i32)  : i32 {
      %mul3A_19 = arith.constant 5 : i32
      %mul3A_20 = arith.muli %scan3A_17, %mul3A_19 : i32
      %add3A_21 = arith.constant 0 : i32
      %add3A_22 = arith.addi %mul3A_20, %add3A_21 : i32
      %mul3A_23 = arith.constant 40 : i32
      %mul3A_24 = arith.muli %add3A_22, %mul3A_23 : i32
      %add3A_25 = arith.addi %add3A, %mul3A_24 : i32
      %dma_start3A = tpu.memref_slice %arg3[%add3A_25] : memref<320000xi32, #tpu.memory_space<hbm>> -> memref<40xi32, #tpu.memory_space<hbm>>
      %dma_start3A_26 = tpu.memref_slice %arg3[%add3A_25] : memref<320000xi32, #tpu.memory_space<hbm>> -> memref<40xi32, #tpu.memory_space<hbm>>
      tpu.enqueue_dma source(%dma_start3A_26 : memref<40xi32, #tpu.memory_space<hbm>>) target(%arg12 : memref<40xi32, #tpu.memory_space<vmem>>) target_semaphore(%arg24 : memref<!tpu.dma_semaphore, #tpu.memory_space<semaphore_mem>>)
      %add3A_27 = arith.constant 1 : i32
      %add3A_28 = arith.addi %mul3A_20, %add3A_27 : i32
      %mul3A_29 = arith.constant 40 : i32
      %mul3A_30 = arith.muli %add3A_28, %mul3A_29 : i32
      %add3A_31 = arith.addi %add3A, %mul3A_30 : i32
      %dma_start3A_32 = tpu.memref_slice %arg3[%add3A_31] : memref<320000xi32, #tpu.memory_space<hbm>> -> memref<40xi32, #tpu.memory_space<hbm>>
      %dma_start3A_33 = tpu.memref_slice %arg3[%add3A_31] : memref<320000xi32, #tpu.memory_space<hbm>> -> memref<40xi32, #tpu.memory_space<hbm>>
      tpu.enqueue_dma source(%dma_start3A_33 : memref<40xi32, #tpu.memory_space<hbm>>) target(%arg13 : memref<40xi32, #tpu.memory_space<vmem>>) target_semaphore(%arg24 : memref<!tpu.dma_semaphore, #tpu.memory_space<semaphore_mem>>)
      %add3A_34 = arith.constant 2 : i32
      %add3A_35 = arith.addi %mul3A_20, %add3A_34 : i32
      %mul3A_36 = arith.constant 40 : i32
      %mul3A_37 = arith.muli %add3A_35, %mul3A_36 : i32
      %add3A_38 = arith.addi %add3A, %mul3A_37 : i32
      %dma_start3A_39 = tpu.memref_slice %arg3[%add3A_38] : memref<320000xi32, #tpu.memory_space<hbm>> -> memref<40xi32, #tpu.memory_space<hbm>>
      %dma_start3A_40 = tpu.memref_slice %arg3[%add3A_38] : memref<320000xi32, #tpu.memory_space<hbm>> -> memref<40xi32, #tpu.memory_space<hbm>>
      tpu.enqueue_dma source(%dma_start3A_40 : memref<40xi32, #tpu.memory_space<hbm>>) target(%arg14 : memref<40xi32, #tpu.memory_space<vmem>>) target_semaphore(%arg24 : memref<!tpu.dma_semaphore, #tpu.memory_space<semaphore_mem>>)
      %add3A_41 = arith.constant 3 : i32
      %add3A_42 = arith.addi %mul3A_20, %add3A_41 : i32
      %mul3A_43 = arith.constant 40 : i32
      %mul3A_44 = arith.muli %add3A_42, %mul3A_43 : i32
      %add3A_45 = arith.addi %add3A, %mul3A_44 : i32
      %dma_start3A_46 = tpu.memref_slice %arg3[%add3A_45] : memref<320000xi32, #tpu.memory_space<hbm>> -> memref<40xi32, #tpu.memory_space<hbm>>
      %dma_start3A_47 = tpu.memref_slice %arg3[%add3A_45] : memref<320000xi32, #tpu.memory_space<hbm>> -> memref<40xi32, #tpu.memory_space<hbm>>
      tpu.enqueue_dma source(%dma_start3A_47 : memref<40xi32, #tpu.memory_space<hbm>>) target(%arg15 : memref<40xi32, #tpu.memory_space<vmem>>) target_semaphore(%arg24 : memref<!tpu.dma_semaphore, #tpu.memory_space<semaphore_mem>>)
      %add3A_48 = arith.constant 4 : i32
      %add3A_49 = arith.addi %mul3A_20, %add3A_48 : i32
      %mul3A_50 = arith.constant 40 : i32
      %mul3A_51 = arith.muli %add3A_49, %mul3A_50 : i32
      %add3A_52 = arith.addi %add3A, %mul3A_51 : i32
      %dma_start3A_53 = tpu.memref_slice %arg3[%add3A_52] : memref<320000xi32, #tpu.memory_space<hbm>> -> memref<40xi32, #tpu.memory_space<hbm>>
      %dma_start3A_54 = tpu.memref_slice %arg3[%add3A_52] : memref<320000xi32, #tpu.memory_space<hbm>> -> memref<40xi32, #tpu.memory_space<hbm>>
      tpu.enqueue_dma source(%dma_start3A_54 : memref<40xi32, #tpu.memory_space<hbm>>) target(%arg16 : memref<40xi32, #tpu.memory_space<vmem>>) target_semaphore(%arg24 : memref<!tpu.dma_semaphore, #tpu.memory_space<semaphore_mem>>)
      %add3A_55 = arith.constant 0 : i32
      %add3A_56 = arith.addi %mul3A_20, %add3A_55 : i32
      %mul3A_57 = arith.constant 40 : i32
      %mul3A_58 = arith.muli %add3A_56, %mul3A_57 : i32
      %add3A_59 = arith.addi %mul3A_6, %mul3A_58 : i32
      %dma_start3A_60 = tpu.memref_slice %arg4[%add3A_59] : memref<160000xi32, #tpu.memory_space<hbm>> -> memref<40xi32, #tpu.memory_space<hbm>>
      %dma_start3A_61 = tpu.memref_slice %arg4[%add3A_59] : memref<160000xi32, #tpu.memory_space<hbm>> -> memref<40xi32, #tpu.memory_space<hbm>>
      tpu.enqueue_dma source(%dma_start3A_61 : memref<40xi32, #tpu.memory_space<hbm>>) target(%arg17 : memref<40xi32, #tpu.memory_space<vmem>>) target_semaphore(%arg25 : memref<!tpu.dma_semaphore, #tpu.memory_space<semaphore_mem>>)
      %add3A_62 = arith.constant 1 : i32
      %add3A_63 = arith.addi %mul3A_20, %add3A_62 : i32
      %mul3A_64 = arith.constant 40 : i32
      %mul3A_65 = arith.muli %add3A_63, %mul3A_64 : i32
      %add3A_66 = arith.addi %mul3A_6, %mul3A_65 : i32
      %dma_start3A_67 = tpu.memref_slice %arg4[%add3A_66] : memref<160000xi32, #tpu.memory_space<hbm>> -> memref<40xi32, #tpu.memory_space<hbm>>
      %dma_start3A_68 = tpu.memref_slice %arg4[%add3A_66] : memref<160000xi32, #tpu.memory_space<hbm>> -> memref<40xi32, #tpu.memory_space<hbm>>
      tpu.enqueue_dma source(%dma_start3A_68 : memref<40xi32, #tpu.memory_space<hbm>>) target(%arg18 : memref<40xi32, #tpu.memory_space<vmem>>) target_semaphore(%arg25 : memref<!tpu.dma_semaphore, #tpu.memory_space<semaphore_mem>>)
      %add3A_69 = arith.constant 2 : i32
      %add3A_70 = arith.addi %mul3A_20, %add3A_69 : i32
      %mul3A_71 = arith.constant 40 : i32
      %mul3A_72 = arith.muli %add3A_70, %mul3A_71 : i32
      %add3A_73 = arith.addi %mul3A_6, %mul3A_72 : i32
      %dma_start3A_74 = tpu.memref_slice %arg4[%add3A_73] : memref<160000xi32, #tpu.memory_space<hbm>> -> memref<40xi32, #tpu.memory_space<hbm>>
      %dma_start3A_75 = tpu.memref_slice %arg4[%add3A_73] : memref<160000xi32, #tpu.memory_space<hbm>> -> memref<40xi32, #tpu.memory_space<hbm>>
      tpu.enqueue_dma source(%dma_start3A_75 : memref<40xi32, #tpu.memory_space<hbm>>) target(%arg19 : memref<40xi32, #tpu.memory_space<vmem>>) target_semaphore(%arg25 : memref<!tpu.dma_semaphore, #tpu.memory_space<semaphore_mem>>)
      %add3A_76 = arith.constant 3 : i32
      %add3A_77 = arith.addi %mul3A_20, %add3A_76 : i32
      %mul3A_78 = arith.constant 40 : i32
      %mul3A_79 = arith.muli %add3A_77, %mul3A_78 : i32
      %add3A_80 = arith.addi %mul3A_6, %mul3A_79 : i32
      %dma_start3A_81 = tpu.memref_slice %arg4[%add3A_80] : memref<160000xi32, #tpu.memory_space<hbm>> -> memref<40xi32, #tpu.memory_space<hbm>>
      %dma_start3A_82 = tpu.memref_slice %arg4[%add3A_80] : memref<160000xi32, #tpu.memory_space<hbm>> -> memref<40xi32, #tpu.memory_space<hbm>>
      tpu.enqueue_dma source(%dma_start3A_82 : memref<40xi32, #tpu.memory_space<hbm>>) target(%arg20 : memref<40xi32, #tpu.memory_space<vmem>>) target_semaphore(%arg25 : memref<!tpu.dma_semaphore, #tpu.memory_space<semaphore_mem>>)
      %add3A_83 = arith.constant 4 : i32
      %add3A_84 = arith.addi %mul3A_20, %add3A_83 : i32
      %mul3A_85 = arith.constant 40 : i32
      %mul3A_86 = arith.muli %add3A_84, %mul3A_85 : i32
      %add3A_87 = arith.addi %mul3A_6, %mul3A_86 : i32
      %dma_start3A_88 = tpu.memref_slice %arg4[%add3A_87] : memref<160000xi32, #tpu.memory_space<hbm>> -> memref<40xi32, #tpu.memory_space<hbm>>
      %dma_start3A_89 = tpu.memref_slice %arg4[%add3A_87] : memref<160000xi32, #tpu.memory_space<hbm>> -> memref<40xi32, #tpu.memory_space<hbm>>
      tpu.enqueue_dma source(%dma_start3A_89 : memref<40xi32, #tpu.memory_space<hbm>>) target(%arg21 : memref<40xi32, #tpu.memory_space<vmem>>) target_semaphore(%arg25 : memref<!tpu.dma_semaphore, #tpu.memory_space<semaphore_mem>>)
      %dma_wait3A = tpu.memref_slice %arg3[%add3A_25] : memref<320000xi32, #tpu.memory_space<hbm>> -> memref<40xi32, #tpu.memory_space<hbm>>
      %dma_wait3A_90 = tpu.memref_slice %arg3[%add3A_25] : memref<320000xi32, #tpu.memory_space<hbm>> -> memref<40xi32, #tpu.memory_space<hbm>>
      tpu.wait_dma2 semaphore(%arg24 : memref<!tpu.dma_semaphore, #tpu.memory_space<semaphore_mem>>) src(%dma_wait3A_90 : memref<40xi32, #tpu.memory_space<hbm>>) dst(%arg12 : memref<40xi32, #tpu.memory_space<vmem>>)
      %dma_start3A_91 = arith.constant 0 : i32
      %dma_start3A_92 = arith.constant 0 : i32
      %dma_start3A_93 = tpu.memref_slice %arg2[%dma_start3A_91, %dma_start3A_92] : memref<20480x128xf32, #tpu.memory_space<hbm>> -> memref<20480x128xf32, #tpu.memory_space<hbm>>
      tpu.enqueue_indirect_dma source(%dma_start3A_93 : memref<20480x128xf32, #tpu.memory_space<hbm>>) target(%arg7 : memref<40x128xf32, #tpu.memory_space<vmem>>) offsets(%arg12 : memref<40xi32, #tpu.memory_space<vmem>>) semaphore(%arg23 : memref<!tpu.dma_semaphore, #tpu.memory_space<semaphore_mem>>)
      %dma_wait3A_94 = tpu.memref_slice %arg3[%add3A_31] : memref<320000xi32, #tpu.memory_space<hbm>> -> memref<40xi32, #tpu.memory_space<hbm>>
      %dma_wait3A_95 = tpu.memref_slice %arg3[%add3A_31] : memref<320000xi32, #tpu.memory_space<hbm>> -> memref<40xi32, #tpu.memory_space<hbm>>
      tpu.wait_dma2 semaphore(%arg24 : memref<!tpu.dma_semaphore, #tpu.memory_space<semaphore_mem>>) src(%dma_wait3A_95 : memref<40xi32, #tpu.memory_space<hbm>>) dst(%arg13 : memref<40xi32, #tpu.memory_space<vmem>>)
      %dma_start3A_96 = arith.constant 0 : i32
      %dma_start3A_97 = arith.constant 0 : i32
      %dma_start3A_98 = tpu.memref_slice %arg2[%dma_start3A_96, %dma_start3A_97] : memref<20480x128xf32, #tpu.memory_space<hbm>> -> memref<20480x128xf32, #tpu.memory_space<hbm>>
      tpu.enqueue_indirect_dma source(%dma_start3A_98 : memref<20480x128xf32, #tpu.memory_space<hbm>>) target(%arg8 : memref<40x128xf32, #tpu.memory_space<vmem>>) offsets(%arg13 : memref<40xi32, #tpu.memory_space<vmem>>) semaphore(%arg23 : memref<!tpu.dma_semaphore, #tpu.memory_space<semaphore_mem>>)
      %dma_wait3A_99 = tpu.memref_slice %arg3[%add3A_38] : memref<320000xi32, #tpu.memory_space<hbm>> -> memref<40xi32, #tpu.memory_space<hbm>>
      %dma_wait3A_100 = tpu.memref_slice %arg3[%add3A_38] : memref<320000xi32, #tpu.memory_space<hbm>> -> memref<40xi32, #tpu.memory_space<hbm>>
      tpu.wait_dma2 semaphore(%arg24 : memref<!tpu.dma_semaphore, #tpu.memory_space<semaphore_mem>>) src(%dma_wait3A_100 : memref<40xi32, #tpu.memory_space<hbm>>) dst(%arg14 : memref<40xi32, #tpu.memory_space<vmem>>)
      %dma_start3A_101 = arith.constant 0 : i32
      %dma_start3A_102 = arith.constant 0 : i32
      %dma_start3A_103 = tpu.memref_slice %arg2[%dma_start3A_101, %dma_start3A_102] : memref<20480x128xf32, #tpu.memory_space<hbm>> -> memref<20480x128xf32, #tpu.memory_space<hbm>>
      tpu.enqueue_indirect_dma source(%dma_start3A_103 : memref<20480x128xf32, #tpu.memory_space<hbm>>) target(%arg9 : memref<40x128xf32, #tpu.memory_space<vmem>>) offsets(%arg14 : memref<40xi32, #tpu.memory_space<vmem>>) semaphore(%arg23 : memref<!tpu.dma_semaphore, #tpu.memory_space<semaphore_mem>>)
      %dma_wait3A_104 = tpu.memref_slice %arg3[%add3A_45] : memref<320000xi32, #tpu.memory_space<hbm>> -> memref<40xi32, #tpu.memory_space<hbm>>
      %dma_wait3A_105 = tpu.memref_slice %arg3[%add3A_45] : memref<320000xi32, #tpu.memory_space<hbm>> -> memref<40xi32, #tpu.memory_space<hbm>>
      tpu.wait_dma2 semaphore(%arg24 : memref<!tpu.dma_semaphore, #tpu.memory_space<semaphore_mem>>) src(%dma_wait3A_105 : memref<40xi32, #tpu.memory_space<hbm>>) dst(%arg15 : memref<40xi32, #tpu.memory_space<vmem>>)
      %dma_start3A_106 = arith.constant 0 : i32
      %dma_start3A_107 = arith.constant 0 : i32
      %dma_start3A_108 = tpu.memref_slice %arg2[%dma_start3A_106, %dma_start3A_107] : memref<20480x128xf32, #tpu.memory_space<hbm>> -> memref<20480x128xf32, #tpu.memory_space<hbm>>
      tpu.enqueue_indirect_dma source(%dma_start3A_108 : memref<20480x128xf32, #tpu.memory_space<hbm>>) target(%arg10 : memref<40x128xf32, #tpu.memory_space<vmem>>) offsets(%arg15 : memref<40xi32, #tpu.memory_space<vmem>>) semaphore(%arg23 : memref<!tpu.dma_semaphore, #tpu.memory_space<semaphore_mem>>)
      %dma_wait3A_109 = tpu.memref_slice %arg3[%add3A_52] : memref<320000xi32, #tpu.memory_space<hbm>> -> memref<40xi32, #tpu.memory_space<hbm>>
      %dma_wait3A_110 = tpu.memref_slice %arg3[%add3A_52] : memref<320000xi32, #tpu.memory_space<hbm>> -> memref<40xi32, #tpu.memory_space<hbm>>
      tpu.wait_dma2 semaphore(%arg24 : memref<!tpu.dma_semaphore, #tpu.memory_space<semaphore_mem>>) src(%dma_wait3A_110 : memref<40xi32, #tpu.memory_space<hbm>>) dst(%arg16 : memref<40xi32, #tpu.memory_space<vmem>>)
      %dma_start3A_111 = arith.constant 0 : i32
      %dma_start3A_112 = arith.constant 0 : i32
      %dma_start3A_113 = tpu.memref_slice %arg2[%dma_start3A_111, %dma_start3A_112] : memref<20480x128xf32, #tpu.memory_space<hbm>> -> memref<20480x128xf32, #tpu.memory_space<hbm>>
      tpu.enqueue_indirect_dma source(%dma_start3A_113 : memref<20480x128xf32, #tpu.memory_space<hbm>>) target(%arg11 : memref<40x128xf32, #tpu.memory_space<vmem>>) offsets(%arg16 : memref<40xi32, #tpu.memory_space<vmem>>) semaphore(%arg23 : memref<!tpu.dma_semaphore, #tpu.memory_space<semaphore_mem>>)
      %dma_wait3A_114 = arith.constant 0 : i32
      %dma_wait3A_115 = arith.constant 0 : i32
      %dma_wait3A_116 = tpu.memref_slice %arg2[%dma_wait3A_114, %dma_wait3A_115] : memref<20480x128xf32, #tpu.memory_space<hbm>> -> memref<20480x128xf32, #tpu.memory_space<hbm>>
      tpu.wait_indirect_dma semaphore(%arg23 : memref<!tpu.dma_semaphore, #tpu.memory_space<semaphore_mem>>) src(%dma_wait3A_116 : memref<20480x128xf32, #tpu.memory_space<hbm>>) dst(%arg7 : memref<40x128xf32, #tpu.memory_space<vmem>>)
      %dma_wait3A_117 = tpu.memref_slice %arg4[%add3A_59] : memref<160000xi32, #tpu.memory_space<hbm>> -> memref<40xi32, #tpu.memory_space<hbm>>
      %dma_wait3A_118 = tpu.memref_slice %arg4[%add3A_59] : memref<160000xi32, #tpu.memory_space<hbm>> -> memref<40xi32, #tpu.memory_space<hbm>>
      tpu.wait_dma2 semaphore(%arg25 : memref<!tpu.dma_semaphore, #tpu.memory_space<semaphore_mem>>) src(%dma_wait3A_118 : memref<40xi32, #tpu.memory_space<hbm>>) dst(%arg17 : memref<40xi32, #tpu.memory_space<vmem>>)
      "tpu.region"() ({
        %run_scoped3A = tpu.sem_alloc : memref<!tpu.dma_semaphore, #tpu.memory_space<semaphore_mem>>
        %dma_start3A_140 = arith.constant 0 : i32
        %dma_start3A_141 = arith.constant 0 : i32
        %dma_start3A_142 = tpu.memref_slice %arg22[%dma_start3A_140, %dma_start3A_141] : memref<10240x128xf32, #tpu.memory_space<vmem_shared>> -> memref<10240x128xf32, #tpu.memory_space<vmem_shared>>
        tpu.enqueue_indirect_dma source(%arg7 : memref<40x128xf32, #tpu.memory_space<vmem>>) target(%dma_start3A_142 : memref<10240x128xf32, #tpu.memory_space<vmem_shared>>) offsets(%arg17 : memref<40xi32, #tpu.memory_space<vmem>>) semaphore(%run_scoped3A : memref<!tpu.dma_semaphore, #tpu.memory_space<semaphore_mem>>) {add = true}
        %dma_wait3A_143 = arith.constant 0 : i32
        %dma_wait3A_144 = arith.constant 0 : i32
        %dma_wait3A_145 = tpu.memref_slice %arg22[%dma_wait3A_143, %dma_wait3A_144] : memref<10240x128xf32, #tpu.memory_space<vmem_shared>> -> memref<10240x128xf32, #tpu.memory_space<vmem_shared>>
        tpu.wait_indirect_dma semaphore(%run_scoped3A : memref<!tpu.dma_semaphore, #tpu.memory_space<semaphore_mem>>) src(%arg7 : memref<40x128xf32, #tpu.memory_space<vmem>>) dst(%dma_wait3A_145 : memref<10240x128xf32, #tpu.memory_space<vmem_shared>>)
        tpu.yield
      }) : () -> ()
      %dma_wait3A_119 = arith.constant 0 : i32
      %dma_wait3A_120 = arith.constant 0 : i32
      %dma_wait3A_121 = tpu.memref_slice %arg2[%dma_wait3A_119, %dma_wait3A_120] : memref<20480x128xf32, #tpu.memory_space<hbm>> -> memref<20480x128xf32, #tpu.memory_space<hbm>>
      tpu.wait_indirect_dma semaphore(%arg23 : memref<!tpu.dma_semaphore, #tpu.memory_space<semaphore_mem>>) src(%dma_wait3A_121 : memref<20480x128xf32, #tpu.memory_space<hbm>>) dst(%arg8 : memref<40x128xf32, #tpu.memory_space<vmem>>)
      %dma_wait3A_122 = tpu.memref_slice %arg4[%add3A_66] : memref<160000xi32, #tpu.memory_space<hbm>> -> memref<40xi32, #tpu.memory_space<hbm>>
      %dma_wait3A_123 = tpu.memref_slice %arg4[%add3A_66] : memref<160000xi32, #tpu.memory_space<hbm>> -> memref<40xi32, #tpu.memory_space<hbm>>
      tpu.wait_dma2 semaphore(%arg25 : memref<!tpu.dma_semaphore, #tpu.memory_space<semaphore_mem>>) src(%dma_wait3A_123 : memref<40xi32, #tpu.memory_space<hbm>>) dst(%arg18 : memref<40xi32, #tpu.memory_space<vmem>>)
      "tpu.region"() ({
        %run_scoped3A = tpu.sem_alloc : memref<!tpu.dma_semaphore, #tpu.memory_space<semaphore_mem>>
        %dma_start3A_140 = arith.constant 0 : i32
        %dma_start3A_141 = arith.constant 0 : i32
        %dma_start3A_142 = tpu.memref_slice %arg22[%dma_start3A_140, %dma_start3A_141] : memref<10240x128xf32, #tpu.memory_space<vmem_shared>> -> memref<10240x128xf32, #tpu.memory_space<vmem_shared>>
        tpu.enqueue_indirect_dma source(%arg8 : memref<40x128xf32, #tpu.memory_space<vmem>>) target(%dma_start3A_142 : memref<10240x128xf32, #tpu.memory_space<vmem_shared>>) offsets(%arg18 : memref<40xi32, #tpu.memory_space<vmem>>) semaphore(%run_scoped3A : memref<!tpu.dma_semaphore, #tpu.memory_space<semaphore_mem>>) {add = true}
        %dma_wait3A_143 = arith.constant 0 : i32
        %dma_wait3A_144 = arith.constant 0 : i32
        %dma_wait3A_145 = tpu.memref_slice %arg22[%dma_wait3A_143, %dma_wait3A_144] : memref<10240x128xf32, #tpu.memory_space<vmem_shared>> -> memref<10240x128xf32, #tpu.memory_space<vmem_shared>>
        tpu.wait_indirect_dma semaphore(%run_scoped3A : memref<!tpu.dma_semaphore, #tpu.memory_space<semaphore_mem>>) src(%arg8 : memref<40x128xf32, #tpu.memory_space<vmem>>) dst(%dma_wait3A_145 : memref<10240x128xf32, #tpu.memory_space<vmem_shared>>)
        tpu.yield
      }) : () -> ()
      %dma_wait3A_124 = arith.constant 0 : i32
      %dma_wait3A_125 = arith.constant 0 : i32
      %dma_wait3A_126 = tpu.memref_slice %arg2[%dma_wait3A_124, %dma_wait3A_125] : memref<20480x128xf32, #tpu.memory_space<hbm>> -> memref<20480x128xf32, #tpu.memory_space<hbm>>
      tpu.wait_indirect_dma semaphore(%arg23 : memref<!tpu.dma_semaphore, #tpu.memory_space<semaphore_mem>>) src(%dma_wait3A_126 : memref<20480x128xf32, #tpu.memory_space<hbm>>) dst(%arg9 : memref<40x128xf32, #tpu.memory_space<vmem>>)
      %dma_wait3A_127 = tpu.memref_slice %arg4[%add3A_73] : memref<160000xi32, #tpu.memory_space<hbm>> -> memref<40xi32, #tpu.memory_space<hbm>>
      %dma_wait3A_128 = tpu.memref_slice %arg4[%add3A_73] : memref<160000xi32, #tpu.memory_space<hbm>> -> memref<40xi32, #tpu.memory_space<hbm>>
      tpu.wait_dma2 semaphore(%arg25 : memref<!tpu.dma_semaphore, #tpu.memory_space<semaphore_mem>>) src(%dma_wait3A_128 : memref<40xi32, #tpu.memory_space<hbm>>) dst(%arg19 : memref<40xi32, #tpu.memory_space<vmem>>)
      "tpu.region"() ({
        %run_scoped3A = tpu.sem_alloc : memref<!tpu.dma_semaphore, #tpu.memory_space<semaphore_mem>>
        %dma_start3A_140 = arith.constant 0 : i32
        %dma_start3A_141 = arith.constant 0 : i32
        %dma_start3A_142 = tpu.memref_slice %arg22[%dma_start3A_140, %dma_start3A_141] : memref<10240x128xf32, #tpu.memory_space<vmem_shared>> -> memref<10240x128xf32, #tpu.memory_space<vmem_shared>>
        tpu.enqueue_indirect_dma source(%arg9 : memref<40x128xf32, #tpu.memory_space<vmem>>) target(%dma_start3A_142 : memref<10240x128xf32, #tpu.memory_space<vmem_shared>>) offsets(%arg19 : memref<40xi32, #tpu.memory_space<vmem>>) semaphore(%run_scoped3A : memref<!tpu.dma_semaphore, #tpu.memory_space<semaphore_mem>>) {add = true}
        %dma_wait3A_143 = arith.constant 0 : i32
        %dma_wait3A_144 = arith.constant 0 : i32
        %dma_wait3A_145 = tpu.memref_slice %arg22[%dma_wait3A_143, %dma_wait3A_144] : memref<10240x128xf32, #tpu.memory_space<vmem_shared>> -> memref<10240x128xf32, #tpu.memory_space<vmem_shared>>
        tpu.wait_indirect_dma semaphore(%run_scoped3A : memref<!tpu.dma_semaphore, #tpu.memory_space<semaphore_mem>>) src(%arg9 : memref<40x128xf32, #tpu.memory_space<vmem>>) dst(%dma_wait3A_145 : memref<10240x128xf32, #tpu.memory_space<vmem_shared>>)
        tpu.yield
      }) : () -> ()
      %dma_wait3A_129 = arith.constant 0 : i32
      %dma_wait3A_130 = arith.constant 0 : i32
      %dma_wait3A_131 = tpu.memref_slice %arg2[%dma_wait3A_129, %dma_wait3A_130] : memref<20480x128xf32, #tpu.memory_space<hbm>> -> memref<20480x128xf32, #tpu.memory_space<hbm>>
      tpu.wait_indirect_dma semaphore(%arg23 : memref<!tpu.dma_semaphore, #tpu.memory_space<semaphore_mem>>) src(%dma_wait3A_131 : memref<20480x128xf32, #tpu.memory_space<hbm>>) dst(%arg10 : memref<40x128xf32, #tpu.memory_space<vmem>>)
      %dma_wait3A_132 = tpu.memref_slice %arg4[%add3A_80] : memref<160000xi32, #tpu.memory_space<hbm>> -> memref<40xi32, #tpu.memory_space<hbm>>
      %dma_wait3A_133 = tpu.memref_slice %arg4[%add3A_80] : memref<160000xi32, #tpu.memory_space<hbm>> -> memref<40xi32, #tpu.memory_space<hbm>>
      tpu.wait_dma2 semaphore(%arg25 : memref<!tpu.dma_semaphore, #tpu.memory_space<semaphore_mem>>) src(%dma_wait3A_133 : memref<40xi32, #tpu.memory_space<hbm>>) dst(%arg20 : memref<40xi32, #tpu.memory_space<vmem>>)
      "tpu.region"() ({
        %run_scoped3A = tpu.sem_alloc : memref<!tpu.dma_semaphore, #tpu.memory_space<semaphore_mem>>
        %dma_start3A_140 = arith.constant 0 : i32
        %dma_start3A_141 = arith.constant 0 : i32
        %dma_start3A_142 = tpu.memref_slice %arg22[%dma_start3A_140, %dma_start3A_141] : memref<10240x128xf32, #tpu.memory_space<vmem_shared>> -> memref<10240x128xf32, #tpu.memory_space<vmem_shared>>
        tpu.enqueue_indirect_dma source(%arg10 : memref<40x128xf32, #tpu.memory_space<vmem>>) target(%dma_start3A_142 : memref<10240x128xf32, #tpu.memory_space<vmem_shared>>) offsets(%arg20 : memref<40xi32, #tpu.memory_space<vmem>>) semaphore(%run_scoped3A : memref<!tpu.dma_semaphore, #tpu.memory_space<semaphore_mem>>) {add = true}
        %dma_wait3A_143 = arith.constant 0 : i32
        %dma_wait3A_144 = arith.constant 0 : i32
        %dma_wait3A_145 = tpu.memref_slice %arg22[%dma_wait3A_143, %dma_wait3A_144] : memref<10240x128xf32, #tpu.memory_space<vmem_shared>> -> memref<10240x128xf32, #tpu.memory_space<vmem_shared>>
        tpu.wait_indirect_dma semaphore(%run_scoped3A : memref<!tpu.dma_semaphore, #tpu.memory_space<semaphore_mem>>) src(%arg10 : memref<40x128xf32, #tpu.memory_space<vmem>>) dst(%dma_wait3A_145 : memref<10240x128xf32, #tpu.memory_space<vmem_shared>>)
        tpu.yield
      }) : () -> ()
      %dma_wait3A_134 = arith.constant 0 : i32
      %dma_wait3A_135 = arith.constant 0 : i32
      %dma_wait3A_136 = tpu.memref_slice %arg2[%dma_wait3A_134, %dma_wait3A_135] : memref<20480x128xf32, #tpu.memory_space<hbm>> -> memref<20480x128xf32, #tpu.memory_space<hbm>>
      tpu.wait_indirect_dma semaphore(%arg23 : memref<!tpu.dma_semaphore, #tpu.memory_space<semaphore_mem>>) src(%dma_wait3A_136 : memref<20480x128xf32, #tpu.memory_space<hbm>>) dst(%arg11 : memref<40x128xf32, #tpu.memory_space<vmem>>)
      %dma_wait3A_137 = tpu.memref_slice %arg4[%add3A_87] : memref<160000xi32, #tpu.memory_space<hbm>> -> memref<40xi32, #tpu.memory_space<hbm>>
      %dma_wait3A_138 = tpu.memref_slice %arg4[%add3A_87] : memref<160000xi32, #tpu.memory_space<hbm>> -> memref<40xi32, #tpu.memory_space<hbm>>
      tpu.wait_dma2 semaphore(%arg25 : memref<!tpu.dma_semaphore, #tpu.memory_space<semaphore_mem>>) src(%dma_wait3A_138 : memref<40xi32, #tpu.memory_space<hbm>>) dst(%arg21 : memref<40xi32, #tpu.memory_space<vmem>>)
      "tpu.region"() ({
        %run_scoped3A = tpu.sem_alloc : memref<!tpu.dma_semaphore, #tpu.memory_space<semaphore_mem>>
        %dma_start3A_140 = arith.constant 0 : i32
        %dma_start3A_141 = arith.constant 0 : i32
        %dma_start3A_142 = tpu.memref_slice %arg22[%dma_start3A_140, %dma_start3A_141] : memref<10240x128xf32, #tpu.memory_space<vmem_shared>> -> memref<10240x128xf32, #tpu.memory_space<vmem_shared>>
        tpu.enqueue_indirect_dma source(%arg11 : memref<40x128xf32, #tpu.memory_space<vmem>>) target(%dma_start3A_142 : memref<10240x128xf32, #tpu.memory_space<vmem_shared>>) offsets(%arg21 : memref<40xi32, #tpu.memory_space<vmem>>) semaphore(%run_scoped3A : memref<!tpu.dma_semaphore, #tpu.memory_space<semaphore_mem>>) {add = true}
        %dma_wait3A_143 = arith.constant 0 : i32
        %dma_wait3A_144 = arith.constant 0 : i32
        %dma_wait3A_145 = tpu.memref_slice %arg22[%dma_wait3A_143, %dma_wait3A_144] : memref<10240x128xf32, #tpu.memory_space<vmem_shared>> -> memref<10240x128xf32, #tpu.memory_space<vmem_shared>>
        tpu.wait_indirect_dma semaphore(%run_scoped3A : memref<!tpu.dma_semaphore, #tpu.memory_space<semaphore_mem>>) src(%arg11 : memref<40x128xf32, #tpu.memory_space<vmem>>) dst(%dma_wait3A_145 : memref<10240x128xf32, #tpu.memory_space<vmem_shared>>)
        tpu.yield
      }) : () -> ()
      %scan3A_139 = arith.constant 0 : i32
      scf.yield %scan3A_139 : i32
    }
    %scan3A_12 = arith.constant 50 : i32
    %barrier3A_13 = arith.constant 0 : index
    tpu.barrier barrier_id(%barrier3A_13)
    %mul3A_14 = arith.constant 10240 : i32
    %mul3A_15 = arith.muli %arg0, %mul3A_14 : i32
    %add3A_16 = arith.addi %mul3A_15, %mul3A_0 : i32
    "tpu.region"() ({
      %run_scoped3A = tpu.sem_alloc : memref<!tpu.dma_semaphore, #tpu.memory_space<semaphore_mem>>
      %dma_start3A = arith.constant 0 : i32
      %dma_start3A_17 = tpu.memref_slice %arg6[%add3A_16, %dma_start3A] : memref<20480x128xf32, #tpu.memory_space<hbm>> -> memref<640x128xf32, #tpu.memory_space<hbm>>
      %dma_start3A_18 = arith.constant 0 : i32
      %dma_start3A_19 = tpu.memref_slice %arg22[%mul3A_0, %dma_start3A_18] : memref<10240x128xf32, #tpu.memory_space<vmem_shared>> -> memref<640x128xf32, #tpu.memory_space<vmem_shared>>
      tpu.enqueue_dma source(%dma_start3A_19 : memref<640x128xf32, #tpu.memory_space<vmem_shared>>) target(%dma_start3A_17 : memref<640x128xf32, #tpu.memory_space<hbm>>) target_semaphore(%run_scoped3A : memref<!tpu.dma_semaphore, #tpu.memory_space<semaphore_mem>>)
      %dma_wait3A = arith.constant 0 : i32
      %dma_wait3A_20 = tpu.memref_slice %arg6[%add3A_16, %dma_wait3A] : memref<20480x128xf32, #tpu.memory_space<hbm>> -> memref<640x128xf32, #tpu.memory_space<hbm>>
      %dma_wait3A_21 = arith.constant 0 : i32
      %dma_wait3A_22 = tpu.memref_slice %arg22[%mul3A_0, %dma_wait3A_21] : memref<10240x128xf32, #tpu.memory_space<vmem_shared>> -> memref<640x128xf32, #tpu.memory_space<vmem_shared>>
      tpu.wait_dma2 semaphore(%run_scoped3A : memref<!tpu.dma_semaphore, #tpu.memory_space<semaphore_mem>>) src(%dma_wait3A_22 : memref<640x128xf32, #tpu.memory_space<vmem_shared>>) dst(%dma_wait3A_20 : memref<640x128xf32, #tpu.memory_space<hbm>>)
      tpu.yield
    }) : () -> ()
    return
  }
}

module attributes {stable_mosaic.version = 14 : i64} {
  func.func @_dense_body(%arg0: i32, %arg1: i32, %arg2: memref<1024x128xf32, #tpu.memory_space<vmem>>, %arg3: memref<1024x128xf32, #tpu.memory_space<vmem>>, %arg4: memref<1024x128xf32, #tpu.memory_space<vmem>>, %arg5: memref<1024x128xf32, #tpu.memory_space<vmem>>, %arg6: memref<1024x128xf32, #tpu.memory_space<vmem>>, %arg7: memref<1024x128xf32, #tpu.memory_space<vmem>>, %arg8: memref<128x128xf32, #tpu.memory_space<vmem>>, %arg9: memref<128x128xf32, #tpu.memory_space<vmem>>, %arg10: memref<128x128xf32, #tpu.memory_space<vmem>>, %arg11: memref<128x128xf32, #tpu.memory_space<vmem>>, %arg12: memref<1x128xf32, #tpu.memory_space<vmem>>, %arg13: memref<1024x128xf32, #tpu.memory_space<vmem>>) attributes {dimension_semantics = [#tpu.dimension_semantics<arbitrary>, #tpu.dimension_semantics<arbitrary>], iteration_bounds = array<i64: 10, 2>, scalar_prefetch = 0 : i64, scratch_operands = 0 : i64, tpu.core_type = #tpu.core_type<tc>, window_params = [{transform_indices = @transform_0, window_bounds = array<i64: 1024, 128>}, {transform_indices = @transform_1, window_bounds = array<i64: 1024, 128>}, {transform_indices = @transform_2, window_bounds = array<i64: 1024, 128>}, {transform_indices = @transform_3, window_bounds = array<i64: 1024, 128>}, {transform_indices = @transform_4, window_bounds = array<i64: 1024, 128>}, {transform_indices = @transform_5, window_bounds = array<i64: 1024, 128>}, {transform_indices = @transform_6, window_bounds = array<i64: 128, 128>}, {transform_indices = @transform_7, window_bounds = array<i64: 128, 128>}, {transform_indices = @transform_8, window_bounds = array<i64: 128, 128>}, {transform_indices = @transform_9, window_bounds = array<i64: 128, 128>}, {transform_indices = @transform_10, window_bounds = array<i64: 1, 128>}, {transform_indices = @transform_11, window_bounds = array<i64: 1024, 128>}]} {
    %get3A = arith.constant 0 : index
    %get3A_0 = arith.constant 0 : index
    %get3A_1 = vector.load %arg4[%get3A, %get3A_0] : memref<1024x128xf32, #tpu.memory_space<vmem>>, vector<1024x1xf32>
    %get3A_2 = arith.constant 0 : index
    %get3A_3 = arith.constant 0 : index
    %get3A_4 = vector.load %arg5[%get3A_2, %get3A_3] : memref<1024x128xf32, #tpu.memory_space<vmem>>, vector<1024x1xf32>
    %add3A = arith.addf %get3A_1, %get3A_4 : vector<1024x1xf32>
    %max3A = arith.constant 1.000000e+00 : f32
    %max3A_5 = vector.broadcast %max3A : f32 to vector<1024x1xf32>
    %max3A_6 = arith.maximumf %add3A, %max3A_5 : vector<1024x1xf32>
    %div3A = arith.constant 1.000000e+00 : f32
    %div3A_7 = vector.broadcast %div3A : f32 to vector<1024x1xf32>
    %div3A_8 = arith.divf %div3A_7, %max3A_6 : vector<1024x1xf32>
    %get3A_9 = arith.constant 0 : index
    %get3A_10 = arith.constant 0 : index
    %get3A_11 = vector.load %arg2[%get3A_9, %get3A_10] : memref<1024x128xf32, #tpu.memory_space<vmem>>, vector<1024x128xf32>
    %mul3A = vector.broadcast %div3A_8 : vector<1024x1xf32> to vector<1024x128xf32>
    %mul3A_12 = arith.mulf %get3A_11, %mul3A : vector<1024x128xf32>
    %get3A_13 = arith.constant 0 : index
    %get3A_14 = arith.constant 0 : index
    %get3A_15 = vector.load %arg8[%get3A_13, %get3A_14] : memref<128x128xf32, #tpu.memory_space<vmem>>, vector<128x128xf32>
    %dot_general3A = arith.constant dense<0.000000e+00> : vector<1024x128xf32>
    %dot_general3A_16 = tpu.matmul %mul3A_12, %get3A_15, %dot_general3A {dimension_numbers = #tpu.dot_dimension_numbers<[1], [0], [0], [1], [0, 0, 1, 1], [], []>, transpose_lhs_hint = false} : vector<1024x128xf32>, vector<128x128xf32>, vector<1024x128xf32> -> vector<1024x128xf32>
    %get3A_17 = arith.constant 0 : index
    %get3A_18 = arith.constant 0 : index
    %get3A_19 = vector.load %arg3[%get3A_17, %get3A_18] : memref<1024x128xf32, #tpu.memory_space<vmem>>, vector<1024x128xf32>
    %mul3A_20 = vector.broadcast %div3A_8 : vector<1024x1xf32> to vector<1024x128xf32>
    %mul3A_21 = arith.mulf %get3A_19, %mul3A_20 : vector<1024x128xf32>
    %get3A_22 = arith.constant 0 : index
    %get3A_23 = arith.constant 0 : index
    %get3A_24 = vector.load %arg9[%get3A_22, %get3A_23] : memref<128x128xf32, #tpu.memory_space<vmem>>, vector<128x128xf32>
    %dot_general3A_25 = arith.constant dense<0.000000e+00> : vector<1024x128xf32>
    %dot_general3A_26 = tpu.matmul %mul3A_21, %get3A_24, %dot_general3A_25 {dimension_numbers = #tpu.dot_dimension_numbers<[1], [0], [0], [1], [0, 0, 1, 1], [], []>, transpose_lhs_hint = false} : vector<1024x128xf32>, vector<128x128xf32>, vector<1024x128xf32> -> vector<1024x128xf32>
    %add3A_27 = arith.addf %dot_general3A_16, %dot_general3A_26 : vector<1024x128xf32>
    %get3A_28 = arith.constant 0 : index
    %get3A_29 = arith.constant 0 : index
    %get3A_30 = vector.load %arg6[%get3A_28, %get3A_29] : memref<1024x128xf32, #tpu.memory_space<vmem>>, vector<1024x128xf32>
    %get3A_31 = arith.constant 0 : index
    %get3A_32 = arith.constant 0 : index
    %get3A_33 = vector.load %arg10[%get3A_31, %get3A_32] : memref<128x128xf32, #tpu.memory_space<vmem>>, vector<128x128xf32>
    %dot_general3A_34 = arith.constant dense<0.000000e+00> : vector<1024x128xf32>
    %dot_general3A_35 = tpu.matmul %get3A_30, %get3A_33, %dot_general3A_34 {dimension_numbers = #tpu.dot_dimension_numbers<[1], [0], [0], [1], [0, 0, 1, 1], [], []>, transpose_lhs_hint = false} : vector<1024x128xf32>, vector<128x128xf32>, vector<1024x128xf32> -> vector<1024x128xf32>
    %add3A_36 = arith.addf %add3A_27, %dot_general3A_35 : vector<1024x128xf32>
    %get3A_37 = arith.constant 0 : index
    %get3A_38 = arith.constant 0 : index
    %get3A_39 = vector.load %arg7[%get3A_37, %get3A_38] : memref<1024x128xf32, #tpu.memory_space<vmem>>, vector<1024x128xf32>
    %get3A_40 = arith.constant 0 : index
    %get3A_41 = arith.constant 0 : index
    %get3A_42 = vector.load %arg11[%get3A_40, %get3A_41] : memref<128x128xf32, #tpu.memory_space<vmem>>, vector<128x128xf32>
    %dot_general3A_43 = arith.constant dense<0.000000e+00> : vector<1024x128xf32>
    %dot_general3A_44 = tpu.matmul %get3A_39, %get3A_42, %dot_general3A_43 {dimension_numbers = #tpu.dot_dimension_numbers<[1], [0], [0], [1], [0, 0, 1, 1], [], []>, transpose_lhs_hint = false} : vector<1024x128xf32>, vector<128x128xf32>, vector<1024x128xf32> -> vector<1024x128xf32>
    %add3A_45 = arith.addf %add3A_36, %dot_general3A_44 : vector<1024x128xf32>
    %get3A_46 = arith.constant 0 : index
    %get3A_47 = arith.constant 0 : index
    %get3A_48 = vector.load %arg12[%get3A_46, %get3A_47] : memref<1x128xf32, #tpu.memory_space<vmem>>, vector<1x128xf32>
    %add3A_49 = vector.broadcast %get3A_48 : vector<1x128xf32> to vector<1024x128xf32>
    %add3A_50 = arith.addf %add3A_45, %add3A_49 : vector<1024x128xf32>
    %max3A_51 = arith.constant 0.000000e+00 : f32
    %max3A_52 = vector.broadcast %max3A_51 : f32 to vector<1024x128xf32>
    %max3A_53 = arith.maximumf %add3A_50, %max3A_52 : vector<1024x128xf32>
    %swap3A = arith.constant 0 : index
    %swap3A_54 = arith.constant 0 : index
    %swap3A_55 = vector.load %arg13[%swap3A, %swap3A_54] : memref<1024x128xf32, #tpu.memory_space<vmem>>, vector<1024x128xf32>
    tpu.vector_store %arg13[%swap3A, %swap3A_54], %max3A_53 {strides = array<i32>} : memref<1024x128xf32, #tpu.memory_space<vmem>>, vector<1024x128xf32>,
    return
  }
  func.func @transform_0(%arg0: i32, %arg1: i32) -> (i32, i32) {
    %c0_i32 = arith.constant 0 : i32
    %c0_i32_0 = arith.constant 0 : i32
    return %arg0, %c0_i32 : i32, i32
  }
  func.func @transform_1(%arg0: i32, %arg1: i32) -> (i32, i32) {
    %add3A = arith.constant 10 : i32
    %add3A_0 = arith.addi %arg0, %add3A : i32
    %c0_i32 = arith.constant 0 : i32
    %c0_i32_1 = arith.constant 0 : i32
    return %add3A_0, %c0_i32 : i32, i32
  }
  func.func @transform_2(%arg0: i32, %arg1: i32) -> (i32, i32) {
    %c0_i32 = arith.constant 0 : i32
    %c0_i32_0 = arith.constant 0 : i32
    return %arg0, %c0_i32 : i32, i32
  }
  func.func @transform_3(%arg0: i32, %arg1: i32) -> (i32, i32) {
    %add3A = arith.constant 10 : i32
    %add3A_0 = arith.addi %arg0, %add3A : i32
    %c0_i32 = arith.constant 0 : i32
    %c0_i32_1 = arith.constant 0 : i32
    return %add3A_0, %c0_i32 : i32, i32
  }
  func.func @transform_4(%arg0: i32, %arg1: i32) -> (i32, i32) {
    %c0_i32 = arith.constant 0 : i32
    %c0_i32_0 = arith.constant 0 : i32
    return %arg0, %c0_i32 : i32, i32
  }
  func.func @transform_5(%arg0: i32, %arg1: i32) -> (i32, i32) {
    %add3A = arith.constant 10 : i32
    %add3A_0 = arith.addi %arg0, %add3A : i32
    %c0_i32 = arith.constant 0 : i32
    %c0_i32_1 = arith.constant 0 : i32
    return %add3A_0, %c0_i32 : i32, i32
  }
  func.func @transform_6(%arg0: i32, %arg1: i32) -> (i32, i32) {
    %c0_i32 = arith.constant 0 : i32
    %c0_i32_0 = arith.constant 0 : i32
    return %c0_i32, %arg1 : i32, i32
  }
  func.func @transform_7(%arg0: i32, %arg1: i32) -> (i32, i32) {
    %c0_i32 = arith.constant 0 : i32
    %c0_i32_0 = arith.constant 0 : i32
    return %c0_i32, %arg1 : i32, i32
  }
  func.func @transform_8(%arg0: i32, %arg1: i32) -> (i32, i32) {
    %c0_i32 = arith.constant 0 : i32
    %c0_i32_0 = arith.constant 0 : i32
    return %c0_i32, %arg1 : i32, i32
  }
  func.func @transform_9(%arg0: i32, %arg1: i32) -> (i32, i32) {
    %c0_i32 = arith.constant 0 : i32
    %c0_i32_0 = arith.constant 0 : i32
    return %c0_i32, %arg1 : i32, i32
  }
  func.func @transform_10(%arg0: i32, %arg1: i32) -> (i32, i32) {
    %c0_i32 = arith.constant 0 : i32
    %c0_i32_0 = arith.constant 0 : i32
    return %c0_i32, %arg1 : i32, i32
  }
  func.func @transform_11(%arg0: i32, %arg1: i32) -> (i32, i32) {
    %mul3A = arith.constant 10 : i32
    %mul3A_0 = arith.muli %arg1, %mul3A : i32
    %add3A = arith.addi %mul3A_0, %arg0 : i32
    %c0_i32 = arith.constant 0 : i32
    %c0_i32_1 = arith.constant 0 : i32
    return %add3A, %c0_i32 : i32, i32
  }
}

module attributes {stable_mosaic.version = 14 : i64} {
  func.func @_dense_body(%arg0: i32, %arg1: i32, %arg2: memref<1024x128xf32, #tpu.memory_space<vmem>>, %arg3: memref<1024x128xf32, #tpu.memory_space<vmem>>, %arg4: memref<1024x128xf32, #tpu.memory_space<vmem>>, %arg5: memref<1024x128xf32, #tpu.memory_space<vmem>>, %arg6: memref<1024x128xf32, #tpu.memory_space<vmem>>, %arg7: memref<1024x128xf32, #tpu.memory_space<vmem>>, %arg8: memref<128x128xf32, #tpu.memory_space<vmem>>, %arg9: memref<128x128xf32, #tpu.memory_space<vmem>>, %arg10: memref<128x128xf32, #tpu.memory_space<vmem>>, %arg11: memref<128x128xf32, #tpu.memory_space<vmem>>, %arg12: memref<1x128xf32, #tpu.memory_space<vmem>>, %arg13: memref<1024x128xf32, #tpu.memory_space<vmem>>) attributes {dimension_semantics = [#tpu.dimension_semantics<arbitrary>, #tpu.dimension_semantics<arbitrary>], iteration_bounds = array<i64: 10, 2>, scalar_prefetch = 0 : i64, scratch_operands = 0 : i64, tpu.core_type = #tpu.core_type<tc>, window_params = [{transform_indices = @transform_0, window_bounds = array<i64: 1024, 128>}, {transform_indices = @transform_1, window_bounds = array<i64: 1024, 128>}, {transform_indices = @transform_2, window_bounds = array<i64: 1024, 128>}, {transform_indices = @transform_3, window_bounds = array<i64: 1024, 128>}, {transform_indices = @transform_4, window_bounds = array<i64: 1024, 128>}, {transform_indices = @transform_5, window_bounds = array<i64: 1024, 128>}, {transform_indices = @transform_6, window_bounds = array<i64: 128, 128>}, {transform_indices = @transform_7, window_bounds = array<i64: 128, 128>}, {transform_indices = @transform_8, window_bounds = array<i64: 128, 128>}, {transform_indices = @transform_9, window_bounds = array<i64: 128, 128>}, {transform_indices = @transform_10, window_bounds = array<i64: 1, 128>}, {transform_indices = @transform_11, window_bounds = array<i64: 1024, 128>}]} {
    %get3A = arith.constant 0 : index
    %get3A_0 = arith.constant 0 : index
    %get3A_1 = vector.load %arg4[%get3A, %get3A_0] : memref<1024x128xf32, #tpu.memory_space<vmem>>, vector<1024x1xf32>
    %get3A_2 = arith.constant 0 : index
    %get3A_3 = arith.constant 0 : index
    %get3A_4 = vector.load %arg5[%get3A_2, %get3A_3] : memref<1024x128xf32, #tpu.memory_space<vmem>>, vector<1024x1xf32>
    %add3A = arith.addf %get3A_1, %get3A_4 : vector<1024x1xf32>
    %max3A = arith.constant 1.000000e+00 : f32
    %max3A_5 = vector.broadcast %max3A : f32 to vector<1024x1xf32>
    %max3A_6 = arith.maximumf %add3A, %max3A_5 : vector<1024x1xf32>
    %div3A = arith.constant 1.000000e+00 : f32
    %div3A_7 = vector.broadcast %div3A : f32 to vector<1024x1xf32>
    %div3A_8 = arith.divf %div3A_7, %max3A_6 : vector<1024x1xf32>
    %get3A_9 = arith.constant 0 : index
    %get3A_10 = arith.constant 0 : index
    %get3A_11 = vector.load %arg2[%get3A_9, %get3A_10] : memref<1024x128xf32, #tpu.memory_space<vmem>>, vector<1024x128xf32>
    %mul3A = vector.broadcast %div3A_8 : vector<1024x1xf32> to vector<1024x128xf32>
    %mul3A_12 = arith.mulf %get3A_11, %mul3A : vector<1024x128xf32>
    %get3A_13 = arith.constant 0 : index
    %get3A_14 = arith.constant 0 : index
    %get3A_15 = vector.load %arg8[%get3A_13, %get3A_14] : memref<128x128xf32, #tpu.memory_space<vmem>>, vector<128x128xf32>
    %dot_general3A = arith.constant dense<0.000000e+00> : vector<1024x128xf32>
    %dot_general3A_16 = tpu.matmul %mul3A_12, %get3A_15, %dot_general3A {dimension_numbers = #tpu.dot_dimension_numbers<[1], [0], [0], [1], [0, 0, 1, 1], [], []>, transpose_lhs_hint = false} : vector<1024x128xf32>, vector<128x128xf32>, vector<1024x128xf32> -> vector<1024x128xf32>
    %get3A_17 = arith.constant 0 : index
    %get3A_18 = arith.constant 0 : index
    %get3A_19 = vector.load %arg3[%get3A_17, %get3A_18] : memref<1024x128xf32, #tpu.memory_space<vmem>>, vector<1024x128xf32>
    %mul3A_20 = vector.broadcast %div3A_8 : vector<1024x1xf32> to vector<1024x128xf32>
    %mul3A_21 = arith.mulf %get3A_19, %mul3A_20 : vector<1024x128xf32>
    %get3A_22 = arith.constant 0 : index
    %get3A_23 = arith.constant 0 : index
    %get3A_24 = vector.load %arg9[%get3A_22, %get3A_23] : memref<128x128xf32, #tpu.memory_space<vmem>>, vector<128x128xf32>
    %dot_general3A_25 = arith.constant dense<0.000000e+00> : vector<1024x128xf32>
    %dot_general3A_26 = tpu.matmul %mul3A_21, %get3A_24, %dot_general3A_25 {dimension_numbers = #tpu.dot_dimension_numbers<[1], [0], [0], [1], [0, 0, 1, 1], [], []>, transpose_lhs_hint = false} : vector<1024x128xf32>, vector<128x128xf32>, vector<1024x128xf32> -> vector<1024x128xf32>
    %add3A_27 = arith.addf %dot_general3A_16, %dot_general3A_26 : vector<1024x128xf32>
    %get3A_28 = arith.constant 0 : index
    %get3A_29 = arith.constant 0 : index
    %get3A_30 = vector.load %arg6[%get3A_28, %get3A_29] : memref<1024x128xf32, #tpu.memory_space<vmem>>, vector<1024x128xf32>
    %get3A_31 = arith.constant 0 : index
    %get3A_32 = arith.constant 0 : index
    %get3A_33 = vector.load %arg10[%get3A_31, %get3A_32] : memref<128x128xf32, #tpu.memory_space<vmem>>, vector<128x128xf32>
    %dot_general3A_34 = arith.constant dense<0.000000e+00> : vector<1024x128xf32>
    %dot_general3A_35 = tpu.matmul %get3A_30, %get3A_33, %dot_general3A_34 {dimension_numbers = #tpu.dot_dimension_numbers<[1], [0], [0], [1], [0, 0, 1, 1], [], []>, transpose_lhs_hint = false} : vector<1024x128xf32>, vector<128x128xf32>, vector<1024x128xf32> -> vector<1024x128xf32>
    %add3A_36 = arith.addf %add3A_27, %dot_general3A_35 : vector<1024x128xf32>
    %get3A_37 = arith.constant 0 : index
    %get3A_38 = arith.constant 0 : index
    %get3A_39 = vector.load %arg7[%get3A_37, %get3A_38] : memref<1024x128xf32, #tpu.memory_space<vmem>>, vector<1024x128xf32>
    %get3A_40 = arith.constant 0 : index
    %get3A_41 = arith.constant 0 : index
    %get3A_42 = vector.load %arg11[%get3A_40, %get3A_41] : memref<128x128xf32, #tpu.memory_space<vmem>>, vector<128x128xf32>
    %dot_general3A_43 = arith.constant dense<0.000000e+00> : vector<1024x128xf32>
    %dot_general3A_44 = tpu.matmul %get3A_39, %get3A_42, %dot_general3A_43 {dimension_numbers = #tpu.dot_dimension_numbers<[1], [0], [0], [1], [0, 0, 1, 1], [], []>, transpose_lhs_hint = false} : vector<1024x128xf32>, vector<128x128xf32>, vector<1024x128xf32> -> vector<1024x128xf32>
    %add3A_45 = arith.addf %add3A_36, %dot_general3A_44 : vector<1024x128xf32>
    %get3A_46 = arith.constant 0 : index
    %get3A_47 = arith.constant 0 : index
    %get3A_48 = vector.load %arg12[%get3A_46, %get3A_47] : memref<1x128xf32, #tpu.memory_space<vmem>>, vector<1x128xf32>
    %add3A_49 = vector.broadcast %get3A_48 : vector<1x128xf32> to vector<1024x128xf32>
    %add3A_50 = arith.addf %add3A_45, %add3A_49 : vector<1024x128xf32>
    %swap3A = arith.constant 0 : index
    %swap3A_51 = arith.constant 0 : index
    %swap3A_52 = vector.load %arg13[%swap3A, %swap3A_51] : memref<1024x128xf32, #tpu.memory_space<vmem>>, vector<1024x128xf32>
    tpu.vector_store %arg13[%swap3A, %swap3A_51], %add3A_50 {strides = array<i32>} : memref<1024x128xf32, #tpu.memory_space<vmem>>, vector<1024x128xf32>,
    return
  }
  func.func @transform_0(%arg0: i32, %arg1: i32) -> (i32, i32) {
    %c0_i32 = arith.constant 0 : i32
    %c0_i32_0 = arith.constant 0 : i32
    return %arg0, %c0_i32 : i32, i32
  }
  func.func @transform_1(%arg0: i32, %arg1: i32) -> (i32, i32) {
    %add3A = arith.constant 10 : i32
    %add3A_0 = arith.addi %arg0, %add3A : i32
    %c0_i32 = arith.constant 0 : i32
    %c0_i32_1 = arith.constant 0 : i32
    return %add3A_0, %c0_i32 : i32, i32
  }
  func.func @transform_2(%arg0: i32, %arg1: i32) -> (i32, i32) {
    %c0_i32 = arith.constant 0 : i32
    %c0_i32_0 = arith.constant 0 : i32
    return %arg0, %c0_i32 : i32, i32
  }
  func.func @transform_3(%arg0: i32, %arg1: i32) -> (i32, i32) {
    %add3A = arith.constant 10 : i32
    %add3A_0 = arith.addi %arg0, %add3A : i32
    %c0_i32 = arith.constant 0 : i32
    %c0_i32_1 = arith.constant 0 : i32
    return %add3A_0, %c0_i32 : i32, i32
  }
  func.func @transform_4(%arg0: i32, %arg1: i32) -> (i32, i32) {
    %c0_i32 = arith.constant 0 : i32
    %c0_i32_0 = arith.constant 0 : i32
    return %arg0, %c0_i32 : i32, i32
  }
  func.func @transform_5(%arg0: i32, %arg1: i32) -> (i32, i32) {
    %add3A = arith.constant 10 : i32
    %add3A_0 = arith.addi %arg0, %add3A : i32
    %c0_i32 = arith.constant 0 : i32
    %c0_i32_1 = arith.constant 0 : i32
    return %add3A_0, %c0_i32 : i32, i32
  }
  func.func @transform_6(%arg0: i32, %arg1: i32) -> (i32, i32) {
    %c0_i32 = arith.constant 0 : i32
    %c0_i32_0 = arith.constant 0 : i32
    return %c0_i32, %arg1 : i32, i32
  }
  func.func @transform_7(%arg0: i32, %arg1: i32) -> (i32, i32) {
    %c0_i32 = arith.constant 0 : i32
    %c0_i32_0 = arith.constant 0 : i32
    return %c0_i32, %arg1 : i32, i32
  }
  func.func @transform_8(%arg0: i32, %arg1: i32) -> (i32, i32) {
    %c0_i32 = arith.constant 0 : i32
    %c0_i32_0 = arith.constant 0 : i32
    return %c0_i32, %arg1 : i32, i32
  }
  func.func @transform_9(%arg0: i32, %arg1: i32) -> (i32, i32) {
    %c0_i32 = arith.constant 0 : i32
    %c0_i32_0 = arith.constant 0 : i32
    return %c0_i32, %arg1 : i32, i32
  }
  func.func @transform_10(%arg0: i32, %arg1: i32) -> (i32, i32) {
    %c0_i32 = arith.constant 0 : i32
    %c0_i32_0 = arith.constant 0 : i32
    return %c0_i32, %arg1 : i32, i32
  }
  func.func @transform_11(%arg0: i32, %arg1: i32) -> (i32, i32) {
    %c0_i32 = arith.constant 0 : i32
    return %arg0, %arg1 : i32, i32
  }
}

</mosaic_0001>

<sc_bundles>
// kernel: kernel.10.cloned.1.call-start
scs
__scs_entry_jumppad:
0x0: {  	(pc) =	sbr.rel $0x88, $3  }
0x1: {  	(tag) =	ssettag $0x0;
	lr =	simm.s32 $0x1  }
0x2: {  	[smem:$0x3F99] =	sst lr;
	_ =	strace $0xD0000000  }
0x3: {  	_ = 	snop  }
0x4: {  	_ = 	snop  }
0x5: {  	_ = 	snop  }
0x6: {  	_ = 	snop  }
0x7: {  	_ = 	snop  }
__scs_overlays_trampoline_lowered:
0x8: {  	[smem:$0x3FA8] =	sst s0  }
0x9: {  	[smem:$0x3FA9] =	sst s1  }
0xa: {  	[smem:$0x3FAA] =	sst s2  }
0xb: {  	[smem:$0x3FAB] =	sst s3  }
0xc: {  	[smem:$0x3FAC] =	sst s4  }
0xd: {  	[smem:$0x3FAD] =	sst s5  }
0xe: {  	[smem:$0x3FAE] =	sst s6  }
0xf: {  	[smem:$0x3FAF] =	sst s7  }
0x10: {  	[smem:$0x3FB0] =	sst s8  }
0x11: {  	[smem:$0x3FB1] =	sst s9;
	s0 =	simm.s32 @!p0 $0x0  }
0x12: {  	s1 =	sld [smem:$0x3F97];
	s0 =	simm.s32 @p0 $0x1  }
0x13: {  	[smem:$0x3FB2] =	sst s0;
	s0 =	simm.s32 @!p1 $0x0  }
0x14: {  	s2 =	sld [smem:$0x3F96];
	s0 =	simm.s32 @p1 $0x1  }
0x15: {  	[smem:$0x3FB3] =	sst s0;
	s0 =	simm.s32 @!p2 $0x0  }
0x16: {  	s3 =	sld [smem:$0x3FDB];
	s0 =	simm.s32 @p2 $0x1  }
0x17: {  	s4 =	simm.s32 $0x1BF5;
	[smem:$0x3FB5] =	sst s0  }
0x18: {  	s0 =	sld [smem:$0x3F98];
	_ =	swait.ge [sflag:s4], $0x0  }
0x19: {  	s7 =	sld [smem:$0x3F99]  }
0x1a: {  	s8 =	sadd.s32 $0xFFFFE003, lr  }
0x1b: {  	s9 =	sadd.s32 $0xFFFFFEF7, lr;
	s5 =	simm.s32 $0xFFFFFFFF;
	p2 =	slt.u32 s8, $0xFFFFF086  }
0x1c: {  	p1 =	slt.u32 s9, $0xF7A;
	s5 =	simm.s32 @!p2 $0x0  }
0x1d: {  	s5 =	simm.s32 @p1 $0x1;
	p0 =	seq.s32 s7, s2  }
0x1e: {  	s7 =	smul.u32 @!p0 $0xF7A, s2;
	p2 =	seq.s32 @!p0 s5, $0x0  }
0x1f: {  	s9 =	smul.u32 $0xF7A, s1;
	s8 =	simm.s32 @!p0 $0x1BF5;
	p2 =	por !p2, p0  }
0x20: {  	[sflag:s8] =	ssyncset.s32 @!p0 $0xFFFFF086;
	s6 =	sadd.s32 @!p0 s3, s7;
	s7 =	simm.s32 @!p0 $0x108  }
0x21: {  	s3 =	sadd.s32 s3, s9;
	s6 =	sadd.s32 @!p0 $0x88, s6;
	s7 =	simm.s32 @p2 $0x1082  }
0x22: {  	[simem:s7], [sflag:s8] =	dma.local @!p0 [hbm:s6], $0xF7A  }
0x23: {  	s9 =	sor.u32 $0xD0000000, s2;
	s6 =	simm.s32 $0x108;
	_ =	swait.ge @!p0 [sflag:s8], $0x0  }
0x24: {  	s3 =	sadd.s32 $0x88, s3;
	s6 =	simm.s32 @!p1 $0x1082;
	[sflag:s4] =	ssyncset.s32 $0xFFFFF086  }
0x25: {  	[simem:s6], [sflag:s4] =	dma.local [hbm:s3], $0xF7A  }
0x26: {  	[smem:$0x3F99] =	sst s1;
	(tag) =	ssettag s2;
	_ =	strace s9  }
0x27: {  	s1 =	sld [smem:$0x3FA9]  }
0x28: {  	s2 =	sld [smem:$0x3FAA]  }
0x29: {  	s4 =	sld [smem:$0x3FAC]  }
0x2a: {  	p0 =	seq.s32 s5, $0x0;
	s5 =	sld [smem:$0x3FAD]  }
0x2b: {  	s6 =	sld [smem:$0x3FAE]  }
0x2c: {  	s7 =	sld [smem:$0x3FAF]  }
0x2d: {  	s3 =	simm.s32 $0x108;
	s8 =	sld [smem:$0x3FB0]  }
0x2e: {  	s3 =	simm.s32 @!p0 $0x1082;
	s9 =	sld [smem:$0x3FB1]  }
0x2f: {  	lr =	sadd.s32 s0, s3;
	s0 =	sld [smem:$0x3FA8]  }
0x30: {  	s3 =	sld [smem:$0x3FAB]  }
0x31: {  	[smem:$0x3FB4] =	sst s10  }
0x32: {  	s10 =	sld [smem:$0x3FB2];
	_ =	sdelay $0x3  }
0x33: {  	p0 =	seq.s32 s10, $0x1;
	s10 =	sld [smem:$0x3FB4];
	_ =	sdelay $0x3  }
0x34: {  	[smem:$0x3FB4] =	sst s10  }
0x35: {  	s10 =	sld [smem:$0x3FB3];
	_ =	sdelay $0x3  }
0x36: {  	p1 =	seq.s32 s10, $0x1;
	s10 =	sld [smem:$0x3FB4];
	_ =	sdelay $0x3  }
0x37: {  	[smem:$0x3FB4] =	sst s10  }
0x38: {  	s10 =	sld [smem:$0x3FB5]  }
0x39: {  	_ = 	snop;
	(pc) =	sbr.ind lr, $3  }
0x3a: {  	_ = 	snop  }
0x3b: {  	_ = 	snop  }
0x3c: {  	p2 =	seq.s32 s10, $0x1;
	s10 =	sld [smem:$0x3FB4]  }
0x3d: {  	_ =	shalt  }
0x3e: {  	_ =	shalt  }
0x3f: {  	_ =	shalt  }
0x40: {  	_ =	shalt  }
0x41: {  	_ =	shalt  }
0x42: {  	_ =	shalt  }
0x43: {  	_ =	shalt  }
0x44: {  	_ =	shalt  }
0x45: {  	_ =	shalt  }
0x46: {  	_ =	shalt  }
0x47: {  	_ =	shalt  }
0x48: {  	_ =	shalt  }
0x49: {  	_ =	shalt  }
0x4a: {  	_ =	shalt  }
0x4b: {  	_ =	shalt  }
0x4c: {  	_ =	shalt  }
0x4d: {  	_ =	shalt  }
0x4e: {  	_ =	shalt  }
0x4f: {  	_ =	shalt  }
0x50: {  	_ =	shalt  }
0x51: {  	_ =	shalt  }
0x52: {  	_ =	shalt  }
0x53: {  	_ =	shalt  }
0x54: {  	_ =	shalt  }
0x55: {  	_ =	shalt  }
0x56: {  	_ =	shalt  }
0x57: {  	_ =	shalt  }
0x58: {  	_ =	shalt  }
0x59: {  	_ =	shalt  }
0x5a: {  	_ =	shalt  }
0x5b: {  	_ =	shalt  }
0x5c: {  	_ =	shalt  }
0x5d: {  	_ =	shalt  }
0x5e: {  	_ =	shalt  }
0x5f: {  	_ =	shalt  }
0x60: {  	_ =	shalt  }
0x61: {  	_ =	shalt  }
0x62: {  	_ =	shalt  }
0x63: {  	_ =	shalt  }
0x64: {  	_ =	shalt  }
0x65: {  	_ =	shalt  }
0x66: {  	_ =	shalt  }
0x67: {  	_ =	shalt  }
0x68: {  	_ =	shalt  }
0x69: {  	_ =	shalt  }
0x6a: {  	_ =	shalt  }
0x6b: {  	_ =	shalt  }
0x6c: {  	_ =	shalt  }
0x6d: {  	_ =	shalt  }
0x6e: {  	_ =	shalt  }
0x6f: {  	_ =	shalt  }
0x70: {  	_ =	shalt  }
0x71: {  	_ =	shalt  }
0x72: {  	_ =	shalt  }
0x73: {  	_ =	shalt  }
0x74: {  	_ =	shalt  }
0x75: {  	_ =	shalt  }
0x76: {  	_ =	shalt  }
0x77: {  	_ =	shalt  }
0x78: {  	_ =	shalt  }
0x79: {  	_ =	shalt  }
0x7a: {  	_ =	shalt  }
0x7b: {  	_ =	shalt  }
0x7c: {  	_ =	shalt  }
0x7d: {  	_ =	shalt  }
0x7e: {  	_ =	shalt  }
0x7f: {  	_ =	shalt  }
0x80: {  	_ =	shalt  }
0x81: {  	_ =	shalt  }
0x82: {  	_ =	shalt  }
0x83: {  	_ =	shalt  }
0x84: {  	_ =	shalt  }
0x85: {  	_ =	shalt  }
0x86: {  	_ =	shalt  }
0x87: {  	_ =	shalt  }
.Lfunc_end0:
.L_simem_size_0:
called_computation.1_lowered:
.L_overlay_start_0:
0x88: {  	s2 =	sld [smem:$0x3FD9]  }
0x89: {  	s3 =	sld [smem:$0x3FFE];
	_ =	sdelay $0x1  }
0x8a: {  	s1 =	srdreg.scid  }
0x8b: {  	s0 =	sand.u32 $0x1, s1  }
0x8c: {  	s17 =	sshll.u32 s0, $0xA;
	s2 =	sadd.s32 s3, s2  }
0x8d: {  	s2 =	sadd.s32 s2, s17  }
0x8e: {  	[smem:$0x3FC0] =	sst s2  }
0x8f: {  	_ = 	snop  }
0x90: {  	s2 =	sld [smem:$0x3FD0];
	(tm) =	ssettm $0x1  }
0x91: {  	s18 =	sld [smem:$0x3FFB];
	_ =	sdelay $0x3  }
0x92: {  	_ =	strace s18  }
0x93: {  	s3 =	sld [smem:$0x3FFC];
	_ =	sdelay $0x3  }
0x94: {  	_ =	strace s3  }
0x95: {  	s3 =	sld [smem:$0x3FFD];
	_ =	sdelay $0x3  }
0x96: {  	_ =	strace s3  }
0x97: {  	_ =	strace $0x8FFFFFFF  }
0x98: {  	s19 =	sld [smem:$0x3FDB];
	_ =	sdelay $0x1  }
0x99: {  	s4 =	simm.s32 $_scs_section_size  }
0x9a: {  	s5 =	simm.s32 $_size__tile_overlayer_lowered;
	s6 =	simm.s32 $_tile_overlayer_lowered  }
0x9b: {  	s22 =	simm.s32 $0x1BFF;
	s21 =	sshll.u32 s6, $0x1;
	s3 =	sadd.s32 s4, s19  }
0x9c: {  	s7 =	simm.s32 $0x0;
	s20 =	sshll.u32 s5, $0x1;
	s5 =	sadd.s32 s21, s3  }
0x9d: {  	[timem:s7], [sflag:s22] =	dma.local [hbm:s5], s20  }
0x9e: {  	_ =	swait.ge [sflag:s22], s20  }
0x9f: {  	s4 =	ssub.s32 $0x0, s20;
	[sflag:s22] =	ssyncset.done $0x0  }
0xa0: {  	[sflag:s22] =	ssyncadd.s32 s4;
	_ =	sdelay $0x1  }
0xa1: {  	s23 =	simm.s32 $0x1B8B  }
0xa2: {  	_ =	swait.ge [sflag:s23], $0x1  }
0xa3: {  	[sflag:s23] =	ssyncset.done $0x0  }
0xa4: {  	s25 =	simm.s32 $0x1B8E;
	s24 =	sld [smem:$0x3FFE];
	[sflag:s23] =	ssyncadd.s32 $0xFFFFFFFF  }
0xa5: {  	s26 =	simm.s32 $execute0_lowered;
	[smem:$0x3FD2] =	sst s25  }
0xa6: {  	s5 =	sshll.u32 s26, $0x1;
	_ =	strace $0x80000046;
	[dreg:$0x1] =	wrdreg $0xFFFFFFFF  }
0xa7: {  	s28 =	simm.s32 $_size_execute0_lowered;
	s3 =	sadd.s32 s3, s5;
	[dreg:$0x0] =	wrdreg $0x0  }
0xa8: {  	s5 =	sshll.u32 s28, $0x1;
	[dreg:$0x2] =	wrdreg s3  }
0xa9: {  	[dreg:$0x3] =	wrdreg s5  }
0xaa: {  	[dreg:$0x4] =	wrdreg $0xC0  }
0xab: {  	_ =	task [dreg:s7], $0x5FFFF  }
0xac: {  	[dreg:$0x1] =	wrdreg $0xFFFFFFFF  }
0xad: {  	[dreg:$0x0] =	wrdreg $0x60  }
0xae: {  	[dreg:$0x2] =	wrdreg s24  }
0xaf: {  	[dreg:$0x3] =	wrdreg s2  }
0xb0: {  	[dreg:$0x4] =	wrdreg $0x69000  }
0xb1: {  	[dreg:$0x5] =	wrdreg $0xA  }
0xb2: {  	_ =	task.clear_ibuf [dreg:s7], $0x6FFFF;
	_ =	strace $0x90000046  }
0xb3: {  	s29 =	simm.s32 $0xA;
	_ =	strace $0x80000048  }
0xb4: {  	_ =	swait.ge [sflag:s29], $0x1  }
0xb5: {  	[sflag:s29] =	ssyncadd.s32 $0xFFFFFFFF  }
0xb6: {  	_ =	strace $0x90000048  }
0xb7: {  	_ =	sfence  }
0xb8: {  	s30 =	sld [smem:$0x0];
	_ =	sdelay $0x2  }
0xb9: {  	s31 =	sshll.u32 s1, $0xD;
	s1 =	sshrl.u32 s1, $0x2  }
0xba: {  	s3 =	sand.u32 $0x4000, s31;
	s1 =	sadd.s32 s1, s30  }
0xbb: {  	s0 =	sor.u32 s3, s0;
	s1 =	sshll.u32 s1, $0x11  }
0xbc: {  	s0 =	sor.u32 s1, s0  }
0xbd: {  	s0 =	sadd.s32 $0x8F2B, s0  }
0xbe: {  	[sflag:s0] =	ssyncadd.remote.s32 $0x1  }
0xbf: {  	_ =	sfence.sel $0xFFFF  }
0xc0: {  	[dreg:$0x0] =	wrdreg $0xFFFFFFFF;
	(pc) =	sbr.abs _section_cstart, $3  }
0xc1: {  	[dreg:$0x1] =	wrdreg $0xFFFFFFFF  }
0xc2: {  	_ =	task.clear_ibuf [dreg:s7], $0x2FFFF;
	_ =	strace $0x9FFFFFFF  }
0xc3: {  	(tm) =	ssettm $0x7FFFFFFF  }
tec
execute0_lowered:
.L_overlay_start_1:
0x0: {  	(tag) =	ssettag $0x1  }
0x1: {  	s0 =	rddreg [dreg:$0x0]  }
0x2: {  	s1 =	rddreg [dreg:$0x1];
	s13 =	stileid.u32  }
0x3: {  	s3 =	srdreg.scid;
	s2 =	rddreg [dreg:$0x2];
	s28 =	simm.s32 $0x1  }
0x4: {  	s29 =	simm.s32 $0x3;
	s30 =	simm.s32 $0x0;
	s5 =	smul.u32 $0x4E2, s13  }
0x5: {  	s6 =	sand.u32 $0x1, s3;
	s7 =	smul.u32 $0x2800, s13;
	s3 =	simm.s32 $0x0  }
0x6: {  	s4 =	sadd.s32 $0x7800, s0;
	s10 =	smul.u32 $0x2710, s13;
	s31 =	sadd.s32 $0x57800, s0  }
0x7: {  	s17 =	sshll.u32 s13, $0x6;
	s8 =	smul.u32 $0x28000, s6;
	[smem:$0x7FF] =	sst s3  }
0x8: {  	s9 =	smul.u32 $0x27100, s6;
	s6 =	ssub.s32 $0x2, s6;
	_ =	strace $0x80000047  }
0x9: {  	s11 =	sadd.s32 s5, s0;
	[dreg:$0xa] =	wrdreg s31;
	s5 =	smul.u32 $0x50000, s13  }
0xa: {  	s12 =	sshrl.u32 s6, $0x1;
	s13 =	simm.s32 $0x6500;
	s7 =	sadd.s32 s7, s8  }
0xb: {  	s9 =	sadd.s32 s10, s9;
	s12 =	ssub.s32 s6, s12;
	s18 =	sadd.s32 $0x2800, s11  }
0xc: {  	s6 =	sor.u32 $0x1C04, s17;
	s11 =	simm.s32 $0x6400;
	s17 =	simm.s32 $0x6700  }
0xd: {  	s0 =	sadd.s32 s7, s0;
	s10 =	sadd.s32 $0xA0, s9;
	s14 =	sshrl.u32 s5, $0x2  }
0xe: {  	s19 =	sadd.s32 $0x78, s9;
	[dreg:$0x5] =	wrdreg s18;
	s21 =	sadd.s32 $0x50, s9  }
0xf: {  	s22 =	sadd.s32 $0x28, s9;
	s26 =	sshrl.u32 s9, $0x3;
	s31 =	smax.u32 s12, $0x1  }
0x10: {  	s12 =	simm.s32 $0x6480;
	s18 =	simm.s32 $0x6780;
	s15 =	sshrl.u32 s10, $0x3  }
0x11: {  	s16 =	sadd.s32 s14, s2;
	s20 =	sshrl.u32 s19, $0x3;
	s8 =	sshrl.u32 s21, $0x3  }
0x12: {  	s24 =	sshrl.u32 s22, $0x3;
	s0 =	sadd.s32 $0x5A000, s0;
	[dreg:$0xc] =	wrdreg s31  }
0x13: {  	s10 =	simm.s32 $0x4;
	s14 =	simm.s32 $0x6580;
	s19 =	simm.s32 $0x6800  }
0x14: {  	s21 =	simm.s32 $0x2;
	s22 =	simm.s32 $0x28;
	s7 =	sadd.s32 s15, s1  }
0x15: {  	s23 =	sadd.s32 s8, s1;
	s25 =	sadd.s32 s24, s1;
	[dreg:$0xb] =	wrdreg s0  }
0x16: {  	s9 =	sshrl.u32 s16, $0x3;
	s15 =	simm.s32 $0x6600;
	[dreg:$0x4] =	wrdreg s7  }
0x17: {  	s16 =	simm.s32 $0x6680;
	s24 =	simm.s32 $0x2800;
	[dreg:$0x7] =	wrdreg s23  }
0x18: {  	s7 =	sadd.s32 s20, s1;
	[dreg:$0x8] =	wrdreg s25;
	s1 =	sadd.s32 s26, s1  }
0x19: {  	s20 =	simm.s32 $0x6880;
	s23 =	simm.s32 $0x1400;
	[dreg:$0x6] =	wrdreg s7  }
0x1a: {  	s25 =	simm.s32 $0x3C00;
	s26 =	simm.s32 $0x5000;
	[dreg:$0x9] =	wrdreg s1  }
.LBB2_1:
0x1b: {  	s0 =	rddreg [dreg:$0xa]  }
0x1c: {  	[spmem:s9], [sflag:s6] =	dma.local [hbm:s0], $0x2800  }
0x1d: {  	_ =	swait.ge [sflag:s10], $0x2800  }
0x1e: {  	[sflag:s10] =	ssyncset.done $0x0  }
0x1f: {  	[sflag:s10] =	ssyncadd.s32 $0xFFFFD800  }
0x20: {  	[bflag:$0x0] =	sbarrier.arrive $0xFFFF  }
0x21: {  	s8 =	rddreg [dreg:$0x9]  }
0x22: {  	s1 =	rddreg [dreg:$0x8];
	s0 =	sadd.s32 $0x0, s8  }
0x23: {  	[tilespmem:s11], [sflag:$0x2] =	stream.linear.gather [hbm4b:s0+s3], $0x28, $0x38;
	[tilespmem:$0x1A900] =	vst v63  }
0x24: {  	s31 =	rddreg [dreg:$0x7];
	s5 =	sadd.s32 $0x0, s1  }
0x25: {  	[tilespmem:s12], [sflag:$0x2] =	stream.linear.gather [hbm4b:s5+s3], $0x28, $0x38;
	[tilespmem:$0x1A900] =	vst v63  }
0x26: {  	s7 =	rddreg [dreg:$0x6];
	s8 =	sadd.s32 $0x0, s31  }
0x27: {  	[tilespmem:s13], [sflag:$0x2] =	stream.linear.gather [hbm4b:s8+s3], $0x28, $0x38;
	[tilespmem:$0x1A900] =	vst v63  }
0x28: {  	s31 =	rddreg [dreg:$0x4];
	s5 =	sadd.s32 $0x0, s7  }
0x29: {  	[tilespmem:s14], [sflag:$0x2] =	stream.linear.gather [hbm4b:s5+s3], $0x28, $0x38;
	[tilespmem:$0x1A900] =	vst v63  }
0x2a: {  	s7 =	rddreg [dreg:$0x5];
	s8 =	sadd.s32 $0x0, s31  }
0x2b: {  	[tilespmem:s15], [sflag:$0x2] =	stream.linear.gather [hbm4b:s8+s3], $0x28, $0x38;
	[tilespmem:$0x1A900] =	vst v63  }
0x2c: {  	s5 =	sadd.s32 $0x0, s7  }
0x2d: {  	[tilespmem:s16], [sflag:$0x3] =	stream.linear.gather [hbm4b:s5+s3], $0x28, $0x38;
	[tilespmem:$0x1A900] =	vst v63  }
0x2e: {  	s1 =	sadd.s32 $0x5, s5  }
0x2f: {  	[tilespmem:s17], [sflag:$0x3] =	stream.linear.gather [hbm4b:s1+s3], $0x28, $0x38;
	[tilespmem:$0x1A900] =	vst v63  }
0x30: {  	s7 =	sadd.s32 $0xA, s5  }
0x31: {  	[tilespmem:s18], [sflag:$0x3] =	stream.linear.gather [hbm4b:s7+s3], $0x28, $0x38;
	[tilespmem:$0x1A900] =	vst v63  }
0x32: {  	s8 =	sadd.s32 $0xF, s5  }
0x33: {  	[tilespmem:s19], [sflag:$0x3] =	stream.linear.gather [hbm4b:s8+s3], $0x28, $0x38;
	[tilespmem:$0x1A900] =	vst v63  }
0x34: {  	s0 =	sadd.s32 $0x14, s5  }
0x35: {  	[tilespmem:s20], [sflag:$0x3] =	stream.linear.gather [hbm4b:s0+s3], $0x28, $0x38;
	[tilespmem:$0x1A900] =	vst v63  }
0x36: {  	_ =	swait.ge [sflag:s21], $0x28  }
0x37: {  	[sflag:s21] =	ssyncset.done $0x0  }
0x38: {  	[sflag:s21] =	ssyncadd.s32 $0xFFFFFFD8  }
0x39: {  	[tilespmem:s3], [sflag:$0x1] =	stream.indirect.gather [hbm4b:s4+s22], $0x80, s11, s22, $0xb8;
	[tilespmem:$0x1A900] =	vst v63  }
0x3a: {  	_ =	swait.ge [sflag:s21], $0x28  }
0x3b: {  	[sflag:s21] =	ssyncset.done $0x0  }
0x3c: {  	[sflag:s21] =	ssyncadd.s32 $0xFFFFFFD8  }
0x3d: {  	[tilespmem:s23], [sflag:$0x1] =	stream.indirect.gather [hbm4b:s4+s22], $0x80, s12, s22, $0xb8;
	[tilespmem:$0x1A900] =	vst v63  }
0x3e: {  	_ =	swait.ge [sflag:s21], $0x28  }
0x3f: {  	[sflag:s21] =	ssyncset.done $0x0  }
0x40: {  	[sflag:s21] =	ssyncadd.s32 $0xFFFFFFD8  }
0x41: {  	[tilespmem:s24], [sflag:$0x1] =	stream.indirect.gather [hbm4b:s4+s22], $0x80, s13, s22, $0xb8;
	[tilespmem:$0x1A900] =	vst v63  }
0x42: {  	_ =	swait.ge [sflag:s21], $0x28  }
0x43: {  	[sflag:s21] =	ssyncset.done $0x0  }
0x44: {  	[sflag:s21] =	ssyncadd.s32 $0xFFFFFFD8  }
0x45: {  	[tilespmem:s25], [sflag:$0x1] =	stream.indirect.gather [hbm4b:s4+s22], $0x80, s14, s22, $0xb8;
	[tilespmem:$0x1A900] =	vst v63  }
0x46: {  	_ =	swait.ge [sflag:s21], $0x28  }
0x47: {  	[sflag:s21] =	ssyncset.done $0x0  }
0x48: {  	[sflag:s21] =	ssyncadd.s32 $0xFFFFFFD8  }
0x49: {  	[tilespmem:s26], [sflag:$0x1] =	stream.indirect.gather [hbm4b:s4+s22], $0x80, s15, s22, $0xb8;
	[tilespmem:$0x1A900] =	vst v63  }
0x4a: {  	_ =	swait.ge [sflag:s28], $0x1400  }
0x4b: {  	[sflag:s28] =	ssyncset.done $0x0  }
0x4c: {  	[sflag:s28] =	ssyncadd.s32 $0xFFFFEC00  }
0x4d: {  	_ =	swait.ge [sflag:s29], $0x28  }
0x4e: {  	[sflag:s29] =	ssyncset.done $0x0  }
0x4f: {  	[sflag:s29] =	ssyncadd.s32 $0xFFFFFFD8  }
0x50: {  	[spmem:s2] =	stream.indirect.scatter.add.f32 [tilespmem:s3], [sflag:$0x4], $0x80, s16, s22, $0xb8;
	[tilespmem:$0x1A900] =	vst v63  }
0x51: {  	_ =	swait.ge [sflag:s10], $0x1400  }
0x52: {  	[sflag:s10] =	ssyncset.done $0x0  }
0x53: {  	[sflag:s10] =	ssyncadd.s32 $0xFFFFEC00  }
0x54: {  	_ =	swait.ge [sflag:s28], $0x1400  }
0x55: {  	[sflag:s28] =	ssyncset.done $0x0  }
0x56: {  	[sflag:s28] =	ssyncadd.s32 $0xFFFFEC00  }
0x57: {  	_ =	swait.ge [sflag:s29], $0x28  }
0x58: {  	[sflag:s29] =	ssyncset.done $0x0  }
0x59: {  	[sflag:s29] =	ssyncadd.s32 $0xFFFFFFD8  }
0x5a: {  	[spmem:s2] =	stream.indirect.scatter.add.f32 [tilespmem:s23], [sflag:$0x4], $0x80, s17, s22, $0xb8;
	[tilespmem:$0x1A900] =	vst v63  }
0x5b: {  	_ =	swait.ge [sflag:s10], $0x1400  }
0x5c: {  	[sflag:s10] =	ssyncset.done $0x0  }
0x5d: {  	[sflag:s10] =	ssyncadd.s32 $0xFFFFEC00  }
0x5e: {  	_ =	swait.ge [sflag:s28], $0x1400  }
0x5f: {  	[sflag:s28] =	ssyncset.done $0x0  }
0x60: {  	[sflag:s28] =	ssyncadd.s32 $0xFFFFEC00  }
0x61: {  	_ =	swait.ge [sflag:s29], $0x28  }
0x62: {  	[sflag:s29] =	ssyncset.done $0x0  }
0x63: {  	[sflag:s29] =	ssyncadd.s32 $0xFFFFFFD8  }
0x64: {  	[spmem:s2] =	stream.indirect.scatter.add.f32 [tilespmem:s24], [sflag:$0x4], $0x80, s18, s22, $0xb8;
	[tilespmem:$0x1A900] =	vst v63  }
0x65: {  	_ =	swait.ge [sflag:s10], $0x1400  }
0x66: {  	[sflag:s10] =	ssyncset.done $0x0  }
0x67: {  	[sflag:s10] =	ssyncadd.s32 $0xFFFFEC00  }
0x68: {  	_ =	swait.ge [sflag:s28], $0x1400  }
0x69: {  	[sflag:s28] =	ssyncset.done $0x0  }
0x6a: {  	[sflag:s28] =	ssyncadd.s32 $0xFFFFEC00  }
0x6b: {  	_ =	swait.ge [sflag:s29], $0x28  }
0x6c: {  	[sflag:s29] =	ssyncset.done $0x0  }
0x6d: {  	[sflag:s29] =	ssyncadd.s32 $0xFFFFFFD8  }
0x6e: {  	[spmem:s2] =	stream.indirect.scatter.add.f32 [tilespmem:s25], [sflag:$0x4], $0x80, s19, s22, $0xb8;
	[tilespmem:$0x1A900] =	vst v63  }
0x6f: {  	_ =	swait.ge [sflag:s10], $0x1400  }
0x70: {  	[sflag:s10] =	ssyncset.done $0x0  }
0x71: {  	[sflag:s10] =	ssyncadd.s32 $0xFFFFEC00  }
0x72: {  	_ =	swait.ge [sflag:s28], $0x1400  }
0x73: {  	[sflag:s28] =	ssyncset.done $0x0  }
0x74: {  	[sflag:s28] =	ssyncadd.s32 $0xFFFFEC00  }
0x75: {  	_ =	swait.ge [sflag:s29], $0x28  }
0x76: {  	[sflag:s29] =	ssyncset.done $0x0  }
0x77: {  	[sflag:s29] =	ssyncadd.s32 $0xFFFFFFD8  }
0x78: {  	[spmem:s2] =	stream.indirect.scatter.add.f32 [tilespmem:s26], [sflag:$0x4], $0x80, s20, s22, $0xb8;
	[tilespmem:$0x1A900] =	vst v63  }
0x79: {  	s31 =	simm.s32 $0x19;
	_ =	swait.ge [sflag:s10], $0x1400  }
0x7a: {  	s1 =	simm.s32 $0x32;
	s0 =	rddreg [dreg:$0x9];
	[sflag:s10] =	ssyncset.done $0x0  }
.LBB2_2:
0x7b: {  	[sflag:s10] =	ssyncadd.s32 $0xFFFFEC00;
	s7 =	rddreg [dreg:$0x8];
	s0 =	sadd.s32 s31, s0  }
0x7c: {  	[tilespmem:s11], [sflag:$0x2] =	stream.linear.gather [hbm4b:s0+s3], $0x28, $0x38;
	[tilespmem:$0x1A900] =	vst v63  }
0x7d: {  	s8 =	rddreg [dreg:$0x7];
	s0 =	sadd.s32 s31, s7  }
0x7e: {  	[tilespmem:s12], [sflag:$0x2] =	stream.linear.gather [hbm4b:s0+s3], $0x28, $0x38;
	[tilespmem:$0x1A900] =	vst v63  }
0x7f: {  	s7 =	rddreg [dreg:$0x6];
	s0 =	sadd.s32 s31, s8  }
0x80: {  	[tilespmem:s13], [sflag:$0x2] =	stream.linear.gather [hbm4b:s0+s3], $0x28, $0x38;
	[tilespmem:$0x1A900] =	vst v63  }
0x81: {  	s8 =	rddreg [dreg:$0x4];
	s0 =	sadd.s32 s31, s7  }
0x82: {  	[tilespmem:s14], [sflag:$0x2] =	stream.linear.gather [hbm4b:s0+s3], $0x28, $0x38;
	[tilespmem:$0x1A900] =	vst v63  }
0x83: {  	s8 =	sadd.s32 s31, s8;
	s7 =	rddreg [dreg:$0x5]  }
0x84: {  	[tilespmem:s15], [sflag:$0x2] =	stream.linear.gather [hbm4b:s8+s3], $0x28, $0x38;
	[tilespmem:$0x1A900] =	vst v63  }
0x85: {  	s0 =	sadd.s32 s31, s7  }
0x86: {  	[tilespmem:s16], [sflag:$0x3] =	stream.linear.gather [hbm4b:s0+s3], $0x28, $0x38;
	[tilespmem:$0x1A900] =	vst v63  }
0x87: {  	s8 =	sadd.s32 $0x5, s0  }
0x88: {  	[tilespmem:s17], [sflag:$0x3] =	stream.linear.gather [hbm4b:s8+s3], $0x28, $0x38;
	[tilespmem:$0x1A900] =	vst v63  }
0x89: {  	s7 =	sadd.s32 $0xA, s0  }
0x8a: {  	[tilespmem:s18], [sflag:$0x3] =	stream.linear.gather [hbm4b:s7+s3], $0x28, $0x38;
	[tilespmem:$0x1A900] =	vst v63  }
0x8b: {  	s8 =	sadd.s32 $0xF, s0  }
0x8c: {  	[tilespmem:s19], [sflag:$0x3] =	stream.linear.gather [hbm4b:s8+s3], $0x28, $0x38;
	[tilespmem:$0x1A900] =	vst v63  }
0x8d: {  	s0 =	sadd.s32 $0x14, s0  }
0x8e: {  	[tilespmem:s20], [sflag:$0x3] =	stream.linear.gather [hbm4b:s0+s3], $0x28, $0x38;
	[tilespmem:$0x1A900] =	vst v63  }
0x8f: {  	_ =	swait.ge [sflag:s21], $0x28  }
0x90: {  	[sflag:s21] =	ssyncset.done $0x0  }
0x91: {  	[sflag:s21] =	ssyncadd.s32 $0xFFFFFFD8  }
0x92: {  	[tilespmem:s3], [sflag:$0x1] =	stream.indirect.gather [hbm4b:s4+s22], $0x80, s11, s22, $0xb8;
	[tilespmem:$0x1A900] =	vst v63  }
0x93: {  	_ =	swait.ge [sflag:s21], $0x28  }
0x94: {  	[sflag:s21] =	ssyncset.done $0x0  }
0x95: {  	[sflag:s21] =	ssyncadd.s32 $0xFFFFFFD8  }
0x96: {  	[tilespmem:s23], [sflag:$0x1] =	stream.indirect.gather [hbm4b:s4+s22], $0x80, s12, s22, $0xb8;
	[tilespmem:$0x1A900] =	vst v63  }
0x97: {  	_ =	swait.ge [sflag:s21], $0x28  }
0x98: {  	[sflag:s21] =	ssyncset.done $0x0  }
0x99: {  	[sflag:s21] =	ssyncadd.s32 $0xFFFFFFD8  }
0x9a: {  	[tilespmem:s24], [sflag:$0x1] =	stream.indirect.gather [hbm4b:s4+s22], $0x80, s13, s22, $0xb8;
	[tilespmem:$0x1A900] =	vst v63  }
0x9b: {  	_ =	swait.ge [sflag:s21], $0x28  }
0x9c: {  	[sflag:s21] =	ssyncset.done $0x0  }
0x9d: {  	[sflag:s21] =	ssyncadd.s32 $0xFFFFFFD8  }
0x9e: {  	[tilespmem:s25], [sflag:$0x1] =	stream.indirect.gather [hbm4b:s4+s22], $0x80, s14, s22, $0xb8;
	[tilespmem:$0x1A900] =	vst v63  }
0x9f: {  	_ =	swait.ge [sflag:s21], $0x28  }
0xa0: {  	[sflag:s21] =	ssyncset.done $0x0  }
0xa1: {  	[sflag:s21] =	ssyncadd.s32 $0xFFFFFFD8  }
0xa2: {  	[tilespmem:s26], [sflag:$0x1] =	stream.indirect.gather [hbm4b:s4+s22], $0x80, s15, s22, $0xb8;
	[tilespmem:$0x1A900] =	vst v63  }
0xa3: {  	_ =	swait.ge [sflag:s28], $0x1400  }
0xa4: {  	[sflag:s28] =	ssyncset.done $0x0  }
0xa5: {  	[sflag:s28] =	ssyncadd.s32 $0xFFFFEC00  }
0xa6: {  	_ =	swait.ge [sflag:s29], $0x28  }
0xa7: {  	[sflag:s29] =	ssyncset.done $0x0  }
0xa8: {  	[sflag:s29] =	ssyncadd.s32 $0xFFFFFFD8  }
0xa9: {  	[spmem:s2] =	stream.indirect.scatter.add.f32 [tilespmem:s3], [sflag:$0x4], $0x80, s16, s22, $0xb8;
	[tilespmem:$0x1A900] =	vst v63  }
0xaa: {  	_ =	swait.ge [sflag:s10], $0x1400  }
0xab: {  	[sflag:s10] =	ssyncset.done $0x0  }
0xac: {  	[sflag:s10] =	ssyncadd.s32 $0xFFFFEC00  }
0xad: {  	_ =	swait.ge [sflag:s28], $0x1400  }
0xae: {  	[sflag:s28] =	ssyncset.done $0x0  }
0xaf: {  	[sflag:s28] =	ssyncadd.s32 $0xFFFFEC00  }
0xb0: {  	_ =	swait.ge [sflag:s29], $0x28  }
0xb1: {  	[sflag:s29] =	ssyncset.done $0x0  }
0xb2: {  	[sflag:s29] =	ssyncadd.s32 $0xFFFFFFD8  }
0xb3: {  	[spmem:s2] =	stream.indirect.scatter.add.f32 [tilespmem:s23], [sflag:$0x4], $0x80, s17, s22, $0xb8;
	[tilespmem:$0x1A900] =	vst v63  }
0xb4: {  	_ =	swait.ge [sflag:s10], $0x1400  }
0xb5: {  	[sflag:s10] =	ssyncset.done $0x0  }
0xb6: {  	[sflag:s10] =	ssyncadd.s32 $0xFFFFEC00  }
0xb7: {  	_ =	swait.ge [sflag:s28], $0x1400  }
0xb8: {  	[sflag:s28] =	ssyncset.done $0x0  }
0xb9: {  	[sflag:s28] =	ssyncadd.s32 $0xFFFFEC00  }
0xba: {  	_ =	swait.ge [sflag:s29], $0x28  }
0xbb: {  	[sflag:s29] =	ssyncset.done $0x0  }
0xbc: {  	[sflag:s29] =	ssyncadd.s32 $0xFFFFFFD8  }
0xbd: {  	[spmem:s2] =	stream.indirect.scatter.add.f32 [tilespmem:s24], [sflag:$0x4], $0x80, s18, s22, $0xb8;
	[tilespmem:$0x1A900] =	vst v63  }
0xbe: {  	_ =	swait.ge [sflag:s10], $0x1400  }
0xbf: {  	[sflag:s10] =	ssyncset.done $0x0  }
0xc0: {  	[sflag:s10] =	ssyncadd.s32 $0xFFFFEC00  }
0xc1: {  	_ =	swait.ge [sflag:s28], $0x1400  }
0xc2: {  	[sflag:s28] =	ssyncset.done $0x0  }
0xc3: {  	[sflag:s28] =	ssyncadd.s32 $0xFFFFEC00  }
0xc4: {  	_ =	swait.ge [sflag:s29], $0x28  }
0xc5: {  	[sflag:s29] =	ssyncset.done $0x0  }
0xc6: {  	[sflag:s29] =	ssyncadd.s32 $0xFFFFFFD8  }
0xc7: {  	[spmem:s2] =	stream.indirect.scatter.add.f32 [tilespmem:s25], [sflag:$0x4], $0x80, s19, s22, $0xb8;
	[tilespmem:$0x1A900] =	vst v63  }
0xc8: {  	_ =	swait.ge [sflag:s10], $0x1400  }
0xc9: {  	[sflag:s10] =	ssyncset.done $0x0  }
0xca: {  	[sflag:s10] =	ssyncadd.s32 $0xFFFFEC00  }
0xcb: {  	_ =	swait.ge [sflag:s28], $0x1400  }
0xcc: {  	[sflag:s28] =	ssyncset.done $0x0  }
0xcd: {  	[sflag:s28] =	ssyncadd.s32 $0xFFFFEC00  }
0xce: {  	p0 =	sne.s32 s1, $0x4C9;
	_ =	swait.ge [sflag:s29], $0x28  }
.Ltmp0:
0xcf: {  	[sflag:s29] =	ssyncset.done $0x0;
	(pc) =	sbr.rel @p0 .LBB2_2-.Ltmp0, $4  }
0xd0: {  	[sflag:s29] =	ssyncadd.s32 $0xFFFFFFD8  }
0xd1: {  	[spmem:s2] =	stream.indirect.scatter.add.f32 [tilespmem:s26], [sflag:$0x4], $0x80, s20, s22, $0xb8;
	[tilespmem:$0x1A900] =	vst v63  }
0xd2: {  	s5 =	smov.u32 s1;
	s1 =	sadd.s32 $0x19, s1;
	_ =	swait.ge [sflag:s10], $0x1400  }
0xd3: {  	s31 =	smov.u32 s5;
	s0 =	rddreg [dreg:$0x9];
	[sflag:s10] =	ssyncset.done $0x0  }
0xd4: {  	s1 =	rddreg [dreg:$0x8];
	[sflag:s10] =	ssyncadd.s32 $0xFFFFEC00;
	s0 =	sadd.s32 s31, s0  }
0xd5: {  	[tilespmem:s11], [sflag:$0x2] =	stream.linear.gather [hbm4b:s0+s3], $0x28, $0x38;
	[tilespmem:$0x1A900] =	vst v63  }
0xd6: {  	s8 =	rddreg [dreg:$0x7];
	s1 =	sadd.s32 s31, s1  }
0xd7: {  	[tilespmem:s12], [sflag:$0x2] =	stream.linear.gather [hbm4b:s1+s3], $0x28, $0x38;
	[tilespmem:$0x1A900] =	vst v63  }
0xd8: {  	s5 =	rddreg [dreg:$0x6];
	s0 =	sadd.s32 s31, s8  }
0xd9: {  	[tilespmem:s13], [sflag:$0x2] =	stream.linear.gather [hbm4b:s0+s3], $0x28, $0x38;
	[tilespmem:$0x1A900] =	vst v63  }
0xda: {  	s7 =	rddreg [dreg:$0x4];
	s1 =	sadd.s32 s31, s5  }
0xdb: {  	[tilespmem:s14], [sflag:$0x2] =	stream.linear.gather [hbm4b:s1+s3], $0x28, $0x38;
	[tilespmem:$0x1A900] =	vst v63  }
0xdc: {  	s8 =	rddreg [dreg:$0x5];
	s0 =	sadd.s32 s31, s7  }
0xdd: {  	[tilespmem:s15], [sflag:$0x2] =	stream.linear.gather [hbm4b:s0+s3], $0x28, $0x38;
	[tilespmem:$0x1A900] =	vst v63  }
0xde: {  	s31 =	sadd.s32 s31, s8  }
0xdf: {  	[tilespmem:s16], [sflag:$0x3] =	stream.linear.gather [hbm4b:s31+s3], $0x28, $0x38;
	[tilespmem:$0x1A900] =	vst v63  }
0xe0: {  	s1 =	sadd.s32 $0x5, s31  }
0xe1: {  	[tilespmem:s17], [sflag:$0x3] =	stream.linear.gather [hbm4b:s1+s3], $0x28, $0x38;
	[tilespmem:$0x1A900] =	vst v63  }
0xe2: {  	s5 =	sadd.s32 $0xA, s31  }
0xe3: {  	[tilespmem:s18], [sflag:$0x3] =	stream.linear.gather [hbm4b:s5+s3], $0x28, $0x38;
	[tilespmem:$0x1A900] =	vst v63  }
0xe4: {  	s7 =	sadd.s32 $0xF, s31  }
0xe5: {  	[tilespmem:s19], [sflag:$0x3] =	stream.linear.gather [hbm4b:s7+s3], $0x28, $0x38;
	[tilespmem:$0x1A900] =	vst v63  }
0xe6: {  	s0 =	sadd.s32 $0x14, s31  }
0xe7: {  	[tilespmem:s20], [sflag:$0x3] =	stream.linear.gather [hbm4b:s0+s3], $0x28, $0x38;
	[tilespmem:$0x1A900] =	vst v63  }
0xe8: {  	_ =	swait.ge [sflag:s21], $0x28  }
0xe9: {  	[sflag:s21] =	ssyncset.done $0x0  }
0xea: {  	[sflag:s21] =	ssyncadd.s32 $0xFFFFFFD8  }
0xeb: {  	[tilespmem:s3], [sflag:$0x1] =	stream.indirect.gather [hbm4b:s4+s22], $0x80, s11, s22, $0xb8;
	[tilespmem:$0x1A900] =	vst v63  }
0xec: {  	_ =	swait.ge [sflag:s21], $0x28  }
0xed: {  	[sflag:s21] =	ssyncset.done $0x0  }
0xee: {  	[sflag:s21] =	ssyncadd.s32 $0xFFFFFFD8  }
0xef: {  	[tilespmem:s23], [sflag:$0x1] =	stream.indirect.gather [hbm4b:s4+s22], $0x80, s12, s22, $0xb8;
	[tilespmem:$0x1A900] =	vst v63  }
0xf0: {  	_ =	swait.ge [sflag:s21], $0x28  }
0xf1: {  	[sflag:s21] =	ssyncset.done $0x0  }
0xf2: {  	[sflag:s21] =	ssyncadd.s32 $0xFFFFFFD8  }
0xf3: {  	[tilespmem:s24], [sflag:$0x1] =	stream.indirect.gather [hbm4b:s4+s22], $0x80, s13, s22, $0xb8;
	[tilespmem:$0x1A900] =	vst v63  }
0xf4: {  	_ =	swait.ge [sflag:s21], $0x28  }
0xf5: {  	[sflag:s21] =	ssyncset.done $0x0  }
0xf6: {  	[sflag:s21] =	ssyncadd.s32 $0xFFFFFFD8  }
0xf7: {  	[tilespmem:s25], [sflag:$0x1] =	stream.indirect.gather [hbm4b:s4+s22], $0x80, s14, s22, $0xb8;
	[tilespmem:$0x1A900] =	vst v63  }
0xf8: {  	_ =	swait.ge [sflag:s21], $0x28  }
0xf9: {  	[sflag:s21] =	ssyncset.done $0x0  }
0xfa: {  	[sflag:s21] =	ssyncadd.s32 $0xFFFFFFD8  }
0xfb: {  	[tilespmem:s26], [sflag:$0x1] =	stream.indirect.gather [hbm4b:s4+s22], $0x80, s15, s22, $0xb8;
	[tilespmem:$0x1A900] =	vst v63  }
0xfc: {  	_ =	swait.ge [sflag:s28], $0x1400  }
0xfd: {  	[sflag:s28] =	ssyncset.done $0x0  }
0xfe: {  	[sflag:s28] =	ssyncadd.s32 $0xFFFFEC00  }
0xff: {  	_ =	swait.ge [sflag:s29], $0x28  }
0x100: {  	[sflag:s29] =	ssyncset.done $0x0  }
0x101: {  	[sflag:s29] =	ssyncadd.s32 $0xFFFFFFD8  }
0x102: {  	[spmem:s2] =	stream.indirect.scatter.add.f32 [tilespmem:s3], [sflag:$0x4], $0x80, s16, s22, $0xb8;
	[tilespmem:$0x1A900] =	vst v63  }
0x103: {  	_ =	swait.ge [sflag:s10], $0x1400  }
0x104: {  	[sflag:s10] =	ssyncset.done $0x0  }
0x105: {  	[sflag:s10] =	ssyncadd.s32 $0xFFFFEC00  }
0x106: {  	_ =	swait.ge [sflag:s28], $0x1400  }
0x107: {  	[sflag:s28] =	ssyncset.done $0x0  }
0x108: {  	[sflag:s28] =	ssyncadd.s32 $0xFFFFEC00  }
0x109: {  	_ =	swait.ge [sflag:s29], $0x28  }
0x10a: {  	[sflag:s29] =	ssyncset.done $0x0  }
0x10b: {  	[sflag:s29] =	ssyncadd.s32 $0xFFFFFFD8  }
0x10c: {  	[spmem:s2] =	stream.indirect.scatter.add.f32 [tilespmem:s23], [sflag:$0x4], $0x80, s17, s22, $0xb8;
	[tilespmem:$0x1A900] =	vst v63  }
0x10d: {  	_ =	swait.ge [sflag:s10], $0x1400  }
0x10e: {  	[sflag:s10] =	ssyncset.done $0x0  }
0x10f: {  	[sflag:s10] =	ssyncadd.s32 $0xFFFFEC00  }
0x110: {  	_ =	swait.ge [sflag:s28], $0x1400  }
0x111: {  	[sflag:s28] =	ssyncset.done $0x0  }
0x112: {  	[sflag:s28] =	ssyncadd.s32 $0xFFFFEC00  }
0x113: {  	_ =	swait.ge [sflag:s29], $0x28  }
0x114: {  	[sflag:s29] =	ssyncset.done $0x0  }
0x115: {  	[sflag:s29] =	ssyncadd.s32 $0xFFFFFFD8  }
0x116: {  	[spmem:s2] =	stream.indirect.scatter.add.f32 [tilespmem:s24], [sflag:$0x4], $0x80, s18, s22, $0xb8;
	[tilespmem:$0x1A900] =	vst v63  }
0x117: {  	_ =	swait.ge [sflag:s10], $0x1400  }
0x118: {  	[sflag:s10] =	ssyncset.done $0x0  }
0x119: {  	[sflag:s10] =	ssyncadd.s32 $0xFFFFEC00  }
0x11a: {  	_ =	swait.ge [sflag:s28], $0x1400  }
0x11b: {  	[sflag:s28] =	ssyncset.done $0x0  }
0x11c: {  	[sflag:s28] =	ssyncadd.s32 $0xFFFFEC00  }
0x11d: {  	_ =	swait.ge [sflag:s29], $0x28  }
0x11e: {  	[sflag:s29] =	ssyncset.done $0x0  }
0x11f: {  	[sflag:s29] =	ssyncadd.s32 $0xFFFFFFD8  }
0x120: {  	[spmem:s2] =	stream.indirect.scatter.add.f32 [tilespmem:s25], [sflag:$0x4], $0x80, s19, s22, $0xb8;
	[tilespmem:$0x1A900] =	vst v63  }
0x121: {  	_ =	swait.ge [sflag:s10], $0x1400  }
0x122: {  	[sflag:s10] =	ssyncset.done $0x0  }
0x123: {  	[sflag:s10] =	ssyncadd.s32 $0xFFFFEC00  }
0x124: {  	_ =	swait.ge [sflag:s28], $0x1400  }
0x125: {  	[sflag:s28] =	ssyncset.done $0x0  }
0x126: {  	[sflag:s28] =	ssyncadd.s32 $0xFFFFEC00  }
0x127: {  	_ =	swait.ge [sflag:s29], $0x28  }
0x128: {  	[sflag:s29] =	ssyncset.done $0x0  }
0x129: {  	[sflag:s29] =	ssyncadd.s32 $0xFFFFFFD8  }
0x12a: {  	[spmem:s2] =	stream.indirect.scatter.add.f32 [tilespmem:s26], [sflag:$0x4], $0x80, s20, s22, $0xb8;
	[tilespmem:$0x1A900] =	vst v63  }
0x12b: {  	_ =	swait.ge [sflag:s10], $0x1400  }
0x12c: {  	[sflag:s10] =	ssyncset.done $0x0  }
0x12d: {  	[sflag:s10] =	ssyncadd.s32 $0xFFFFEC00  }
0x12e: {  	[bflag:$0x0] =	sbarrier.arrive $0xFFFF  }
0x12f: {  	s8 =	rddreg [dreg:$0xb]  }
0x130: {  	[hbm:s8], [sflag:s6] =	dma.local [spmem:s9], $0x2800  }
0x131: {  	_ =	swait.ge [sflag:s10], $0x2800  }
0x132: {  	s30 =	sadd.s32 $0x1, s30;
	s31 =	rddreg [dreg:$0xc]  }
0x133: {  	p0 =	sne.s32 s30, s31  }
.Ltmp1:
0x134: {  	_ = 	snop;
	(pc) =	sbr.rel @p0 .LBB2_1-.Ltmp1, $3  }
0x135: {  	_ =	sdelay $0x1  }
0x136: {  	[sflag:s10] =	ssyncset.done $0x0  }
0x137: {  	[sflag:s10] =	ssyncadd.s32 $0xFFFFD800  }
0x138: {  	_ =	sfence.sel $0x180000  }
0x139: {  	[bflag:$0x0] =	sbarrier.arrive $0xFFFF  }
0x13a: {  	_ =	strace $0x90000047  }
0x13b: {  	s0 =	stileid.u32;
	[bflag:$0x2] =	sbarrier.arrive $0xFFFF  }
0x13c: {  	p0 =	sne.s32 s0, $0x0;
	s0 =	rddreg [dreg:$0x3]  }
0x13d: {  	s0 =	sadd.s32 @!p0 $0x100000, s0  }
0x13e: {  	[sflag:s0] =	ssyncadd.tile.s32 @!p0 $0x1;
	_ =	shalt  }
.Lfunc_end2:
_tile_overlayer_lowered:
.L_overlay_start_2:
0x13f: {  	(tag) =	ssettag $0x2  }
0x140: {  	s0 =	rddreg [dreg:$0x0];
	s2 =	stileid.u32  }
0x141: {  	s1 =	rddreg [dreg:$0x1];
	p0 =	sne.s32 s2, $0x0  }
0x142: {  	s3 =	rddreg [dreg:$0x2];
	[bflag:$0x3] =	sbarrier.arrive $0xFFFF;
	s2 =	simm.s32 @!p0 $0x1C04  }
0x143: {  	[timem:s3], [sflag:s2] =	dma.local @!p0 [hbm:s0], s1  }
0x144: {  	s0 =	simm.s32 @!p0 $0x4  }
0x145: {  	_ =	swait.ge @!p0 [sflag:s0], s1  }
0x146: {  	s1 =	ssub.s32 @!p0 $0x0, s1;
	[sflag:s0] =	ssyncset.done @!p0 $0x0  }
0x147: {  	[sflag:s0] =	ssyncadd.s32 @!p0 s1  }
0x148: {  	[bflag:$0x3] =	sbarrier.arrive $0xFFFF  }
0x149: {  	_ =	shalt  }

// kernel: kernel.13.cloned.1.call-start
scs
__scs_entry_jumppad:
0x0: {  	(pc) =	sbr.rel $0x88, $3  }
0x1: {  	(tag) =	ssettag $0x0;
	lr =	simm.s32 $0x1  }
0x2: {  	[smem:$0x3F99] =	sst lr;
	_ =	strace $0xD0000000  }
0x3: {  	_ = 	snop  }
0x4: {  	_ = 	snop  }
0x5: {  	_ = 	snop  }
0x6: {  	_ = 	snop  }
0x7: {  	_ = 	snop  }
__scs_overlays_trampoline_lowered:
0x8: {  	[smem:$0x3FA8] =	sst s0  }
0x9: {  	[smem:$0x3FA9] =	sst s1  }
0xa: {  	[smem:$0x3FAA] =	sst s2  }
0xb: {  	[smem:$0x3FAB] =	sst s3  }
0xc: {  	[smem:$0x3FAC] =	sst s4  }
0xd: {  	[smem:$0x3FAD] =	sst s5  }
0xe: {  	[smem:$0x3FAE] =	sst s6  }
0xf: {  	[smem:$0x3FAF] =	sst s7  }
0x10: {  	[smem:$0x3FB0] =	sst s8  }
0x11: {  	[smem:$0x3FB1] =	sst s9;
	s0 =	simm.s32 @!p0 $0x0  }
0x12: {  	s1 =	sld [smem:$0x3F97];
	s0 =	simm.s32 @p0 $0x1  }
0x13: {  	[smem:$0x3FB2] =	sst s0;
	s0 =	simm.s32 @!p1 $0x0  }
0x14: {  	s2 =	sld [smem:$0x3F96];
	s0 =	simm.s32 @p1 $0x1  }
0x15: {  	[smem:$0x3FB3] =	sst s0;
	s0 =	simm.s32 @!p2 $0x0  }
0x16: {  	s3 =	sld [smem:$0x3FDB];
	s0 =	simm.s32 @p2 $0x1  }
0x17: {  	s4 =	simm.s32 $0x1BF5;
	[smem:$0x3FB5] =	sst s0  }
0x18: {  	s0 =	sld [smem:$0x3F98];
	_ =	swait.ge [sflag:s4], $0x0  }
0x19: {  	s7 =	sld [smem:$0x3F99]  }
0x1a: {  	s8 =	sadd.s32 $0xFFFFE003, lr  }
0x1b: {  	s9 =	sadd.s32 $0xFFFFFEF7, lr;
	s5 =	simm.s32 $0xFFFFFFFF;
	p2 =	slt.u32 s8, $0xFFFFF086  }
0x1c: {  	p1 =	slt.u32 s9, $0xF7A;
	s5 =	simm.s32 @!p2 $0x0  }
0x1d: {  	s5 =	simm.s32 @p1 $0x1;
	p0 =	seq.s32 s7, s2  }
0x1e: {  	s7 =	smul.u32 @!p0 $0xF7A, s2;
	p2 =	seq.s32 @!p0 s5, $0x0  }
0x1f: {  	s9 =	smul.u32 $0xF7A, s1;
	s8 =	simm.s32 @!p0 $0x1BF5;
	p2 =	por !p2, p0  }
0x20: {  	[sflag:s8] =	ssyncset.s32 @!p0 $0xFFFFF086;
	s6 =	sadd.s32 @!p0 s3, s7;
	s7 =	simm.s32 @!p0 $0x108  }
0x21: {  	s3 =	sadd.s32 s3, s9;
	s6 =	sadd.s32 @!p0 $0x88, s6;
	s7 =	simm.s32 @p2 $0x1082  }
0x22: {  	[simem:s7], [sflag:s8] =	dma.local @!p0 [hbm:s6], $0xF7A  }
0x23: {  	s9 =	sor.u32 $0xD0000000, s2;
	s6 =	simm.s32 $0x108;
	_ =	swait.ge @!p0 [sflag:s8], $0x0  }
0x24: {  	s3 =	sadd.s32 $0x88, s3;
	s6 =	simm.s32 @!p1 $0x1082;
	[sflag:s4] =	ssyncset.s32 $0xFFFFF086  }
0x25: {  	[simem:s6], [sflag:s4] =	dma.local [hbm:s3], $0xF7A  }
0x26: {  	[smem:$0x3F99] =	sst s1;
	(tag) =	ssettag s2;
	_ =	strace s9  }
0x27: {  	s1 =	sld [smem:$0x3FA9]  }
0x28: {  	s2 =	sld [smem:$0x3FAA]  }
0x29: {  	s4 =	sld [smem:$0x3FAC]  }
0x2a: {  	p0 =	seq.s32 s5, $0x0;
	s5 =	sld [smem:$0x3FAD]  }
0x2b: {  	s6 =	sld [smem:$0x3FAE]  }
0x2c: {  	s7 =	sld [smem:$0x3FAF]  }
0x2d: {  	s3 =	simm.s32 $0x108;
	s8 =	sld [smem:$0x3FB0]  }
0x2e: {  	s3 =	simm.s32 @!p0 $0x1082;
	s9 =	sld [smem:$0x3FB1]  }
0x2f: {  	lr =	sadd.s32 s0, s3;
	s0 =	sld [smem:$0x3FA8]  }
0x30: {  	s3 =	sld [smem:$0x3FAB]  }
0x31: {  	[smem:$0x3FB4] =	sst s10  }
0x32: {  	s10 =	sld [smem:$0x3FB2];
	_ =	sdelay $0x3  }
0x33: {  	p0 =	seq.s32 s10, $0x1;
	s10 =	sld [smem:$0x3FB4];
	_ =	sdelay $0x3  }
0x34: {  	[smem:$0x3FB4] =	sst s10  }
0x35: {  	s10 =	sld [smem:$0x3FB3];
	_ =	sdelay $0x3  }
0x36: {  	p1 =	seq.s32 s10, $0x1;
	s10 =	sld [smem:$0x3FB4];
	_ =	sdelay $0x3  }
0x37: {  	[smem:$0x3FB4] =	sst s10  }
0x38: {  	s10 =	sld [smem:$0x3FB5]  }
0x39: {  	_ = 	snop;
	(pc) =	sbr.ind lr, $3  }
0x3a: {  	_ = 	snop  }
0x3b: {  	_ = 	snop  }
0x3c: {  	p2 =	seq.s32 s10, $0x1;
	s10 =	sld [smem:$0x3FB4]  }
0x3d: {  	_ =	shalt  }
0x3e: {  	_ =	shalt  }
0x3f: {  	_ =	shalt  }
0x40: {  	_ =	shalt  }
0x41: {  	_ =	shalt  }
0x42: {  	_ =	shalt  }
0x43: {  	_ =	shalt  }
0x44: {  	_ =	shalt  }
0x45: {  	_ =	shalt  }
0x46: {  	_ =	shalt  }
0x47: {  	_ =	shalt  }
0x48: {  	_ =	shalt  }
0x49: {  	_ =	shalt  }
0x4a: {  	_ =	shalt  }
0x4b: {  	_ =	shalt  }
0x4c: {  	_ =	shalt  }
0x4d: {  	_ =	shalt  }
0x4e: {  	_ =	shalt  }
0x4f: {  	_ =	shalt  }
0x50: {  	_ =	shalt  }
0x51: {  	_ =	shalt  }
0x52: {  	_ =	shalt  }
0x53: {  	_ =	shalt  }
0x54: {  	_ =	shalt  }
0x55: {  	_ =	shalt  }
0x56: {  	_ =	shalt  }
0x57: {  	_ =	shalt  }
0x58: {  	_ =	shalt  }
0x59: {  	_ =	shalt  }
0x5a: {  	_ =	shalt  }
0x5b: {  	_ =	shalt  }
0x5c: {  	_ =	shalt  }
0x5d: {  	_ =	shalt  }
0x5e: {  	_ =	shalt  }
0x5f: {  	_ =	shalt  }
0x60: {  	_ =	shalt  }
0x61: {  	_ =	shalt  }
0x62: {  	_ =	shalt  }
0x63: {  	_ =	shalt  }
0x64: {  	_ =	shalt  }
0x65: {  	_ =	shalt  }
0x66: {  	_ =	shalt  }
0x67: {  	_ =	shalt  }
0x68: {  	_ =	shalt  }
0x69: {  	_ =	shalt  }
0x6a: {  	_ =	shalt  }
0x6b: {  	_ =	shalt  }
0x6c: {  	_ =	shalt  }
0x6d: {  	_ =	shalt  }
0x6e: {  	_ =	shalt  }
0x6f: {  	_ =	shalt  }
0x70: {  	_ =	shalt  }
0x71: {  	_ =	shalt  }
0x72: {  	_ =	shalt  }
0x73: {  	_ =	shalt  }
0x74: {  	_ =	shalt  }
0x75: {  	_ =	shalt  }
0x76: {  	_ =	shalt  }
0x77: {  	_ =	shalt  }
0x78: {  	_ =	shalt  }
0x79: {  	_ =	shalt  }
0x7a: {  	_ =	shalt  }
0x7b: {  	_ =	shalt  }
0x7c: {  	_ =	shalt  }
0x7d: {  	_ =	shalt  }
0x7e: {  	_ =	shalt  }
0x7f: {  	_ =	shalt  }
0x80: {  	_ =	shalt  }
0x81: {  	_ =	shalt  }
0x82: {  	_ =	shalt  }
0x83: {  	_ =	shalt  }
0x84: {  	_ =	shalt  }
0x85: {  	_ =	shalt  }
0x86: {  	_ =	shalt  }
0x87: {  	_ =	shalt  }
.Lfunc_end0:
.L_simem_size_0:
called_computation.2_lowered:
.L_overlay_start_0:
0x88: {  	s2 =	sld [smem:$0x3FD9]  }
0x89: {  	s3 =	sld [smem:$0x3FFE];
	_ =	sdelay $0x1  }
0x8a: {  	s1 =	srdreg.scid  }
0x8b: {  	s0 =	sand.u32 $0x1, s1  }
0x8c: {  	s17 =	sshll.u32 s0, $0xA;
	s2 =	sadd.s32 s3, s2  }
0x8d: {  	s2 =	sadd.s32 s2, s17  }
0x8e: {  	[smem:$0x3FC0] =	sst s2  }
0x8f: {  	_ = 	snop  }
0x90: {  	s2 =	sld [smem:$0x3FD0];
	(tm) =	ssettm $0x1  }
0x91: {  	s18 =	sld [smem:$0x3FFB];
	_ =	sdelay $0x3  }
0x92: {  	_ =	strace s18  }
0x93: {  	s3 =	sld [smem:$0x3FFC];
	_ =	sdelay $0x3  }
0x94: {  	_ =	strace s3  }
0x95: {  	s3 =	sld [smem:$0x3FFD];
	_ =	sdelay $0x3  }
0x96: {  	_ =	strace s3  }
0x97: {  	_ =	strace $0x8FFFFFFF  }
0x98: {  	s19 =	sld [smem:$0x3FDB];
	_ =	sdelay $0x1  }
0x99: {  	s4 =	simm.s32 $_scs_section_size  }
0x9a: {  	s5 =	simm.s32 $_size__tile_overlayer_lowered;
	s6 =	simm.s32 $_tile_overlayer_lowered  }
0x9b: {  	s22 =	simm.s32 $0x1BFF;
	s21 =	sshll.u32 s6, $0x1;
	s3 =	sadd.s32 s4, s19  }
0x9c: {  	s7 =	simm.s32 $0x0;
	s20 =	sshll.u32 s5, $0x1;
	s5 =	sadd.s32 s21, s3  }
0x9d: {  	[timem:s7], [sflag:s22] =	dma.local [hbm:s5], s20  }
0x9e: {  	_ =	swait.ge [sflag:s22], s20  }
0x9f: {  	s4 =	ssub.s32 $0x0, s20;
	[sflag:s22] =	ssyncset.done $0x0  }
0xa0: {  	[sflag:s22] =	ssyncadd.s32 s4;
	_ =	sdelay $0x1  }
0xa1: {  	s23 =	simm.s32 $0x1B8B  }
0xa2: {  	_ =	swait.ge [sflag:s23], $0x1  }
0xa3: {  	[sflag:s23] =	ssyncset.done $0x0  }
0xa4: {  	s25 =	simm.s32 $0x1B8E;
	s24 =	sld [smem:$0x3FFE];
	[sflag:s23] =	ssyncadd.s32 $0xFFFFFFFF  }
0xa5: {  	s26 =	simm.s32 $execute0_lowered;
	[smem:$0x3FD2] =	sst s25  }
0xa6: {  	s5 =	sshll.u32 s26, $0x1;
	_ =	strace $0x8000004C;
	[dreg:$0x1] =	wrdreg $0xFFFFFFFF  }
0xa7: {  	s28 =	simm.s32 $_size_execute0_lowered;
	s3 =	sadd.s32 s3, s5;
	[dreg:$0x0] =	wrdreg $0x0  }
0xa8: {  	s5 =	sshll.u32 s28, $0x1;
	[dreg:$0x2] =	wrdreg s3  }
0xa9: {  	[dreg:$0x3] =	wrdreg s5  }
0xaa: {  	[dreg:$0x4] =	wrdreg $0xC0  }
0xab: {  	_ =	task [dreg:s7], $0x5FFFF  }
0xac: {  	[dreg:$0x1] =	wrdreg $0xFFFFFFFF  }
0xad: {  	[dreg:$0x0] =	wrdreg $0x60  }
0xae: {  	[dreg:$0x2] =	wrdreg s24  }
0xaf: {  	[dreg:$0x3] =	wrdreg s2  }
0xb0: {  	[dreg:$0x4] =	wrdreg $0x69000  }
0xb1: {  	[dreg:$0x5] =	wrdreg $0x9  }
0xb2: {  	_ =	task.clear_ibuf [dreg:s7], $0x6FFFF;
	_ =	strace $0x9000004C  }
0xb3: {  	s29 =	simm.s32 $0x9;
	_ =	strace $0x8000004E  }
0xb4: {  	_ =	swait.ge [sflag:s29], $0x1  }
0xb5: {  	[sflag:s29] =	ssyncadd.s32 $0xFFFFFFFF  }
0xb6: {  	_ =	strace $0x9000004E  }
0xb7: {  	_ =	sfence  }
0xb8: {  	s30 =	sld [smem:$0x0];
	_ =	sdelay $0x2  }
0xb9: {  	s31 =	sshll.u32 s1, $0xD;
	s1 =	sshrl.u32 s1, $0x2  }
0xba: {  	s3 =	sand.u32 $0x4000, s31;
	s1 =	sadd.s32 s1, s30  }
0xbb: {  	s0 =	sor.u32 s3, s0;
	s1 =	sshll.u32 s1, $0x11  }
0xbc: {  	s0 =	sor.u32 s1, s0  }
0xbd: {  	s0 =	sadd.s32 $0x8F2B, s0  }
0xbe: {  	[sflag:s0] =	ssyncadd.remote.s32 $0x1  }
0xbf: {  	_ =	sfence.sel $0xFFFF  }
0xc0: {  	[dreg:$0x0] =	wrdreg $0xFFFFFFFF;
	(pc) =	sbr.abs _section_cstart, $3  }
0xc1: {  	[dreg:$0x1] =	wrdreg $0xFFFFFFFF  }
0xc2: {  	_ =	task.clear_ibuf [dreg:s7], $0x2FFFF;
	_ =	strace $0x9FFFFFFF  }
0xc3: {  	(tm) =	ssettm $0x7FFFFFFF  }
tec
execute0_lowered:
.L_overlay_start_1:
0x0: {  	(tag) =	ssettag $0x1  }
0x1: {  	s0 =	rddreg [dreg:$0x0]  }
0x2: {  	s1 =	rddreg [dreg:$0x1];
	s13 =	stileid.u32  }
0x3: {  	s3 =	srdreg.scid;
	s2 =	rddreg [dreg:$0x2];
	s28 =	simm.s32 $0x1  }
0x4: {  	s29 =	simm.s32 $0x3;
	s30 =	simm.s32 $0x0;
	s5 =	smul.u32 $0x4E2, s13  }
0x5: {  	s6 =	sand.u32 $0x1, s3;
	s7 =	smul.u32 $0x2800, s13;
	s3 =	simm.s32 $0x0  }
0x6: {  	s4 =	sadd.s32 $0x7800, s0;
	s10 =	smul.u32 $0x2710, s13;
	s31 =	sadd.s32 $0x57800, s0  }
0x7: {  	s17 =	sshll.u32 s13, $0x6;
	s8 =	smul.u32 $0x28000, s6;
	[smem:$0x7FF] =	sst s3  }
0x8: {  	s9 =	smul.u32 $0x27100, s6;
	s6 =	ssub.s32 $0x2, s6;
	_ =	strace $0x8000004D  }
0x9: {  	s11 =	sadd.s32 s5, s0;
	[dreg:$0xa] =	wrdreg s31;
	s5 =	smul.u32 $0x50000, s13  }
0xa: {  	s12 =	sshrl.u32 s6, $0x1;
	s13 =	simm.s32 $0x6500;
	s7 =	sadd.s32 s7, s8  }
0xb: {  	s9 =	sadd.s32 s10, s9;
	s12 =	ssub.s32 s6, s12;
	s18 =	sadd.s32 $0x2800, s11  }
0xc: {  	s6 =	sor.u32 $0x1C04, s17;
	s11 =	simm.s32 $0x6400;
	s17 =	simm.s32 $0x6700  }
0xd: {  	s0 =	sadd.s32 s7, s0;
	s10 =	sadd.s32 $0xA0, s9;
	s14 =	sshrl.u32 s5, $0x2  }
0xe: {  	s19 =	sadd.s32 $0x78, s9;
	[dreg:$0x5] =	wrdreg s18;
	s21 =	sadd.s32 $0x50, s9  }
0xf: {  	s22 =	sadd.s32 $0x28, s9;
	s26 =	sshrl.u32 s9, $0x3;
	s31 =	smax.u32 s12, $0x1  }
0x10: {  	s12 =	simm.s32 $0x6480;
	s18 =	simm.s32 $0x6780;
	s15 =	sshrl.u32 s10, $0x3  }
0x11: {  	s16 =	sadd.s32 s14, s2;
	s20 =	sshrl.u32 s19, $0x3;
	s8 =	sshrl.u32 s21, $0x3  }
0x12: {  	s24 =	sshrl.u32 s22, $0x3;
	s0 =	sadd.s32 $0x5A000, s0;
	[dreg:$0xc] =	wrdreg s31  }
0x13: {  	s10 =	simm.s32 $0x4;
	s14 =	simm.s32 $0x6580;
	s19 =	simm.s32 $0x6800  }
0x14: {  	s21 =	simm.s32 $0x2;
	s22 =	simm.s32 $0x28;
	s7 =	sadd.s32 s15, s1  }
0x15: {  	s23 =	sadd.s32 s8, s1;
	s25 =	sadd.s32 s24, s1;
	[dreg:$0xb] =	wrdreg s0  }
0x16: {  	s9 =	sshrl.u32 s16, $0x3;
	s15 =	simm.s32 $0x6600;
	[dreg:$0x4] =	wrdreg s7  }
0x17: {  	s16 =	simm.s32 $0x6680;
	s24 =	simm.s32 $0x2800;
	[dreg:$0x7] =	wrdreg s23  }
0x18: {  	s7 =	sadd.s32 s20, s1;
	[dreg:$0x8] =	wrdreg s25;
	s1 =	sadd.s32 s26, s1  }
0x19: {  	s20 =	simm.s32 $0x6880;
	s23 =	simm.s32 $0x1400;
	[dreg:$0x6] =	wrdreg s7  }
0x1a: {  	s25 =	simm.s32 $0x3C00;
	s26 =	simm.s32 $0x5000;
	[dreg:$0x9] =	wrdreg s1  }
.LBB2_1:
0x1b: {  	s0 =	rddreg [dreg:$0xa]  }
0x1c: {  	[spmem:s9], [sflag:s6] =	dma.local [hbm:s0], $0x2800  }
0x1d: {  	_ =	swait.ge [sflag:s10], $0x2800  }
0x1e: {  	[sflag:s10] =	ssyncset.done $0x0  }
0x1f: {  	[sflag:s10] =	ssyncadd.s32 $0xFFFFD800  }
0x20: {  	[bflag:$0x0] =	sbarrier.arrive $0xFFFF  }
0x21: {  	s8 =	rddreg [dreg:$0x9]  }
0x22: {  	s1 =	rddreg [dreg:$0x8];
	s0 =	sadd.s32 $0x0, s8  }
0x23: {  	[tilespmem:s11], [sflag:$0x2] =	stream.linear.gather [hbm4b:s0+s3], $0x28, $0x38;
	[tilespmem:$0x1A900] =	vst v63  }
0x24: {  	s31 =	rddreg [dreg:$0x7];
	s5 =	sadd.s32 $0x0, s1  }
0x25: {  	[tilespmem:s12], [sflag:$0x2] =	stream.linear.gather [hbm4b:s5+s3], $0x28, $0x38;
	[tilespmem:$0x1A900] =	vst v63  }
0x26: {  	s7 =	rddreg [dreg:$0x6];
	s8 =	sadd.s32 $0x0, s31  }
0x27: {  	[tilespmem:s13], [sflag:$0x2] =	stream.linear.gather [hbm4b:s8+s3], $0x28, $0x38;
	[tilespmem:$0x1A900] =	vst v63  }
0x28: {  	s31 =	rddreg [dreg:$0x4];
	s5 =	sadd.s32 $0x0, s7  }
0x29: {  	[tilespmem:s14], [sflag:$0x2] =	stream.linear.gather [hbm4b:s5+s3], $0x28, $0x38;
	[tilespmem:$0x1A900] =	vst v63  }
0x2a: {  	s7 =	rddreg [dreg:$0x5];
	s8 =	sadd.s32 $0x0, s31  }
0x2b: {  	[tilespmem:s15], [sflag:$0x2] =	stream.linear.gather [hbm4b:s8+s3], $0x28, $0x38;
	[tilespmem:$0x1A900] =	vst v63  }
0x2c: {  	s5 =	sadd.s32 $0x0, s7  }
0x2d: {  	[tilespmem:s16], [sflag:$0x3] =	stream.linear.gather [hbm4b:s5+s3], $0x28, $0x38;
	[tilespmem:$0x1A900] =	vst v63  }
0x2e: {  	s1 =	sadd.s32 $0x5, s5  }
0x2f: {  	[tilespmem:s17], [sflag:$0x3] =	stream.linear.gather [hbm4b:s1+s3], $0x28, $0x38;
	[tilespmem:$0x1A900] =	vst v63  }
0x30: {  	s7 =	sadd.s32 $0xA, s5  }
0x31: {  	[tilespmem:s18], [sflag:$0x3] =	stream.linear.gather [hbm4b:s7+s3], $0x28, $0x38;
	[tilespmem:$0x1A900] =	vst v63  }
0x32: {  	s8 =	sadd.s32 $0xF, s5  }
0x33: {  	[tilespmem:s19], [sflag:$0x3] =	stream.linear.gather [hbm4b:s8+s3], $0x28, $0x38;
	[tilespmem:$0x1A900] =	vst v63  }
0x34: {  	s0 =	sadd.s32 $0x14, s5  }
0x35: {  	[tilespmem:s20], [sflag:$0x3] =	stream.linear.gather [hbm4b:s0+s3], $0x28, $0x38;
	[tilespmem:$0x1A900] =	vst v63  }
0x36: {  	_ =	swait.ge [sflag:s21], $0x28  }
0x37: {  	[sflag:s21] =	ssyncset.done $0x0  }
0x38: {  	[sflag:s21] =	ssyncadd.s32 $0xFFFFFFD8  }
0x39: {  	[tilespmem:s3], [sflag:$0x1] =	stream.indirect.gather [hbm4b:s4+s22], $0x80, s11, s22, $0xb8;
	[tilespmem:$0x1A900] =	vst v63  }
0x3a: {  	_ =	swait.ge [sflag:s21], $0x28  }
0x3b: {  	[sflag:s21] =	ssyncset.done $0x0  }
0x3c: {  	[sflag:s21] =	ssyncadd.s32 $0xFFFFFFD8  }
0x3d: {  	[tilespmem:s23], [sflag:$0x1] =	stream.indirect.gather [hbm4b:s4+s22], $0x80, s12, s22, $0xb8;
	[tilespmem:$0x1A900] =	vst v63  }
0x3e: {  	_ =	swait.ge [sflag:s21], $0x28  }
0x3f: {  	[sflag:s21] =	ssyncset.done $0x0  }
0x40: {  	[sflag:s21] =	ssyncadd.s32 $0xFFFFFFD8  }
0x41: {  	[tilespmem:s24], [sflag:$0x1] =	stream.indirect.gather [hbm4b:s4+s22], $0x80, s13, s22, $0xb8;
	[tilespmem:$0x1A900] =	vst v63  }
0x42: {  	_ =	swait.ge [sflag:s21], $0x28  }
0x43: {  	[sflag:s21] =	ssyncset.done $0x0  }
0x44: {  	[sflag:s21] =	ssyncadd.s32 $0xFFFFFFD8  }
0x45: {  	[tilespmem:s25], [sflag:$0x1] =	stream.indirect.gather [hbm4b:s4+s22], $0x80, s14, s22, $0xb8;
	[tilespmem:$0x1A900] =	vst v63  }
0x46: {  	_ =	swait.ge [sflag:s21], $0x28  }
0x47: {  	[sflag:s21] =	ssyncset.done $0x0  }
0x48: {  	[sflag:s21] =	ssyncadd.s32 $0xFFFFFFD8  }
0x49: {  	[tilespmem:s26], [sflag:$0x1] =	stream.indirect.gather [hbm4b:s4+s22], $0x80, s15, s22, $0xb8;
	[tilespmem:$0x1A900] =	vst v63  }
0x4a: {  	_ =	swait.ge [sflag:s28], $0x1400  }
0x4b: {  	[sflag:s28] =	ssyncset.done $0x0  }
0x4c: {  	[sflag:s28] =	ssyncadd.s32 $0xFFFFEC00  }
0x4d: {  	_ =	swait.ge [sflag:s29], $0x28  }
0x4e: {  	[sflag:s29] =	ssyncset.done $0x0  }
0x4f: {  	[sflag:s29] =	ssyncadd.s32 $0xFFFFFFD8  }
0x50: {  	[spmem:s2] =	stream.indirect.scatter.add.f32 [tilespmem:s3], [sflag:$0x4], $0x80, s16, s22, $0xb8;
	[tilespmem:$0x1A900] =	vst v63  }
0x51: {  	_ =	swait.ge [sflag:s10], $0x1400  }
0x52: {  	[sflag:s10] =	ssyncset.done $0x0  }
0x53: {  	[sflag:s10] =	ssyncadd.s32 $0xFFFFEC00  }
0x54: {  	_ =	swait.ge [sflag:s28], $0x1400  }
0x55: {  	[sflag:s28] =	ssyncset.done $0x0  }
0x56: {  	[sflag:s28] =	ssyncadd.s32 $0xFFFFEC00  }
0x57: {  	_ =	swait.ge [sflag:s29], $0x28  }
0x58: {  	[sflag:s29] =	ssyncset.done $0x0  }
0x59: {  	[sflag:s29] =	ssyncadd.s32 $0xFFFFFFD8  }
0x5a: {  	[spmem:s2] =	stream.indirect.scatter.add.f32 [tilespmem:s23], [sflag:$0x4], $0x80, s17, s22, $0xb8;
	[tilespmem:$0x1A900] =	vst v63  }
0x5b: {  	_ =	swait.ge [sflag:s10], $0x1400  }
0x5c: {  	[sflag:s10] =	ssyncset.done $0x0  }
0x5d: {  	[sflag:s10] =	ssyncadd.s32 $0xFFFFEC00  }
0x5e: {  	_ =	swait.ge [sflag:s28], $0x1400  }
0x5f: {  	[sflag:s28] =	ssyncset.done $0x0  }
0x60: {  	[sflag:s28] =	ssyncadd.s32 $0xFFFFEC00  }
0x61: {  	_ =	swait.ge [sflag:s29], $0x28  }
0x62: {  	[sflag:s29] =	ssyncset.done $0x0  }
0x63: {  	[sflag:s29] =	ssyncadd.s32 $0xFFFFFFD8  }
0x64: {  	[spmem:s2] =	stream.indirect.scatter.add.f32 [tilespmem:s24], [sflag:$0x4], $0x80, s18, s22, $0xb8;
	[tilespmem:$0x1A900] =	vst v63  }
0x65: {  	_ =	swait.ge [sflag:s10], $0x1400  }
0x66: {  	[sflag:s10] =	ssyncset.done $0x0  }
0x67: {  	[sflag:s10] =	ssyncadd.s32 $0xFFFFEC00  }
0x68: {  	_ =	swait.ge [sflag:s28], $0x1400  }
0x69: {  	[sflag:s28] =	ssyncset.done $0x0  }
0x6a: {  	[sflag:s28] =	ssyncadd.s32 $0xFFFFEC00  }
0x6b: {  	_ =	swait.ge [sflag:s29], $0x28  }
0x6c: {  	[sflag:s29] =	ssyncset.done $0x0  }
0x6d: {  	[sflag:s29] =	ssyncadd.s32 $0xFFFFFFD8  }
0x6e: {  	[spmem:s2] =	stream.indirect.scatter.add.f32 [tilespmem:s25], [sflag:$0x4], $0x80, s19, s22, $0xb8;
	[tilespmem:$0x1A900] =	vst v63  }
0x6f: {  	_ =	swait.ge [sflag:s10], $0x1400  }
0x70: {  	[sflag:s10] =	ssyncset.done $0x0  }
0x71: {  	[sflag:s10] =	ssyncadd.s32 $0xFFFFEC00  }
0x72: {  	_ =	swait.ge [sflag:s28], $0x1400  }
0x73: {  	[sflag:s28] =	ssyncset.done $0x0  }
0x74: {  	[sflag:s28] =	ssyncadd.s32 $0xFFFFEC00  }
0x75: {  	_ =	swait.ge [sflag:s29], $0x28  }
0x76: {  	[sflag:s29] =	ssyncset.done $0x0  }
0x77: {  	[sflag:s29] =	ssyncadd.s32 $0xFFFFFFD8  }
0x78: {  	[spmem:s2] =	stream.indirect.scatter.add.f32 [tilespmem:s26], [sflag:$0x4], $0x80, s20, s22, $0xb8;
	[tilespmem:$0x1A900] =	vst v63  }
0x79: {  	s31 =	simm.s32 $0x19;
	_ =	swait.ge [sflag:s10], $0x1400  }
0x7a: {  	s1 =	simm.s32 $0x32;
	s0 =	rddreg [dreg:$0x9];
	[sflag:s10] =	ssyncset.done $0x0  }
.LBB2_2:
0x7b: {  	[sflag:s10] =	ssyncadd.s32 $0xFFFFEC00;
	s7 =	rddreg [dreg:$0x8];
	s0 =	sadd.s32 s31, s0  }
0x7c: {  	[tilespmem:s11], [sflag:$0x2] =	stream.linear.gather [hbm4b:s0+s3], $0x28, $0x38;
	[tilespmem:$0x1A900] =	vst v63  }
0x7d: {  	s8 =	rddreg [dreg:$0x7];
	s0 =	sadd.s32 s31, s7  }
0x7e: {  	[tilespmem:s12], [sflag:$0x2] =	stream.linear.gather [hbm4b:s0+s3], $0x28, $0x38;
	[tilespmem:$0x1A900] =	vst v63  }
0x7f: {  	s7 =	rddreg [dreg:$0x6];
	s0 =	sadd.s32 s31, s8  }
0x80: {  	[tilespmem:s13], [sflag:$0x2] =	stream.linear.gather [hbm4b:s0+s3], $0x28, $0x38;
	[tilespmem:$0x1A900] =	vst v63  }
0x81: {  	s8 =	rddreg [dreg:$0x4];
	s0 =	sadd.s32 s31, s7  }
0x82: {  	[tilespmem:s14], [sflag:$0x2] =	stream.linear.gather [hbm4b:s0+s3], $0x28, $0x38;
	[tilespmem:$0x1A900] =	vst v63  }
0x83: {  	s8 =	sadd.s32 s31, s8;
	s7 =	rddreg [dreg:$0x5]  }
0x84: {  	[tilespmem:s15], [sflag:$0x2] =	stream.linear.gather [hbm4b:s8+s3], $0x28, $0x38;
	[tilespmem:$0x1A900] =	vst v63  }
0x85: {  	s0 =	sadd.s32 s31, s7  }
0x86: {  	[tilespmem:s16], [sflag:$0x3] =	stream.linear.gather [hbm4b:s0+s3], $0x28, $0x38;
	[tilespmem:$0x1A900] =	vst v63  }
0x87: {  	s8 =	sadd.s32 $0x5, s0  }
0x88: {  	[tilespmem:s17], [sflag:$0x3] =	stream.linear.gather [hbm4b:s8+s3], $0x28, $0x38;
	[tilespmem:$0x1A900] =	vst v63  }
0x89: {  	s7 =	sadd.s32 $0xA, s0  }
0x8a: {  	[tilespmem:s18], [sflag:$0x3] =	stream.linear.gather [hbm4b:s7+s3], $0x28, $0x38;
	[tilespmem:$0x1A900] =	vst v63  }
0x8b: {  	s8 =	sadd.s32 $0xF, s0  }
0x8c: {  	[tilespmem:s19], [sflag:$0x3] =	stream.linear.gather [hbm4b:s8+s3], $0x28, $0x38;
	[tilespmem:$0x1A900] =	vst v63  }
0x8d: {  	s0 =	sadd.s32 $0x14, s0  }
0x8e: {  	[tilespmem:s20], [sflag:$0x3] =	stream.linear.gather [hbm4b:s0+s3], $0x28, $0x38;
	[tilespmem:$0x1A900] =	vst v63  }
0x8f: {  	_ =	swait.ge [sflag:s21], $0x28  }
0x90: {  	[sflag:s21] =	ssyncset.done $0x0  }
0x91: {  	[sflag:s21] =	ssyncadd.s32 $0xFFFFFFD8  }
0x92: {  	[tilespmem:s3], [sflag:$0x1] =	stream.indirect.gather [hbm4b:s4+s22], $0x80, s11, s22, $0xb8;
	[tilespmem:$0x1A900] =	vst v63  }
0x93: {  	_ =	swait.ge [sflag:s21], $0x28  }
0x94: {  	[sflag:s21] =	ssyncset.done $0x0  }
0x95: {  	[sflag:s21] =	ssyncadd.s32 $0xFFFFFFD8  }
0x96: {  	[tilespmem:s23], [sflag:$0x1] =	stream.indirect.gather [hbm4b:s4+s22], $0x80, s12, s22, $0xb8;
	[tilespmem:$0x1A900] =	vst v63  }
0x97: {  	_ =	swait.ge [sflag:s21], $0x28  }
0x98: {  	[sflag:s21] =	ssyncset.done $0x0  }
0x99: {  	[sflag:s21] =	ssyncadd.s32 $0xFFFFFFD8  }
0x9a: {  	[tilespmem:s24], [sflag:$0x1] =	stream.indirect.gather [hbm4b:s4+s22], $0x80, s13, s22, $0xb8;
	[tilespmem:$0x1A900] =	vst v63  }
0x9b: {  	_ =	swait.ge [sflag:s21], $0x28  }
0x9c: {  	[sflag:s21] =	ssyncset.done $0x0  }
0x9d: {  	[sflag:s21] =	ssyncadd.s32 $0xFFFFFFD8  }
0x9e: {  	[tilespmem:s25], [sflag:$0x1] =	stream.indirect.gather [hbm4b:s4+s22], $0x80, s14, s22, $0xb8;
	[tilespmem:$0x1A900] =	vst v63  }
0x9f: {  	_ =	swait.ge [sflag:s21], $0x28  }
0xa0: {  	[sflag:s21] =	ssyncset.done $0x0  }
0xa1: {  	[sflag:s21] =	ssyncadd.s32 $0xFFFFFFD8  }
0xa2: {  	[tilespmem:s26], [sflag:$0x1] =	stream.indirect.gather [hbm4b:s4+s22], $0x80, s15, s22, $0xb8;
	[tilespmem:$0x1A900] =	vst v63  }
0xa3: {  	_ =	swait.ge [sflag:s28], $0x1400  }
0xa4: {  	[sflag:s28] =	ssyncset.done $0x0  }
0xa5: {  	[sflag:s28] =	ssyncadd.s32 $0xFFFFEC00  }
0xa6: {  	_ =	swait.ge [sflag:s29], $0x28  }
0xa7: {  	[sflag:s29] =	ssyncset.done $0x0  }
0xa8: {  	[sflag:s29] =	ssyncadd.s32 $0xFFFFFFD8  }
0xa9: {  	[spmem:s2] =	stream.indirect.scatter.add.f32 [tilespmem:s3], [sflag:$0x4], $0x80, s16, s22, $0xb8;
	[tilespmem:$0x1A900] =	vst v63  }
0xaa: {  	_ =	swait.ge [sflag:s10], $0x1400  }
0xab: {  	[sflag:s10] =	ssyncset.done $0x0  }
0xac: {  	[sflag:s10] =	ssyncadd.s32 $0xFFFFEC00  }
0xad: {  	_ =	swait.ge [sflag:s28], $0x1400  }
0xae: {  	[sflag:s28] =	ssyncset.done $0x0  }
0xaf: {  	[sflag:s28] =	ssyncadd.s32 $0xFFFFEC00  }
0xb0: {  	_ =	swait.ge [sflag:s29], $0x28  }
0xb1: {  	[sflag:s29] =	ssyncset.done $0x0  }
0xb2: {  	[sflag:s29] =	ssyncadd.s32 $0xFFFFFFD8  }
0xb3: {  	[spmem:s2] =	stream.indirect.scatter.add.f32 [tilespmem:s23], [sflag:$0x4], $0x80, s17, s22, $0xb8;
	[tilespmem:$0x1A900] =	vst v63  }
0xb4: {  	_ =	swait.ge [sflag:s10], $0x1400  }
0xb5: {  	[sflag:s10] =	ssyncset.done $0x0  }
0xb6: {  	[sflag:s10] =	ssyncadd.s32 $0xFFFFEC00  }
0xb7: {  	_ =	swait.ge [sflag:s28], $0x1400  }
0xb8: {  	[sflag:s28] =	ssyncset.done $0x0  }
0xb9: {  	[sflag:s28] =	ssyncadd.s32 $0xFFFFEC00  }
0xba: {  	_ =	swait.ge [sflag:s29], $0x28  }
0xbb: {  	[sflag:s29] =	ssyncset.done $0x0  }
0xbc: {  	[sflag:s29] =	ssyncadd.s32 $0xFFFFFFD8  }
0xbd: {  	[spmem:s2] =	stream.indirect.scatter.add.f32 [tilespmem:s24], [sflag:$0x4], $0x80, s18, s22, $0xb8;
	[tilespmem:$0x1A900] =	vst v63  }
0xbe: {  	_ =	swait.ge [sflag:s10], $0x1400  }
0xbf: {  	[sflag:s10] =	ssyncset.done $0x0  }
0xc0: {  	[sflag:s10] =	ssyncadd.s32 $0xFFFFEC00  }
0xc1: {  	_ =	swait.ge [sflag:s28], $0x1400  }
0xc2: {  	[sflag:s28] =	ssyncset.done $0x0  }
0xc3: {  	[sflag:s28] =	ssyncadd.s32 $0xFFFFEC00  }
0xc4: {  	_ =	swait.ge [sflag:s29], $0x28  }
0xc5: {  	[sflag:s29] =	ssyncset.done $0x0  }
0xc6: {  	[sflag:s29] =	ssyncadd.s32 $0xFFFFFFD8  }
0xc7: {  	[spmem:s2] =	stream.indirect.scatter.add.f32 [tilespmem:s25], [sflag:$0x4], $0x80, s19, s22, $0xb8;
	[tilespmem:$0x1A900] =	vst v63  }
0xc8: {  	_ =	swait.ge [sflag:s10], $0x1400  }
0xc9: {  	[sflag:s10] =	ssyncset.done $0x0  }
0xca: {  	[sflag:s10] =	ssyncadd.s32 $0xFFFFEC00  }
0xcb: {  	_ =	swait.ge [sflag:s28], $0x1400  }
0xcc: {  	[sflag:s28] =	ssyncset.done $0x0  }
0xcd: {  	[sflag:s28] =	ssyncadd.s32 $0xFFFFEC00  }
0xce: {  	p0 =	sne.s32 s1, $0x4C9;
	_ =	swait.ge [sflag:s29], $0x28  }
.Ltmp0:
0xcf: {  	[sflag:s29] =	ssyncset.done $0x0;
	(pc) =	sbr.rel @p0 .LBB2_2-.Ltmp0, $4  }
0xd0: {  	[sflag:s29] =	ssyncadd.s32 $0xFFFFFFD8  }
0xd1: {  	[spmem:s2] =	stream.indirect.scatter.add.f32 [tilespmem:s26], [sflag:$0x4], $0x80, s20, s22, $0xb8;
	[tilespmem:$0x1A900] =	vst v63  }
0xd2: {  	s5 =	smov.u32 s1;
	s1 =	sadd.s32 $0x19, s1;
	_ =	swait.ge [sflag:s10], $0x1400  }
0xd3: {  	s31 =	smov.u32 s5;
	s0 =	rddreg [dreg:$0x9];
	[sflag:s10] =	ssyncset.done $0x0  }
0xd4: {  	s1 =	rddreg [dreg:$0x8];
	[sflag:s10] =	ssyncadd.s32 $0xFFFFEC00;
	s0 =	sadd.s32 s31, s0  }
0xd5: {  	[tilespmem:s11], [sflag:$0x2] =	stream.linear.gather [hbm4b:s0+s3], $0x28, $0x38;
	[tilespmem:$0x1A900] =	vst v63  }
0xd6: {  	s8 =	rddreg [dreg:$0x7];
	s1 =	sadd.s32 s31, s1  }
0xd7: {  	[tilespmem:s12], [sflag:$0x2] =	stream.linear.gather [hbm4b:s1+s3], $0x28, $0x38;
	[tilespmem:$0x1A900] =	vst v63  }
0xd8: {  	s5 =	rddreg [dreg:$0x6];
	s0 =	sadd.s32 s31, s8  }
0xd9: {  	[tilespmem:s13], [sflag:$0x2] =	stream.linear.gather [hbm4b:s0+s3], $0x28, $0x38;
	[tilespmem:$0x1A900] =	vst v63  }
0xda: {  	s7 =	rddreg [dreg:$0x4];
	s1 =	sadd.s32 s31, s5  }
0xdb: {  	[tilespmem:s14], [sflag:$0x2] =	stream.linear.gather [hbm4b:s1+s3], $0x28, $0x38;
	[tilespmem:$0x1A900] =	vst v63  }
0xdc: {  	s8 =	rddreg [dreg:$0x5];
	s0 =	sadd.s32 s31, s7  }
0xdd: {  	[tilespmem:s15], [sflag:$0x2] =	stream.linear.gather [hbm4b:s0+s3], $0x28, $0x38;
	[tilespmem:$0x1A900] =	vst v63  }
0xde: {  	s31 =	sadd.s32 s31, s8  }
0xdf: {  	[tilespmem:s16], [sflag:$0x3] =	stream.linear.gather [hbm4b:s31+s3], $0x28, $0x38;
	[tilespmem:$0x1A900] =	vst v63  }
0xe0: {  	s1 =	sadd.s32 $0x5, s31  }
0xe1: {  	[tilespmem:s17], [sflag:$0x3] =	stream.linear.gather [hbm4b:s1+s3], $0x28, $0x38;
	[tilespmem:$0x1A900] =	vst v63  }
0xe2: {  	s5 =	sadd.s32 $0xA, s31  }
0xe3: {  	[tilespmem:s18], [sflag:$0x3] =	stream.linear.gather [hbm4b:s5+s3], $0x28, $0x38;
	[tilespmem:$0x1A900] =	vst v63  }
0xe4: {  	s7 =	sadd.s32 $0xF, s31  }
0xe5: {  	[tilespmem:s19], [sflag:$0x3] =	stream.linear.gather [hbm4b:s7+s3], $0x28, $0x38;
	[tilespmem:$0x1A900] =	vst v63  }
0xe6: {  	s0 =	sadd.s32 $0x14, s31  }
0xe7: {  	[tilespmem:s20], [sflag:$0x3] =	stream.linear.gather [hbm4b:s0+s3], $0x28, $0x38;
	[tilespmem:$0x1A900] =	vst v63  }
0xe8: {  	_ =	swait.ge [sflag:s21], $0x28  }
0xe9: {  	[sflag:s21] =	ssyncset.done $0x0  }
0xea: {  	[sflag:s21] =	ssyncadd.s32 $0xFFFFFFD8  }
0xeb: {  	[tilespmem:s3], [sflag:$0x1] =	stream.indirect.gather [hbm4b:s4+s22], $0x80, s11, s22, $0xb8;
	[tilespmem:$0x1A900] =	vst v63  }
0xec: {  	_ =	swait.ge [sflag:s21], $0x28  }
0xed: {  	[sflag:s21] =	ssyncset.done $0x0  }
0xee: {  	[sflag:s21] =	ssyncadd.s32 $0xFFFFFFD8  }
0xef: {  	[tilespmem:s23], [sflag:$0x1] =	stream.indirect.gather [hbm4b:s4+s22], $0x80, s12, s22, $0xb8;
	[tilespmem:$0x1A900] =	vst v63  }
0xf0: {  	_ =	swait.ge [sflag:s21], $0x28  }
0xf1: {  	[sflag:s21] =	ssyncset.done $0x0  }
0xf2: {  	[sflag:s21] =	ssyncadd.s32 $0xFFFFFFD8  }
0xf3: {  	[tilespmem:s24], [sflag:$0x1] =	stream.indirect.gather [hbm4b:s4+s22], $0x80, s13, s22, $0xb8;
	[tilespmem:$0x1A900] =	vst v63  }
0xf4: {  	_ =	swait.ge [sflag:s21], $0x28  }
0xf5: {  	[sflag:s21] =	ssyncset.done $0x0  }
0xf6: {  	[sflag:s21] =	ssyncadd.s32 $0xFFFFFFD8  }
0xf7: {  	[tilespmem:s25], [sflag:$0x1] =	stream.indirect.gather [hbm4b:s4+s22], $0x80, s14, s22, $0xb8;
	[tilespmem:$0x1A900] =	vst v63  }
0xf8: {  	_ =	swait.ge [sflag:s21], $0x28  }
0xf9: {  	[sflag:s21] =	ssyncset.done $0x0  }
0xfa: {  	[sflag:s21] =	ssyncadd.s32 $0xFFFFFFD8  }
0xfb: {  	[tilespmem:s26], [sflag:$0x1] =	stream.indirect.gather [hbm4b:s4+s22], $0x80, s15, s22, $0xb8;
	[tilespmem:$0x1A900] =	vst v63  }
0xfc: {  	_ =	swait.ge [sflag:s28], $0x1400  }
0xfd: {  	[sflag:s28] =	ssyncset.done $0x0  }
0xfe: {  	[sflag:s28] =	ssyncadd.s32 $0xFFFFEC00  }
0xff: {  	_ =	swait.ge [sflag:s29], $0x28  }
0x100: {  	[sflag:s29] =	ssyncset.done $0x0  }
0x101: {  	[sflag:s29] =	ssyncadd.s32 $0xFFFFFFD8  }
0x102: {  	[spmem:s2] =	stream.indirect.scatter.add.f32 [tilespmem:s3], [sflag:$0x4], $0x80, s16, s22, $0xb8;
	[tilespmem:$0x1A900] =	vst v63  }
0x103: {  	_ =	swait.ge [sflag:s10], $0x1400  }
0x104: {  	[sflag:s10] =	ssyncset.done $0x0  }
0x105: {  	[sflag:s10] =	ssyncadd.s32 $0xFFFFEC00  }
0x106: {  	_ =	swait.ge [sflag:s28], $0x1400  }
0x107: {  	[sflag:s28] =	ssyncset.done $0x0  }
0x108: {  	[sflag:s28] =	ssyncadd.s32 $0xFFFFEC00  }
0x109: {  	_ =	swait.ge [sflag:s29], $0x28  }
0x10a: {  	[sflag:s29] =	ssyncset.done $0x0  }
0x10b: {  	[sflag:s29] =	ssyncadd.s32 $0xFFFFFFD8  }
0x10c: {  	[spmem:s2] =	stream.indirect.scatter.add.f32 [tilespmem:s23], [sflag:$0x4], $0x80, s17, s22, $0xb8;
	[tilespmem:$0x1A900] =	vst v63  }
0x10d: {  	_ =	swait.ge [sflag:s10], $0x1400  }
0x10e: {  	[sflag:s10] =	ssyncset.done $0x0  }
0x10f: {  	[sflag:s10] =	ssyncadd.s32 $0xFFFFEC00  }
0x110: {  	_ =	swait.ge [sflag:s28], $0x1400  }
0x111: {  	[sflag:s28] =	ssyncset.done $0x0  }
0x112: {  	[sflag:s28] =	ssyncadd.s32 $0xFFFFEC00  }
0x113: {  	_ =	swait.ge [sflag:s29], $0x28  }
0x114: {  	[sflag:s29] =	ssyncset.done $0x0  }
0x115: {  	[sflag:s29] =	ssyncadd.s32 $0xFFFFFFD8  }
0x116: {  	[spmem:s2] =	stream.indirect.scatter.add.f32 [tilespmem:s24], [sflag:$0x4], $0x80, s18, s22, $0xb8;
	[tilespmem:$0x1A900] =	vst v63  }
0x117: {  	_ =	swait.ge [sflag:s10], $0x1400  }
0x118: {  	[sflag:s10] =	ssyncset.done $0x0  }
0x119: {  	[sflag:s10] =	ssyncadd.s32 $0xFFFFEC00  }
0x11a: {  	_ =	swait.ge [sflag:s28], $0x1400  }
0x11b: {  	[sflag:s28] =	ssyncset.done $0x0  }
0x11c: {  	[sflag:s28] =	ssyncadd.s32 $0xFFFFEC00  }
0x11d: {  	_ =	swait.ge [sflag:s29], $0x28  }
0x11e: {  	[sflag:s29] =	ssyncset.done $0x0  }
0x11f: {  	[sflag:s29] =	ssyncadd.s32 $0xFFFFFFD8  }
0x120: {  	[spmem:s2] =	stream.indirect.scatter.add.f32 [tilespmem:s25], [sflag:$0x4], $0x80, s19, s22, $0xb8;
	[tilespmem:$0x1A900] =	vst v63  }
0x121: {  	_ =	swait.ge [sflag:s10], $0x1400  }
0x122: {  	[sflag:s10] =	ssyncset.done $0x0  }
0x123: {  	[sflag:s10] =	ssyncadd.s32 $0xFFFFEC00  }
0x124: {  	_ =	swait.ge [sflag:s28], $0x1400  }
0x125: {  	[sflag:s28] =	ssyncset.done $0x0  }
0x126: {  	[sflag:s28] =	ssyncadd.s32 $0xFFFFEC00  }
0x127: {  	_ =	swait.ge [sflag:s29], $0x28  }
0x128: {  	[sflag:s29] =	ssyncset.done $0x0  }
0x129: {  	[sflag:s29] =	ssyncadd.s32 $0xFFFFFFD8  }
0x12a: {  	[spmem:s2] =	stream.indirect.scatter.add.f32 [tilespmem:s26], [sflag:$0x4], $0x80, s20, s22, $0xb8;
	[tilespmem:$0x1A900] =	vst v63  }
0x12b: {  	_ =	swait.ge [sflag:s10], $0x1400  }
0x12c: {  	[sflag:s10] =	ssyncset.done $0x0  }
0x12d: {  	[sflag:s10] =	ssyncadd.s32 $0xFFFFEC00  }
0x12e: {  	[bflag:$0x0] =	sbarrier.arrive $0xFFFF  }
0x12f: {  	s8 =	rddreg [dreg:$0xb]  }
0x130: {  	[hbm:s8], [sflag:s6] =	dma.local [spmem:s9], $0x2800  }
0x131: {  	_ =	swait.ge [sflag:s10], $0x2800  }
0x132: {  	s30 =	sadd.s32 $0x1, s30;
	s31 =	rddreg [dreg:$0xc]  }
0x133: {  	p0 =	sne.s32 s30, s31  }
.Ltmp1:
0x134: {  	_ = 	snop;
	(pc) =	sbr.rel @p0 .LBB2_1-.Ltmp1, $3  }
0x135: {  	_ =	sdelay $0x1  }
0x136: {  	[sflag:s10] =	ssyncset.done $0x0  }
0x137: {  	[sflag:s10] =	ssyncadd.s32 $0xFFFFD800  }
0x138: {  	_ =	sfence.sel $0x180000  }
0x139: {  	[bflag:$0x0] =	sbarrier.arrive $0xFFFF  }
0x13a: {  	_ =	strace $0x9000004D  }
0x13b: {  	s0 =	stileid.u32;
	[bflag:$0x2] =	sbarrier.arrive $0xFFFF  }
0x13c: {  	p0 =	sne.s32 s0, $0x0;
	s0 =	rddreg [dreg:$0x3]  }
0x13d: {  	s0 =	sadd.s32 @!p0 $0x100000, s0  }
0x13e: {  	[sflag:s0] =	ssyncadd.tile.s32 @!p0 $0x1;
	_ =	shalt  }
.Lfunc_end2:
_tile_overlayer_lowered:
.L_overlay_start_2:
0x13f: {  	(tag) =	ssettag $0x2  }
0x140: {  	s0 =	rddreg [dreg:$0x0];
	s2 =	stileid.u32  }
0x141: {  	s1 =	rddreg [dreg:$0x1];
	p0 =	sne.s32 s2, $0x0  }
0x142: {  	s3 =	rddreg [dreg:$0x2];
	[bflag:$0x3] =	sbarrier.arrive $0xFFFF;
	s2 =	simm.s32 @!p0 $0x1C04  }
0x143: {  	[timem:s3], [sflag:s2] =	dma.local @!p0 [hbm:s0], s1  }
0x144: {  	s0 =	simm.s32 @!p0 $0x4  }
0x145: {  	_ =	swait.ge @!p0 [sflag:s0], s1  }
0x146: {  	s1 =	ssub.s32 @!p0 $0x0, s1;
	[sflag:s0] =	ssyncset.done @!p0 $0x0  }
0x147: {  	[sflag:s0] =	ssyncadd.s32 @!p0 s1  }
0x148: {  	[bflag:$0x3] =	sbarrier.arrive $0xFFFF  }
0x149: {  	_ =	shalt  }

// kernel: kernel.7.cloned.1.call-start
scs
__scs_entry_jumppad:
0x0: {  	(pc) =	sbr.rel $0x88, $3  }
0x1: {  	(tag) =	ssettag $0x0;
	lr =	simm.s32 $0x1  }
0x2: {  	[smem:$0x3F99] =	sst lr;
	_ =	strace $0xD0000000  }
0x3: {  	_ = 	snop  }
0x4: {  	_ = 	snop  }
0x5: {  	_ = 	snop  }
0x6: {  	_ = 	snop  }
0x7: {  	_ = 	snop  }
__scs_overlays_trampoline_lowered:
0x8: {  	[smem:$0x3FA8] =	sst s0  }
0x9: {  	[smem:$0x3FA9] =	sst s1  }
0xa: {  	[smem:$0x3FAA] =	sst s2  }
0xb: {  	[smem:$0x3FAB] =	sst s3  }
0xc: {  	[smem:$0x3FAC] =	sst s4  }
0xd: {  	[smem:$0x3FAD] =	sst s5  }
0xe: {  	[smem:$0x3FAE] =	sst s6  }
0xf: {  	[smem:$0x3FAF] =	sst s7  }
0x10: {  	[smem:$0x3FB0] =	sst s8  }
0x11: {  	[smem:$0x3FB1] =	sst s9;
	s0 =	simm.s32 @!p0 $0x0  }
0x12: {  	s1 =	sld [smem:$0x3F97];
	s0 =	simm.s32 @p0 $0x1  }
0x13: {  	[smem:$0x3FB2] =	sst s0;
	s0 =	simm.s32 @!p1 $0x0  }
0x14: {  	s2 =	sld [smem:$0x3F96];
	s0 =	simm.s32 @p1 $0x1  }
0x15: {  	[smem:$0x3FB3] =	sst s0;
	s0 =	simm.s32 @!p2 $0x0  }
0x16: {  	s3 =	sld [smem:$0x3FDB];
	s0 =	simm.s32 @p2 $0x1  }
0x17: {  	s4 =	simm.s32 $0x1BF5;
	[smem:$0x3FB5] =	sst s0  }
0x18: {  	s0 =	sld [smem:$0x3F98];
	_ =	swait.ge [sflag:s4], $0x0  }
0x19: {  	s7 =	sld [smem:$0x3F99]  }
0x1a: {  	s8 =	sadd.s32 $0xFFFFE003, lr  }
0x1b: {  	s9 =	sadd.s32 $0xFFFFFEF7, lr;
	s5 =	simm.s32 $0xFFFFFFFF;
	p2 =	slt.u32 s8, $0xFFFFF086  }
0x1c: {  	p1 =	slt.u32 s9, $0xF7A;
	s5 =	simm.s32 @!p2 $0x0  }
0x1d: {  	s5 =	simm.s32 @p1 $0x1;
	p0 =	seq.s32 s7, s2  }
0x1e: {  	s7 =	smul.u32 @!p0 $0xF7A, s2;
	p2 =	seq.s32 @!p0 s5, $0x0  }
0x1f: {  	s9 =	smul.u32 $0xF7A, s1;
	s8 =	simm.s32 @!p0 $0x1BF5;
	p2 =	por !p2, p0  }
0x20: {  	[sflag:s8] =	ssyncset.s32 @!p0 $0xFFFFF086;
	s6 =	sadd.s32 @!p0 s3, s7;
	s7 =	simm.s32 @!p0 $0x108  }
0x21: {  	s3 =	sadd.s32 s3, s9;
	s6 =	sadd.s32 @!p0 $0x88, s6;
	s7 =	simm.s32 @p2 $0x1082  }
0x22: {  	[simem:s7], [sflag:s8] =	dma.local @!p0 [hbm:s6], $0xF7A  }
0x23: {  	s9 =	sor.u32 $0xD0000000, s2;
	s6 =	simm.s32 $0x108;
	_ =	swait.ge @!p0 [sflag:s8], $0x0  }
0x24: {  	s3 =	sadd.s32 $0x88, s3;
	s6 =	simm.s32 @!p1 $0x1082;
	[sflag:s4] =	ssyncset.s32 $0xFFFFF086  }
0x25: {  	[simem:s6], [sflag:s4] =	dma.local [hbm:s3], $0xF7A  }
0x26: {  	[smem:$0x3F99] =	sst s1;
	(tag) =	ssettag s2;
	_ =	strace s9  }
0x27: {  	s1 =	sld [smem:$0x3FA9]  }
0x28: {  	s2 =	sld [smem:$0x3FAA]  }
0x29: {  	s4 =	sld [smem:$0x3FAC]  }
0x2a: {  	p0 =	seq.s32 s5, $0x0;
	s5 =	sld [smem:$0x3FAD]  }
0x2b: {  	s6 =	sld [smem:$0x3FAE]  }
0x2c: {  	s7 =	sld [smem:$0x3FAF]  }
0x2d: {  	s3 =	simm.s32 $0x108;
	s8 =	sld [smem:$0x3FB0]  }
0x2e: {  	s3 =	simm.s32 @!p0 $0x1082;
	s9 =	sld [smem:$0x3FB1]  }
0x2f: {  	lr =	sadd.s32 s0, s3;
	s0 =	sld [smem:$0x3FA8]  }
0x30: {  	s3 =	sld [smem:$0x3FAB]  }
0x31: {  	[smem:$0x3FB4] =	sst s10  }
0x32: {  	s10 =	sld [smem:$0x3FB2];
	_ =	sdelay $0x3  }
0x33: {  	p0 =	seq.s32 s10, $0x1;
	s10 =	sld [smem:$0x3FB4];
	_ =	sdelay $0x3  }
0x34: {  	[smem:$0x3FB4] =	sst s10  }
0x35: {  	s10 =	sld [smem:$0x3FB3];
	_ =	sdelay $0x3  }
0x36: {  	p1 =	seq.s32 s10, $0x1;
	s10 =	sld [smem:$0x3FB4];
	_ =	sdelay $0x3  }
0x37: {  	[smem:$0x3FB4] =	sst s10  }
0x38: {  	s10 =	sld [smem:$0x3FB5]  }
0x39: {  	_ = 	snop;
	(pc) =	sbr.ind lr, $3  }
0x3a: {  	_ = 	snop  }
0x3b: {  	_ = 	snop  }
0x3c: {  	p2 =	seq.s32 s10, $0x1;
	s10 =	sld [smem:$0x3FB4]  }
0x3d: {  	_ =	shalt  }
0x3e: {  	_ =	shalt  }
0x3f: {  	_ =	shalt  }
0x40: {  	_ =	shalt  }
0x41: {  	_ =	shalt  }
0x42: {  	_ =	shalt  }
0x43: {  	_ =	shalt  }
0x44: {  	_ =	shalt  }
0x45: {  	_ =	shalt  }
0x46: {  	_ =	shalt  }
0x47: {  	_ =	shalt  }
0x48: {  	_ =	shalt  }
0x49: {  	_ =	shalt  }
0x4a: {  	_ =	shalt  }
0x4b: {  	_ =	shalt  }
0x4c: {  	_ =	shalt  }
0x4d: {  	_ =	shalt  }
0x4e: {  	_ =	shalt  }
0x4f: {  	_ =	shalt  }
0x50: {  	_ =	shalt  }
0x51: {  	_ =	shalt  }
0x52: {  	_ =	shalt  }
0x53: {  	_ =	shalt  }
0x54: {  	_ =	shalt  }
0x55: {  	_ =	shalt  }
0x56: {  	_ =	shalt  }
0x57: {  	_ =	shalt  }
0x58: {  	_ =	shalt  }
0x59: {  	_ =	shalt  }
0x5a: {  	_ =	shalt  }
0x5b: {  	_ =	shalt  }
0x5c: {  	_ =	shalt  }
0x5d: {  	_ =	shalt  }
0x5e: {  	_ =	shalt  }
0x5f: {  	_ =	shalt  }
0x60: {  	_ =	shalt  }
0x61: {  	_ =	shalt  }
0x62: {  	_ =	shalt  }
0x63: {  	_ =	shalt  }
0x64: {  	_ =	shalt  }
0x65: {  	_ =	shalt  }
0x66: {  	_ =	shalt  }
0x67: {  	_ =	shalt  }
0x68: {  	_ =	shalt  }
0x69: {  	_ =	shalt  }
0x6a: {  	_ =	shalt  }
0x6b: {  	_ =	shalt  }
0x6c: {  	_ =	shalt  }
0x6d: {  	_ =	shalt  }
0x6e: {  	_ =	shalt  }
0x6f: {  	_ =	shalt  }
0x70: {  	_ =	shalt  }
0x71: {  	_ =	shalt  }
0x72: {  	_ =	shalt  }
0x73: {  	_ =	shalt  }
0x74: {  	_ =	shalt  }
0x75: {  	_ =	shalt  }
0x76: {  	_ =	shalt  }
0x77: {  	_ =	shalt  }
0x78: {  	_ =	shalt  }
0x79: {  	_ =	shalt  }
0x7a: {  	_ =	shalt  }
0x7b: {  	_ =	shalt  }
0x7c: {  	_ =	shalt  }
0x7d: {  	_ =	shalt  }
0x7e: {  	_ =	shalt  }
0x7f: {  	_ =	shalt  }
0x80: {  	_ =	shalt  }
0x81: {  	_ =	shalt  }
0x82: {  	_ =	shalt  }
0x83: {  	_ =	shalt  }
0x84: {  	_ =	shalt  }
0x85: {  	_ =	shalt  }
0x86: {  	_ =	shalt  }
0x87: {  	_ =	shalt  }
.Lfunc_end0:
.L_simem_size_0:
called_computation_lowered:
.L_overlay_start_0:
0x88: {  	s2 =	sld [smem:$0x3FD9]  }
0x89: {  	s3 =	sld [smem:$0x3FFE];
	_ =	sdelay $0x1  }
0x8a: {  	s1 =	srdreg.scid  }
0x8b: {  	s0 =	sand.u32 $0x1, s1  }
0x8c: {  	s17 =	sshll.u32 s0, $0xA;
	s2 =	sadd.s32 s3, s2  }
0x8d: {  	s2 =	sadd.s32 s2, s17  }
0x8e: {  	[smem:$0x3FC0] =	sst s2  }
0x8f: {  	_ = 	snop  }
0x90: {  	(tm) =	ssettm $0x1  }
0x91: {  	s18 =	sld [smem:$0x3FFB];
	_ =	sdelay $0x3  }
0x92: {  	_ =	strace s18  }
0x93: {  	s2 =	sld [smem:$0x3FFC];
	_ =	sdelay $0x3  }
0x94: {  	_ =	strace s2  }
0x95: {  	s2 =	sld [smem:$0x3FFD];
	_ =	sdelay $0x3  }
0x96: {  	_ =	strace s2  }
0x97: {  	_ =	strace $0x8FFFFFFF  }
0x98: {  	s19 =	sld [smem:$0x3FDB];
	_ =	sdelay $0x1  }
0x99: {  	s20 =	simm.s32 $_scs_section_size  }
0x9a: {  	s4 =	simm.s32 $_size__tile_overlayer_lowered;
	s5 =	simm.s32 $_tile_overlayer_lowered  }
0x9b: {  	s6 =	simm.s32 $0x1BFF;
	s21 =	sshll.u32 s5, $0x1;
	s3 =	sadd.s32 s20, s19  }
0x9c: {  	s22 =	simm.s32 $0x0;
	s4 =	sshll.u32 s4, $0x1;
	s5 =	sadd.s32 s21, s3  }
0x9d: {  	[timem:s22], [sflag:s6] =	dma.local [hbm:s5], s4  }
0x9e: {  	_ =	swait.ge [sflag:s6], s4  }
0x9f: {  	s4 =	ssub.s32 $0x0, s4;
	[sflag:s6] =	ssyncset.done $0x0  }
0xa0: {  	[sflag:s6] =	ssyncadd.s32 s4;
	_ =	sdelay $0x1  }
0xa1: {  	s23 =	simm.s32 $0x1B8B  }
0xa2: {  	_ =	swait.ge [sflag:s23], $0x1  }
0xa3: {  	[sflag:s23] =	ssyncset.done $0x0  }
0xa4: {  	[sflag:s23] =	ssyncadd.s32 $0xFFFFFFFF  }
0xa5: {  	s4 =	sld [smem:$0x0]  }
0xa6: {  	s5 =	sand.u32 $0xFFFFFFFE, s1  }
0xa7: {  	p0 =	sne.s32 s1, s5  }
0xa8: {  	s5 =	sshll.u32 @p0 s5, $0xE  }
0xa9: {  	s5 =	sadd.s32 @p0 $0x11B8D, s5;
	s6 =	sshll.u32 @p0 s4, $0x11  }
0xaa: {  	s5 =	sor.u32 @p0 s6, s5  }
0xab: {  	[sflag:s5] =	ssyncadd.remote.s32 @p0 $0x1;
	_ =	sdelay $0x1  }
0xac: {  	s5 =	simm.s32 @p0 $0x1B8D  }
0xad: {  	_ =	swait.eq @p0 [sflag:s5], $0x1  }
0xae: {  	[sflag:s5] =	ssyncadd.s32 @p0 $0xFFFFFFFF  }
0xaf: {  	s6 =	sshll.u32 @!p0 s1, $0xE  }
0xb0: {  	s6 =	sor.u32 @!p0 $0x4000, s6;
	s5 =	simm.s32 @!p0 $0x1B8D  }
0xb1: {  	s4 =	sshll.u32 @!p0 s4, $0x11;
	s6 =	sadd.s32 @!p0 $0x11B8D, s6;
	_ =	swait.eq @!p0 [sflag:s5], $0x1  }
0xb2: {  	s4 =	sor.u32 @!p0 s4, s6;
	[sflag:s5] =	ssyncadd.s32 @!p0 $0xFFFFFFFF  }
0xb3: {  	s25 =	simm.s32 $0x1B8E;
	s24 =	sld [smem:$0x3FFE];
	[sflag:s4] =	ssyncadd.remote.s32 @!p0 $0x1  }
0xb4: {  	s26 =	simm.s32 $execute0_lowered;
	[smem:$0x3FD2] =	sst s25  }
0xb5: {  	s5 =	sshll.u32 s26, $0x1;
	_ =	strace $0x80000049;
	[dreg:$0x1] =	wrdreg $0xFFFFFFFF  }
0xb6: {  	s28 =	simm.s32 $_size_execute0_lowered;
	s3 =	sadd.s32 s3, s5;
	[dreg:$0x0] =	wrdreg $0x0  }
0xb7: {  	s5 =	sshll.u32 s28, $0x1;
	[dreg:$0x2] =	wrdreg s3  }
0xb8: {  	[dreg:$0x3] =	wrdreg s5  }
0xb9: {  	[dreg:$0x4] =	wrdreg $0xC0  }
0xba: {  	_ =	task [dreg:s22], $0x5FFFF  }
0xbb: {  	[dreg:$0x1] =	wrdreg $0xFFFFFFFF  }
0xbc: {  	[dreg:$0x0] =	wrdreg $0x60  }
0xbd: {  	[dreg:$0x2] =	wrdreg s24  }
0xbe: {  	[dreg:$0x3] =	wrdreg $0x16800  }
0xbf: {  	[dreg:$0x4] =	wrdreg $0x9  }
0xc0: {  	_ =	task.clear_ibuf [dreg:s22], $0x5FFFF;
	_ =	strace $0x90000049  }
0xc1: {  	s29 =	simm.s32 $0x9;
	_ =	strace $0x8000004B  }
0xc2: {  	_ =	swait.ge [sflag:s29], $0x1  }
0xc3: {  	[sflag:s29] =	ssyncadd.s32 $0xFFFFFFFF  }
0xc4: {  	_ =	strace $0x9000004B  }
0xc5: {  	_ =	sfence  }
0xc6: {  	s30 =	sld [smem:$0x0];
	_ =	sdelay $0x2  }
0xc7: {  	s31 =	sshll.u32 s1, $0xD;
	s1 =	sshrl.u32 s1, $0x2  }
0xc8: {  	s4 =	sand.u32 $0x4000, s31;
	s1 =	sadd.s32 s1, s30  }
0xc9: {  	s0 =	sor.u32 s4, s0;
	s1 =	sshll.u32 s1, $0x11  }
0xca: {  	s0 =	sor.u32 s1, s0  }
0xcb: {  	s0 =	sadd.s32 $0x8F2B, s0  }
0xcc: {  	[sflag:s0] =	ssyncadd.remote.s32 $0x1  }
0xcd: {  	_ =	sfence.sel $0xFFFF  }
0xce: {  	[dreg:$0x0] =	wrdreg $0xFFFFFFFF;
	(pc) =	sbr.abs _section_cstart, $3  }
0xcf: {  	[dreg:$0x1] =	wrdreg $0xFFFFFFFF  }
0xd0: {  	_ =	task.clear_ibuf [dreg:s22], $0x2FFFF;
	_ =	strace $0x9FFFFFFF  }
0xd1: {  	(tm) =	ssettm $0x7FFFFFFF  }
tec
execute0_lowered:
.L_overlay_start_1:
0x0: {  	(tag) =	ssettag $0x1  }
0x1: {  	s6 =	rddreg [dreg:$0x0]  }
0x2: {  	s2 =	rddreg [dreg:$0x1]  }
0x3: {  	s0 =	rddreg [dreg:$0x2];
	s3 =	simm.s32 $0x0;
	s4 =	srdreg.scid  }
0x4: {  	s1 =	stileid.u32;
	s17 =	simm.s32 $0x1480;
	s18 =	simm.s32 $0x1500  }
0x5: {  	s19 =	simm.s32 $0x1580;
	s20 =	simm.s32 $0x1600;
	s21 =	simm.s32 $0x1  }
0x6: {  	s22 =	simm.s32 $0x28;
	s23 =	simm.s32 $0x0;
	s8 =	smul.u32 $0x2800, s1  }
0x7: {  	[smem:$0x7FF] =	sst s3;
	s7 =	sand.u32 $0x1, s4;
	s10 =	smul.u32 $0x50000, s1  }
0x8: {  	s13 =	sadd.s32 $0x2800, s6;
	s4 =	sadd.s32 $0x57800, s6;
	s12 =	smul.u32 $0x1388, s1  }
0x9: {  	s5 =	sadd.s32 $0xAA000, s6;
	s26 =	sshll.u32 s1, $0x6;
	s9 =	smul.u32 $0x28000, s7  }
0xa: {  	_ =	strace $0x8000004A;
	s11 =	ssub.s32 $0x2, s7;
	s7 =	smul.u32 $0x13880, s7  }
0xb: {  	s24 =	sshrl.u32 s11, $0x1;
	s25 =	sshrl.u32 s10, $0x2;
	s8 =	sadd.s32 s8, s9  }
0xc: {  	s9 =	ssub.s32 s11, s24;
	s14 =	sadd.s32 s25, s2;
	s12 =	sadd.s32 s12, s7  }
0xd: {  	s8 =	sadd.s32 s8, s6;
	s6 =	sor.u32 $0x1C02, s26;
	s28 =	sadd.s32 $0xA0, s12  }
0xe: {  	s30 =	sadd.s32 $0x78, s12;
	s31 =	sadd.s32 $0x50, s12;
	s15 =	sadd.s32 $0x28, s12  }
0xf: {  	s16 =	sshrl.u32 s12, $0x3;
	s14 =	sshrl.u32 s14, $0x3;
	s7 =	sadd.s32 $0xAA400, s8  }
0x10: {  	s8 =	smax.u32 s9, $0x1;
	s29 =	sshrl.u32 s28, $0x3;
	s10 =	sshrl.u32 s30, $0x3  }
0x11: {  	s11 =	sshrl.u32 s31, $0x3;
	s15 =	sshrl.u32 s15, $0x3;
	s9 =	sadd.s32 s29, s13  }
0x12: {  	s10 =	sadd.s32 s10, s13;
	s11 =	sadd.s32 s11, s13;
	s12 =	sadd.s32 s15, s13  }
0x13: {  	s13 =	sadd.s32 s16, s13;
	s15 =	simm.s32 $0x2;
	s16 =	simm.s32 $0x1400  }
.LBB2_1:
0x14: {  	[spmem:s14], [sflag:s6] =	dma.local [hbm:s4], $0x2800  }
0x15: {  	_ =	swait.ge [sflag:s15], $0x2800  }
0x16: {  	[sflag:s15] =	ssyncset.done $0x0  }
0x17: {  	[sflag:s15] =	ssyncadd.s32 $0xFFFFD800  }
0x18: {  	[tilespmem:s3], [sflag:$0x2] =	stream.linear.gather [hbm4b:s5+s3], $0x1400, $0x38;
	[tilespmem:$0x15680] =	vst v63  }
0x19: {  	_ =	swait.ge [sflag:s15], $0x1400  }
0x1a: {  	[sflag:s15] =	ssyncset.done $0x0  }
0x1b: {  	[sflag:s15] =	ssyncadd.s32 $0xFFFFEC00  }
0x1c: {  	s24 =	sadd.s32 $0x0, s13;
	[bflag:$0x0] =	sbarrier.arrive $0xFFFF  }
0x1d: {  	[tilespmem:s16], [sflag:$0x1] =	stream.linear.gather [hbm4b:s24+s3], $0x28, $0x38;
	[tilespmem:$0x15680] =	vst v63  }
0x1e: {  	s28 =	sadd.s32 $0x0, s12  }
0x1f: {  	[tilespmem:s17], [sflag:$0x1] =	stream.linear.gather [hbm4b:s28+s3], $0x28, $0x38;
	[tilespmem:$0x15680] =	vst v63  }
0x20: {  	s29 =	sadd.s32 $0x0, s11  }
0x21: {  	[tilespmem:s18], [sflag:$0x1] =	stream.linear.gather [hbm4b:s29+s3], $0x28, $0x38;
	[tilespmem:$0x15680] =	vst v63  }
0x22: {  	s30 =	sadd.s32 $0x0, s10  }
0x23: {  	[tilespmem:s19], [sflag:$0x1] =	stream.linear.gather [hbm4b:s30+s3], $0x28, $0x38;
	[tilespmem:$0x15680] =	vst v63  }
0x24: {  	s31 =	sadd.s32 $0x0, s9  }
0x25: {  	[tilespmem:s20], [sflag:$0x1] =	stream.linear.gather [hbm4b:s31+s3], $0x28, $0x38;
	[tilespmem:$0x15680] =	vst v63  }
0x26: {  	_ =	swait.ge [sflag:s21], $0x28  }
0x27: {  	[sflag:s21] =	ssyncset.done $0x0  }
0x28: {  	[sflag:s21] =	ssyncadd.s32 $0xFFFFFFD8  }
0x29: {  	[spmem:s2] =	stream.indirect.scatter.add.f32 [tilespmem:s3], [sflag:$0x2], $0x80, s16, s22, $0xb8;
	[tilespmem:$0x15680] =	vst v63  }
0x2a: {  	_ =	swait.ge [sflag:s15], $0x1400  }
0x2b: {  	[sflag:s15] =	ssyncset.done $0x0  }
0x2c: {  	[sflag:s15] =	ssyncadd.s32 $0xFFFFEC00  }
0x2d: {  	_ =	swait.ge [sflag:s21], $0x28  }
0x2e: {  	[sflag:s21] =	ssyncset.done $0x0  }
0x2f: {  	[sflag:s21] =	ssyncadd.s32 $0xFFFFFFD8  }
0x30: {  	[spmem:s2] =	stream.indirect.scatter.add.f32 [tilespmem:s3], [sflag:$0x2], $0x80, s17, s22, $0xb8;
	[tilespmem:$0x15680] =	vst v63  }
0x31: {  	_ =	swait.ge [sflag:s15], $0x1400  }
0x32: {  	[sflag:s15] =	ssyncset.done $0x0  }
0x33: {  	[sflag:s15] =	ssyncadd.s32 $0xFFFFEC00  }
0x34: {  	_ =	swait.ge [sflag:s21], $0x28  }
0x35: {  	[sflag:s21] =	ssyncset.done $0x0  }
0x36: {  	[sflag:s21] =	ssyncadd.s32 $0xFFFFFFD8  }
0x37: {  	[spmem:s2] =	stream.indirect.scatter.add.f32 [tilespmem:s3], [sflag:$0x2], $0x80, s18, s22, $0xb8;
	[tilespmem:$0x15680] =	vst v63  }
0x38: {  	_ =	swait.ge [sflag:s15], $0x1400  }
0x39: {  	[sflag:s15] =	ssyncset.done $0x0  }
0x3a: {  	[sflag:s15] =	ssyncadd.s32 $0xFFFFEC00  }
0x3b: {  	_ =	swait.ge [sflag:s21], $0x28  }
0x3c: {  	[sflag:s21] =	ssyncset.done $0x0  }
0x3d: {  	[sflag:s21] =	ssyncadd.s32 $0xFFFFFFD8  }
0x3e: {  	[spmem:s2] =	stream.indirect.scatter.add.f32 [tilespmem:s3], [sflag:$0x2], $0x80, s19, s22, $0xb8;
	[tilespmem:$0x15680] =	vst v63  }
0x3f: {  	_ =	swait.ge [sflag:s15], $0x1400  }
0x40: {  	[sflag:s15] =	ssyncset.done $0x0  }
0x41: {  	[sflag:s15] =	ssyncadd.s32 $0xFFFFEC00  }
0x42: {  	_ =	swait.ge [sflag:s21], $0x28  }
0x43: {  	[sflag:s21] =	ssyncset.done $0x0  }
0x44: {  	[sflag:s21] =	ssyncadd.s32 $0xFFFFFFD8  }
0x45: {  	[spmem:s2] =	stream.indirect.scatter.add.f32 [tilespmem:s3], [sflag:$0x2], $0x80, s20, s22, $0xb8;
	[tilespmem:$0x15680] =	vst v63  }
0x46: {  	_ =	swait.ge [sflag:s15], $0x1400  }
0x47: {  	s26 =	simm.s32 $0x32;
	s24 =	simm.s32 $0x19;
	[sflag:s15] =	ssyncset.done $0x0  }
.LBB2_2:
0x48: {  	s28 =	sadd.s32 s24, s13  }
0x49: {  	[sflag:s15] =	ssyncadd.s32 $0xFFFFEC00;
	s29 =	smov.u32 s26;
	s25 =	sadd.s32 $0x19, s26  }
0x4a: {  	[tilespmem:s16], [sflag:$0x1] =	stream.linear.gather [hbm4b:s28+s3], $0x28, $0x38;
	[tilespmem:$0x15680] =	vst v63  }
0x4b: {  	p0 =	sne.s32 s26, $0x258;
	s26 =	sadd.s32 s24, s12  }
0x4c: {  	[tilespmem:s17], [sflag:$0x1] =	stream.linear.gather [hbm4b:s26+s3], $0x28, $0x38;
	[tilespmem:$0x15680] =	vst v63  }
0x4d: {  	s26 =	sadd.s32 s24, s11  }
0x4e: {  	[tilespmem:s18], [sflag:$0x1] =	stream.linear.gather [hbm4b:s26+s3], $0x28, $0x38;
	[tilespmem:$0x15680] =	vst v63  }
0x4f: {  	s26 =	sadd.s32 s24, s10  }
0x50: {  	[tilespmem:s19], [sflag:$0x1] =	stream.linear.gather [hbm4b:s26+s3], $0x28, $0x38;
	[tilespmem:$0x15680] =	vst v63  }
0x51: {  	s26 =	sadd.s32 s24, s9;
	s24 =	smov.u32 s29  }
0x52: {  	[tilespmem:s20], [sflag:$0x1] =	stream.linear.gather [hbm4b:s26+s3], $0x28, $0x38;
	[tilespmem:$0x15680] =	vst v63  }
0x53: {  	_ =	swait.ge [sflag:s21], $0x28  }
0x54: {  	[sflag:s21] =	ssyncset.done $0x0  }
0x55: {  	[sflag:s21] =	ssyncadd.s32 $0xFFFFFFD8  }
0x56: {  	[spmem:s2] =	stream.indirect.scatter.add.f32 [tilespmem:s3], [sflag:$0x2], $0x80, s16, s22, $0xb8;
	[tilespmem:$0x15680] =	vst v63  }
0x57: {  	_ =	swait.ge [sflag:s15], $0x1400  }
0x58: {  	[sflag:s15] =	ssyncset.done $0x0  }
0x59: {  	[sflag:s15] =	ssyncadd.s32 $0xFFFFEC00  }
0x5a: {  	_ =	swait.ge [sflag:s21], $0x28  }
0x5b: {  	[sflag:s21] =	ssyncset.done $0x0  }
0x5c: {  	[sflag:s21] =	ssyncadd.s32 $0xFFFFFFD8  }
0x5d: {  	[spmem:s2] =	stream.indirect.scatter.add.f32 [tilespmem:s3], [sflag:$0x2], $0x80, s17, s22, $0xb8;
	[tilespmem:$0x15680] =	vst v63  }
0x5e: {  	_ =	swait.ge [sflag:s15], $0x1400  }
0x5f: {  	[sflag:s15] =	ssyncset.done $0x0  }
0x60: {  	[sflag:s15] =	ssyncadd.s32 $0xFFFFEC00  }
0x61: {  	_ =	swait.ge [sflag:s21], $0x28  }
0x62: {  	[sflag:s21] =	ssyncset.done $0x0  }
0x63: {  	[sflag:s21] =	ssyncadd.s32 $0xFFFFFFD8  }
0x64: {  	[spmem:s2] =	stream.indirect.scatter.add.f32 [tilespmem:s3], [sflag:$0x2], $0x80, s18, s22, $0xb8;
	[tilespmem:$0x15680] =	vst v63  }
0x65: {  	_ =	swait.ge [sflag:s15], $0x1400  }
0x66: {  	[sflag:s15] =	ssyncset.done $0x0  }
0x67: {  	[sflag:s15] =	ssyncadd.s32 $0xFFFFEC00  }
0x68: {  	_ =	swait.ge [sflag:s21], $0x28  }
0x69: {  	[sflag:s21] =	ssyncset.done $0x0  }
0x6a: {  	[sflag:s21] =	ssyncadd.s32 $0xFFFFFFD8  }
0x6b: {  	[spmem:s2] =	stream.indirect.scatter.add.f32 [tilespmem:s3], [sflag:$0x2], $0x80, s19, s22, $0xb8;
	[tilespmem:$0x15680] =	vst v63  }
0x6c: {  	_ =	swait.ge [sflag:s15], $0x1400  }
0x6d: {  	[sflag:s15] =	ssyncset.done $0x0  }
0x6e: {  	[sflag:s15] =	ssyncadd.s32 $0xFFFFEC00  }
0x6f: {  	_ =	swait.ge [sflag:s21], $0x28  }
.Ltmp0:
0x70: {  	[sflag:s21] =	ssyncset.done $0x0;
	(pc) =	sbr.rel @p0 .LBB2_2-.Ltmp0, $4  }
0x71: {  	[sflag:s21] =	ssyncadd.s32 $0xFFFFFFD8  }
0x72: {  	[spmem:s2] =	stream.indirect.scatter.add.f32 [tilespmem:s3], [sflag:$0x2], $0x80, s20, s22, $0xb8;
	[tilespmem:$0x15680] =	vst v63  }
0x73: {  	_ =	swait.ge [sflag:s15], $0x1400  }
0x74: {  	s26 =	smov.u32 s25;
	[sflag:s15] =	ssyncset.done $0x0  }
0x75: {  	s25 =	sadd.s32 s24, s13;
	[sflag:s15] =	ssyncadd.s32 $0xFFFFEC00  }
0x76: {  	[tilespmem:s16], [sflag:$0x1] =	stream.linear.gather [hbm4b:s25+s3], $0x28, $0x38;
	[tilespmem:$0x15680] =	vst v63  }
0x77: {  	s28 =	sadd.s32 s24, s12  }
0x78: {  	[tilespmem:s17], [sflag:$0x1] =	stream.linear.gather [hbm4b:s28+s3], $0x28, $0x38;
	[tilespmem:$0x15680] =	vst v63  }
0x79: {  	s29 =	sadd.s32 s24, s11  }
0x7a: {  	[tilespmem:s18], [sflag:$0x1] =	stream.linear.gather [hbm4b:s29+s3], $0x28, $0x38;
	[tilespmem:$0x15680] =	vst v63  }
0x7b: {  	s30 =	sadd.s32 s24, s10  }
0x7c: {  	[tilespmem:s19], [sflag:$0x1] =	stream.linear.gather [hbm4b:s30+s3], $0x28, $0x38;
	[tilespmem:$0x15680] =	vst v63  }
0x7d: {  	s31 =	sadd.s32 s24, s9  }
0x7e: {  	[tilespmem:s20], [sflag:$0x1] =	stream.linear.gather [hbm4b:s31+s3], $0x28, $0x38;
	[tilespmem:$0x15680] =	vst v63  }
0x7f: {  	_ =	swait.ge [sflag:s21], $0x28  }
0x80: {  	[sflag:s21] =	ssyncset.done $0x0  }
0x81: {  	[sflag:s21] =	ssyncadd.s32 $0xFFFFFFD8  }
0x82: {  	[spmem:s2] =	stream.indirect.scatter.add.f32 [tilespmem:s3], [sflag:$0x2], $0x80, s16, s22, $0xb8;
	[tilespmem:$0x15680] =	vst v63  }
0x83: {  	_ =	swait.ge [sflag:s15], $0x1400  }
0x84: {  	[sflag:s15] =	ssyncset.done $0x0  }
0x85: {  	[sflag:s15] =	ssyncadd.s32 $0xFFFFEC00  }
0x86: {  	_ =	swait.ge [sflag:s21], $0x28  }
0x87: {  	[sflag:s21] =	ssyncset.done $0x0  }
0x88: {  	[sflag:s21] =	ssyncadd.s32 $0xFFFFFFD8  }
0x89: {  	[spmem:s2] =	stream.indirect.scatter.add.f32 [tilespmem:s3], [sflag:$0x2], $0x80, s17, s22, $0xb8;
	[tilespmem:$0x15680] =	vst v63  }
0x8a: {  	_ =	swait.ge [sflag:s15], $0x1400  }
0x8b: {  	[sflag:s15] =	ssyncset.done $0x0  }
0x8c: {  	[sflag:s15] =	ssyncadd.s32 $0xFFFFEC00  }
0x8d: {  	_ =	swait.ge [sflag:s21], $0x28  }
0x8e: {  	[sflag:s21] =	ssyncset.done $0x0  }
0x8f: {  	[sflag:s21] =	ssyncadd.s32 $0xFFFFFFD8  }
0x90: {  	[spmem:s2] =	stream.indirect.scatter.add.f32 [tilespmem:s3], [sflag:$0x2], $0x80, s18, s22, $0xb8;
	[tilespmem:$0x15680] =	vst v63  }
0x91: {  	_ =	swait.ge [sflag:s15], $0x1400  }
0x92: {  	[sflag:s15] =	ssyncset.done $0x0  }
0x93: {  	[sflag:s15] =	ssyncadd.s32 $0xFFFFEC00  }
0x94: {  	_ =	swait.ge [sflag:s21], $0x28  }
0x95: {  	[sflag:s21] =	ssyncset.done $0x0  }
0x96: {  	[sflag:s21] =	ssyncadd.s32 $0xFFFFFFD8  }
0x97: {  	[spmem:s2] =	stream.indirect.scatter.add.f32 [tilespmem:s3], [sflag:$0x2], $0x80, s19, s22, $0xb8;
	[tilespmem:$0x15680] =	vst v63  }
0x98: {  	_ =	swait.ge [sflag:s15], $0x1400  }
0x99: {  	[sflag:s15] =	ssyncset.done $0x0  }
0x9a: {  	[sflag:s15] =	ssyncadd.s32 $0xFFFFEC00  }
0x9b: {  	_ =	swait.ge [sflag:s21], $0x28  }
0x9c: {  	[sflag:s21] =	ssyncset.done $0x0  }
0x9d: {  	[sflag:s21] =	ssyncadd.s32 $0xFFFFFFD8  }
0x9e: {  	[spmem:s2] =	stream.indirect.scatter.add.f32 [tilespmem:s3], [sflag:$0x2], $0x80, s20, s22, $0xb8;
	[tilespmem:$0x15680] =	vst v63  }
0x9f: {  	_ =	swait.ge [sflag:s15], $0x1400  }
0xa0: {  	s23 =	sadd.s32 $0x1, s23;
	[sflag:s15] =	ssyncset.done $0x0  }
0xa1: {  	p0 =	sne.s32 s23, s8;
	[sflag:s15] =	ssyncadd.s32 $0xFFFFEC00  }
.Ltmp1:
0xa2: {  	[bflag:$0x0] =	sbarrier.arrive $0xFFFF;
	(pc) =	sbr.rel @p0 .LBB2_1-.Ltmp1, $4  }
0xa3: {  	[hbm:s7], [sflag:s6] =	dma.local [spmem:s14], $0x2800  }
0xa4: {  	_ =	swait.ge [sflag:s15], $0x2800  }
0xa5: {  	[sflag:s15] =	ssyncset.done $0x0  }
0xa6: {  	[sflag:s15] =	ssyncadd.s32 $0xFFFFD800  }
0xa7: {  	_ =	sfence.sel $0x180000  }
0xa8: {  	[bflag:$0x0] =	sbarrier.arrive $0xFFFF  }
0xa9: {  	p0 =	sne.s32 s1, $0x0;
	_ =	strace $0x9000004A  }
0xaa: {  	s0 =	sadd.s32 @!p0 $0x100000, s0;
	[bflag:$0x2] =	sbarrier.arrive $0xFFFF  }
0xab: {  	[sflag:s0] =	ssyncadd.tile.s32 @!p0 $0x1;
	_ =	shalt  }
.Lfunc_end2:
_tile_overlayer_lowered:
.L_overlay_start_2:
0xac: {  	(tag) =	ssettag $0x2  }
0xad: {  	s0 =	rddreg [dreg:$0x0];
	s2 =	stileid.u32  }
0xae: {  	s1 =	rddreg [dreg:$0x1];
	p0 =	sne.s32 s2, $0x0  }
0xaf: {  	s3 =	rddreg [dreg:$0x2];
	[bflag:$0x3] =	sbarrier.arrive $0xFFFF;
	s2 =	simm.s32 @!p0 $0x1C02  }
0xb0: {  	[timem:s3], [sflag:s2] =	dma.local @!p0 [hbm:s0], s1  }
0xb1: {  	s0 =	simm.s32 @!p0 $0x2  }
0xb2: {  	_ =	swait.ge @!p0 [sflag:s0], s1  }
0xb3: {  	s1 =	ssub.s32 @!p0 $0x0, s1;
	[sflag:s0] =	ssyncset.done @!p0 $0x0  }
0xb4: {  	[sflag:s0] =	ssyncadd.s32 @!p0 s1  }
0xb5: {  	[bflag:$0x3] =	sbarrier.arrive $0xFFFF  }
0xb6: {  	_ =	shalt  }

</sc_bundles>
